<compile_context>
chip_gen: v7x
topology: tpu7x:2x2x1
jax: 0.10.2.dev20260603
libtpu: 0.0.44.dev20260713+nightly
codegen_flags: <defaults>
</compile_context>

<pallas_src>
import functools

import jax
import jax.numpy as jnp
from jax import lax
from jax.experimental import pallas as pl
from jax.experimental.pallas import tpu as pltpu
from jax.experimental.pallas import tpu_sc as plsc

N = 10000
E = 320000
D_IN = 128
D_HID = 128
D_OUT = 64

NC = 2
NS = 16
NW = NC * NS
L = 16

PAD_N = 10240
RPN = PAD_N // NS
R8 = PAD_N // 128
EPW = 10240
PAD_E = EPW * NW
BR = 1024

_mesh = plsc.VectorSubcoreMesh(core_axis_name="c", subcore_axis_name="s",
                               num_cores=NC)



@functools.partial(
    pl.kernel, mesh=_mesh,
    compiler_params=pltpu.CompilerParams(needs_layout_passes=False),
    out_type=jax.ShapeDtypeStruct((NC * PAD_N,), jnp.float32),
    scratch_types=[
        pltpu.VMEM((EPW,), jnp.int32),
        pltpu.VMEM((PAD_N,), jnp.float32),
        pltpu.VMEM((NS * RPN,), jnp.float32),
        pltpu.VMEM((RPN,), jnp.float32),
        pltpu.VMEM_SHARED((NS * PAD_N,), jnp.float32),
    ],
)
def _deg(dst_hbm, out_hbm, dstv, hist, cbuf, res, shared):
    c = lax.axis_index("c")
    s = lax.axis_index("s")
    wid = c * NS + s
    pltpu.sync_copy(dst_hbm.at[pl.ds(wid * EPW, EPW)], dstv)
    zero16 = jnp.zeros((L,), jnp.float32)
    ones16 = jnp.ones((L,), jnp.float32)

    def zb(i, _):
        hist[pl.ds(i * L, L)] = zero16
        return _
    lax.fori_loop(0, PAD_N // L, zb, None)

    def eb(i, _):
        idx = dstv[pl.ds(i * L, L)]
        plsc.addupdate_scatter(hist, [idx], ones16)
        return _
    lax.fori_loop(0, EPW // L, eb, None)

    pltpu.sync_copy(hist, shared.at[pl.ds(s * PAD_N, PAD_N)])
    plsc.subcore_barrier()
    for r in range(NS):
        pltpu.sync_copy(shared.at[pl.ds(r * PAD_N + s * RPN, RPN)],
                        cbuf.at[pl.ds(r * RPN, RPN)])

    def cb(j, _):
        acc = jnp.zeros((L,), jnp.float32)
        for r in range(NS):
            acc = acc + cbuf[pl.ds(r * RPN + j * L, L)]
        res[pl.ds(j * L, L)] = acc
        return _
    lax.fori_loop(0, RPN // L, cb, None)
    pltpu.sync_copy(res, out_hbm.at[pl.ds(c * PAD_N + s * RPN, RPN)])


@functools.partial(
    pl.kernel, mesh=_mesh,
    compiler_params=pltpu.CompilerParams(needs_layout_passes=False),
    out_type=jax.ShapeDtypeStruct((NC * PAD_N,), jnp.float32),
    scratch_types=[
        pltpu.VMEM((EPW,), jnp.int32),
        pltpu.VMEM((EPW,), jnp.int32),
        pltpu.VMEM((PAD_N,), jnp.float32),
        pltpu.VMEM((PAD_N,), jnp.float32),
        pltpu.VMEM((NS * RPN,), jnp.float32),
        pltpu.VMEM((RPN,), jnp.float32),
        pltpu.VMEM_SHARED((NS * PAD_N,), jnp.float32),
    ],
)
def _cs(src_hbm, dst_hbm, dinv_hbm, out_hbm, srcv, dstv, dv, hist, cbuf, res,
        shared):
    c = lax.axis_index("c")
    s = lax.axis_index("s")
    wid = c * NS + s
    pltpu.sync_copy(src_hbm.at[pl.ds(wid * EPW, EPW)], srcv)
    pltpu.sync_copy(dst_hbm.at[pl.ds(wid * EPW, EPW)], dstv)
    pltpu.sync_copy(dinv_hbm, dv)
    zero16 = jnp.zeros((L,), jnp.float32)

    def zb(i, _):
        hist[pl.ds(i * L, L)] = zero16
        return _
    lax.fori_loop(0, PAD_N // L, zb, None)

    def eb(i, _):
        di = dstv[pl.ds(i * L, L)]
        si = srcv[pl.ds(i * L, L)]
        vals = plsc.load_gather(dv, [di])
        plsc.addupdate_scatter(hist, [si], vals)
        return _
    lax.fori_loop(0, EPW // L, eb, None)

    pltpu.sync_copy(hist, shared.at[pl.ds(s * PAD_N, PAD_N)])
    plsc.subcore_barrier()
    for r in range(NS):
        pltpu.sync_copy(shared.at[pl.ds(r * PAD_N + s * RPN, RPN)],
                        cbuf.at[pl.ds(r * RPN, RPN)])

    def cb(j, _):
        acc = jnp.zeros((L,), jnp.float32)
        for r in range(NS):
            acc = acc + cbuf[pl.ds(r * RPN + j * L, L)]
        res[pl.ds(j * L, L)] = acc
        return _
    lax.fori_loop(0, RPN // L, cb, None)
    pltpu.sync_copy(res, out_hbm.at[pl.ds(c * PAD_N + s * RPN, RPN)])


CA = 64
NCHA = EPW // CA
NSLOT = 4


@functools.partial(
    pl.kernel, mesh=_mesh,
    out_type=jax.ShapeDtypeStruct((NC, PAD_N, D_HID), jnp.float32),
    scratch_types=[
        pltpu.VMEM((EPW,), jnp.int32),
        [pltpu.VMEM((CA,), jnp.int32) for _ in range(NSLOT)],
        [pltpu.VMEM((CA, D_HID), jnp.float32) for _ in range(NSLOT)],
        pltpu.VMEM_SHARED((PAD_N, D_HID), jnp.float32),
        pltpu.SemaphoreType.DMA,
        pltpu.SemaphoreType.DMA,
        pltpu.SemaphoreType.DMA,
    ],
)
def _agg(src_hbm, dst_hbm, y_hbm, zeros_hbm, out_hbm, srcv, dbufs, rbufs,
         acc, isem, gsem, ssem):
    c = lax.axis_index("c")
    s = lax.axis_index("s")
    wid = c * NS + s
    base = wid * EPW
    pltpu.sync_copy(zeros_hbm, acc.at[pl.ds(s * RPN, RPN)])
    pltpu.sync_copy(src_hbm.at[pl.ds(base, EPW)], srcv)
    plsc.subcore_barrier()

    def drain_scatter(j):
        pltpu.make_async_copy(rbufs[j], acc.at[dbufs[j]], ssem).wait()

    def stage(ch, j):
        idesc = pltpu.async_copy(dst_hbm.at[pl.ds(base + ch * CA, CA)],
                                 dbufs[j], isem)
        gdesc = pltpu.async_copy(y_hbm.at[srcv.at[pl.ds(ch * CA, CA)]],
                                 rbufs[j], gsem)
        return idesc, gdesc

    def fire(descs, j):
        idesc, gdesc = descs
        idesc.wait()
        gdesc.wait()
        pltpu.async_copy(rbufs[j], acc.at[dbufs[j]], ssem, add=True)

    def body(u, _):
        @pl.when(u > 0)
        def _():
            for j in range(NSLOT):
                drain_scatter(j)
        descs = [stage(NSLOT * u + j, j) for j in range(NSLOT)]
        for j in range(NSLOT):
            fire(descs[j], j)
        return _
    lax.fori_loop(0, NCHA // NSLOT, body, None)
    for j in range(NSLOT):
        drain_scatter(j)
    plsc.subcore_barrier()

    pltpu.sync_copy(acc.at[pl.ds(s * RPN, RPN)],
                    out_hbm.at[c, pl.ds(s * RPN, RPN)])



def _dinv_body(deg_ref, o_ref):
    degsum = deg_ref[0] + deg_ref[1]
    row = lax.broadcasted_iota(jnp.int32, (R8, 128), 0)
    col = lax.broadcasted_iota(jnp.int32, (R8, 128), 1)
    flat = row * 128 + col
    o_ref[...] = jnp.where(flat < N, lax.rsqrt(degsum + 1.0), 0.0)


_dinv = pl.pallas_call(
    _dinv_body, out_shape=jax.ShapeDtypeStruct((R8, 128), jnp.float32))


def _mm_scale_body(x_ref, w_ref, dv_ref, o_ref):
    o_ref[...] = dv_ref[...] * jnp.dot(
        x_ref[...], w_ref[...], preferred_element_type=jnp.float32)


_mm_scale = pl.pallas_call(
    _mm_scale_body,
    grid=(PAD_N // BR,),
    in_specs=[
        pl.BlockSpec((BR, D_IN), lambda i: (i, 0)),
        pl.BlockSpec((D_IN, D_HID), lambda i: (0, 0)),
        pl.BlockSpec((BR, 1), lambda i: (i, 0)),
    ],
    out_specs=pl.BlockSpec((BR, D_HID), lambda i: (i, 0)),
    out_shape=jax.ShapeDtypeStruct((PAD_N, D_HID), jnp.float32),
)


def _combine_mm_body(p_ref, yp_ref, dv_ref, b_ref, w_ref, o_ref):
    agg = p_ref[0] + p_ref[1] + yp_ref[...]
    h = jnp.maximum(dv_ref[...] * agg + b_ref[...], 0.0)
    o_ref[...] = dv_ref[...] * jnp.dot(
        h, w_ref[...], preferred_element_type=jnp.float32)


_combine_mm = pl.pallas_call(
    _combine_mm_body,
    grid=(PAD_N // BR,),
    input_output_aliases={1: 0},
    in_specs=[
        pl.BlockSpec((NC, BR, D_HID), lambda i: (0, i, 0)),
        pl.BlockSpec((BR, D_HID), lambda i: (i, 0)),
        pl.BlockSpec((BR, 1), lambda i: (i, 0)),
        pl.BlockSpec((1, D_HID), lambda i: (0, 0)),
        pl.BlockSpec((D_HID, D_HID), lambda i: (0, 0)),
    ],
    out_specs=pl.BlockSpec((BR, D_HID), lambda i: (i, 0)),
    out_shape=jax.ShapeDtypeStruct((PAD_N, D_HID), jnp.float32),
)


def _final_body(q_ref, yp_ref, dv_ref, b_ref, cs_ref, w3_ref, b3_ref, o_ref):
    i = pl.program_id(0)
    agg = q_ref[0] + q_ref[1] + yp_ref[...]
    h2 = jnp.maximum(dv_ref[...] * agg + b_ref[...], 0.0)
    cvec = dv_ref[...] * (cs_ref[0] + cs_ref[1] + dv_ref[...])
    svec = jnp.sum(cvec * h2, axis=0, keepdims=True)
    part = jnp.dot(svec, w3_ref[...],
                   preferred_element_type=jnp.float32) * (1.0 / N)

    @pl.when(i == 0)
    def _():
        o_ref[...] = b3_ref[...]
    o_ref[...] += part


_final = pl.pallas_call(
    _final_body,
    grid=(PAD_N // BR,),
    in_specs=[
        pl.BlockSpec((NC, BR, D_HID), lambda i: (0, i, 0)),
        pl.BlockSpec((BR, D_HID), lambda i: (i, 0)),
        pl.BlockSpec((BR, 1), lambda i: (i, 0)),
        pl.BlockSpec((1, D_HID), lambda i: (0, 0)),
        pl.BlockSpec((NC, BR, 1), lambda i: (0, i, 0)),
        pl.BlockSpec((D_HID, D_OUT), lambda i: (0, 0)),
        pl.BlockSpec((1, D_OUT), lambda i: (0, 0)),
    ],
    out_specs=pl.BlockSpec((1, D_OUT), lambda i: (0, 0)),
    out_shape=jax.ShapeDtypeStruct((1, D_OUT), jnp.float32),
)


def kernel(x, edge_index, W1, b1, W2, b2, W3, b3):
    pad = PAD_E - E
    srcp = jnp.concatenate([edge_index[0], jnp.zeros((pad,), jnp.int32)])
    dstp = jnp.concatenate([edge_index[1], jnp.full((pad,), N, jnp.int32)])

    deg2 = _deg(dstp)
    dinv80 = _dinv(deg2.reshape(NC, R8, 128))
    dinv_flat = dinv80.reshape(PAD_N)
    dv = dinv_flat.reshape(PAD_N, 1)
    cs2 = _cs(srcp, dstp, dinv_flat)

    xp = jnp.concatenate([x, jnp.zeros((PAD_N - N, D_IN), x.dtype)])
    zrows = jnp.zeros((RPN, D_HID), jnp.float32)
    y1p = _mm_scale(xp, W1, dv)
    p = _agg(srcp, dstp, y1p, zrows)
    y2p = _combine_mm(p, y1p, dv, b1.reshape(1, D_HID), W2)
    q = _agg(srcp, dstp, y2p, zrows)
    return _final(q, y2p, dv, b2.reshape(1, D_HID),
                  cs2.reshape(NC, PAD_N, 1), W3, b3.reshape(1, D_OUT))

# --- scband reference (transcript-rebuilt; emitter-appended) ---
"""Pipeline reference for scband-gcnmodel-75634374083277 (READ-ONLY COPY).

The authoritative reference and input builder live on the scoring server;
editing this copy changes nothing except your own understanding.
"""

import jax, jax.numpy as jnp
import numpy as np

N = 10000
E = 320000
D_IN = 128
D_HID = 128
D_OUT = 64


def gcn_conv(x, src, dst, W, b, num_nodes):
    # PyG GCNConv: linear transform, then symmetric-normalized aggregation
    xw = x @ W
    deg = jnp.zeros((num_nodes,), dtype=x.dtype).at[dst].add(1.0)
    dinv = jnp.where(deg > 0, jax.lax.rsqrt(deg), 0.0)
    norm = (dinv[src] * dinv[dst])[:, None]
    msg = xw[src] * norm
    out = jnp.zeros((num_nodes, W.shape[1]), dtype=x.dtype).at[dst].add(msg)
    return out + b


def setup_inputs(seed: int = 0) -> dict:
    key = jax.random.key(seed)
    ks = jax.random.split(key, 8)
    x = jax.random.normal(ks[0], (N, D_IN), dtype=jnp.float32)
    edge_index = jax.random.randint(ks[1], (2, E), 0, N, dtype=jnp.int32)
    W1 = jax.random.normal(ks[2], (D_IN, D_HID), dtype=jnp.float32) * (1.0 / np.sqrt(D_IN))
    b1 = jnp.zeros((D_HID,), dtype=jnp.float32)
    W2 = jax.random.normal(ks[3], (D_HID, D_HID), dtype=jnp.float32) * (1.0 / np.sqrt(D_HID))
    b2 = jnp.zeros((D_HID,), dtype=jnp.float32)
    W3 = jax.random.normal(ks[4], (D_HID, D_OUT), dtype=jnp.float32) * (1.0 / np.sqrt(D_HID))
    b3 = jnp.zeros((D_OUT,), dtype=jnp.float32)
    return {"x": x, "edge_index": edge_index, "W1": W1, "b1": b1, "W2": W2, "b2": b2, "W3": W3, "b3": b3}


def reference(x, edge_index, W1, b1, W2, b2, W3, b3):
    # add self-loops (GCNConv default)
    loop = jnp.arange(N, dtype=edge_index.dtype)
    src = jnp.concatenate([edge_index[0], loop])
    dst = jnp.concatenate([edge_index[1], loop])
    h = jax.nn.relu(gcn_conv(x, src, dst, W1, b1, N))
    h = jax.nn.relu(gcn_conv(h, src, dst, W2, b2, N))
    z = gcn_conv(h, src, dst, W3, b3, N)
    # global_mean_pool with batch=None: mean over node dim, keepdim for 2D input
    return jnp.mean(z, axis=-2, keepdims=True)

if __name__ == "__main__":
    import jax
    _d = setup_inputs()
    print(jax.jit(kernel)(*tuple(_d.values())))

</pallas_src>

<mosaic_0001>
#map = affine_map<(d0, d1) -> (0)>
module attributes {stable_mosaic.version = 14 : i64} {
  func.func @_deg(%arg0: i32, %arg1: i32, %arg2: memref<327680xi32, #tpu.memory_space<hbm>>, %arg3: memref<20480xf32, #tpu.memory_space<hbm>>, %arg4: memref<10240xi32, #tpu.memory_space<vmem>>, %arg5: memref<10240xf32, #tpu.memory_space<vmem>>, %arg6: memref<10240xf32, #tpu.memory_space<vmem>>, %arg7: memref<640xf32, #tpu.memory_space<vmem>>, %arg8: memref<163840xf32, #tpu.memory_space<vmem_shared>>) attributes {dimension_semantics = [#tpu.dimension_semantics<core_parallel>, #tpu.dimension_semantics<subcore_parallel>], iteration_bounds = array<i64: 2, 16>, scalar_prefetch = 0 : i64, scratch_operands = 5 : i64, tpu.core_type = #tpu.core_type<sc_vector_subcore>, window_params = [{transform_indices = #map}, {transform_indices = #map}]} {
    %mul3A = arith.constant 16 : i32
    %mul3A_0 = arith.muli %arg0, %mul3A : i32
    %add3A = arith.addi %mul3A_0, %arg1 : i32
    %mul3A_1 = arith.constant 10240 : i32
    %mul3A_2 = arith.muli %add3A, %mul3A_1 : i32
    "tpu.region"() ({
      %run_scoped3A = tpu.sem_alloc : memref<!tpu.dma_semaphore, #tpu.memory_space<semaphore_mem>>
      %dma_start3A = tpu.memref_slice %arg2[%mul3A_2] : memref<327680xi32, #tpu.memory_space<hbm>> -> memref<10240xi32, #tpu.memory_space<hbm>>
      %dma_start3A_91 = tpu.memref_slice %arg2[%mul3A_2] : memref<327680xi32, #tpu.memory_space<hbm>> -> memref<10240xi32, #tpu.memory_space<hbm>>
      tpu.enqueue_dma source(%dma_start3A_91 : memref<10240xi32, #tpu.memory_space<hbm>>) target(%arg4 : memref<10240xi32, #tpu.memory_space<vmem>>) target_semaphore(%run_scoped3A : memref<!tpu.dma_semaphore, #tpu.memory_space<semaphore_mem>>)
      %dma_wait3A = tpu.memref_slice %arg2[%mul3A_2] : memref<327680xi32, #tpu.memory_space<hbm>> -> memref<10240xi32, #tpu.memory_space<hbm>>
      %dma_wait3A_92 = tpu.memref_slice %arg2[%mul3A_2] : memref<327680xi32, #tpu.memory_space<hbm>> -> memref<10240xi32, #tpu.memory_space<hbm>>
      tpu.wait_dma2 semaphore(%run_scoped3A : memref<!tpu.dma_semaphore, #tpu.memory_space<semaphore_mem>>) src(%dma_wait3A_92 : memref<10240xi32, #tpu.memory_space<hbm>>) dst(%arg4 : memref<10240xi32, #tpu.memory_space<vmem>>)
      tpu.yield
    }) : () -> ()
    %broadcast_in_dim3A = arith.constant 0.000000e+00 : f32
    %broadcast_in_dim3A_3 = vector.broadcast %broadcast_in_dim3A : f32 to vector<16xf32>
    %broadcast_in_dim3A_4 = arith.constant 1.000000e+00 : f32
    %broadcast_in_dim3A_5 = vector.broadcast %broadcast_in_dim3A_4 : f32 to vector<16xf32>
    %scan3A = arith.constant 0 : i32
    %scan3A_6 = arith.constant 640 : i32
    %scan3A_7 = arith.addi %scan3A, %scan3A_6 : i32
    %scan3A_8 = arith.constant 1 : i32
    scf.for %scan3A_91 = %scan3A to %scan3A_7 step %scan3A_8  : i32 {
      %mul3A_92 = arith.constant 16 : i32
      %mul3A_93 = arith.muli %scan3A_91, %mul3A_92 : i32
      %swap3A = arith.index_cast %mul3A_93 : i32 to index
      %swap3A_94 = tpu.vector_load %arg5[%swap3A] {strides = array<i32>} : memref<10240xf32, #tpu.memory_space<vmem>>, vector<16xf32>,
      tpu.vector_store %arg5[%swap3A], %broadcast_in_dim3A_3 {strides = array<i32>} : memref<10240xf32, #tpu.memory_space<vmem>>, vector<16xf32>,
    }
    %scan3A_9 = arith.constant 640 : i32
    %scan3A_10 = arith.constant 0 : i32
    %scan3A_11 = arith.constant 640 : i32
    %scan3A_12 = arith.addi %scan3A_10, %scan3A_11 : i32
    %scan3A_13 = arith.constant 1 : i32
    scf.for %scan3A_91 = %scan3A_10 to %scan3A_12 step %scan3A_13  : i32 {
      %mul3A_92 = arith.constant 16 : i32
      %mul3A_93 = arith.muli %scan3A_91, %mul3A_92 : i32
      %get3A = arith.index_cast %mul3A_93 : i32 to index
      %get3A_94 = tpu.vector_load %arg4[%get3A] {strides = array<i32>} : memref<10240xi32, #tpu.memory_space<vmem>>, vector<16xi32>,
      tpu.vector_store_idx %arg5[%get3A_94], %broadcast_in_dim3A_5 {add = true} : memref<10240xf32, #tpu.memory_space<vmem>>[vector<16xi32>], vector<16xf32>,
    }
    %scan3A_14 = arith.constant 640 : i32
    %mul3A_15 = arith.constant 10240 : i32
    %mul3A_16 = arith.muli %arg1, %mul3A_15 : i32
    "tpu.region"() ({
      %run_scoped3A = tpu.sem_alloc : memref<!tpu.dma_semaphore, #tpu.memory_space<semaphore_mem>>
      %dma_start3A = tpu.memref_slice %arg8[%mul3A_16] : memref<163840xf32, #tpu.memory_space<vmem_shared>> -> memref<10240xf32, #tpu.memory_space<vmem_shared>>
      %dma_start3A_91 = tpu.memref_slice %arg8[%mul3A_16] : memref<163840xf32, #tpu.memory_space<vmem_shared>> -> memref<10240xf32, #tpu.memory_space<vmem_shared>>
      tpu.enqueue_dma source(%arg5 : memref<10240xf32, #tpu.memory_space<vmem>>) target(%dma_start3A_91 : memref<10240xf32, #tpu.memory_space<vmem_shared>>) target_semaphore(%run_scoped3A : memref<!tpu.dma_semaphore, #tpu.memory_space<semaphore_mem>>)
      %dma_wait3A = tpu.memref_slice %arg8[%mul3A_16] : memref<163840xf32, #tpu.memory_space<vmem_shared>> -> memref<10240xf32, #tpu.memory_space<vmem_shared>>
      %dma_wait3A_92 = tpu.memref_slice %arg8[%mul3A_16] : memref<163840xf32, #tpu.memory_space<vmem_shared>> -> memref<10240xf32, #tpu.memory_space<vmem_shared>>
      tpu.wait_dma2 semaphore(%run_scoped3A : memref<!tpu.dma_semaphore, #tpu.memory_space<semaphore_mem>>) src(%arg5 : memref<10240xf32, #tpu.memory_space<vmem>>) dst(%dma_wait3A_92 : memref<10240xf32, #tpu.memory_space<vmem_shared>>)
      tpu.yield
    }) : () -> ()
    %barrier3A = arith.constant 0 : index
    tpu.barrier barrier_id(%barrier3A)
    %mul3A_17 = arith.constant 640 : i32
    %mul3A_18 = arith.muli %arg1, %mul3A_17 : i32
    %add3A_19 = arith.constant 0 : i32
    %add3A_20 = arith.addi %add3A_19, %mul3A_18 : i32
    "tpu.region"() ({
      %run_scoped3A = tpu.sem_alloc : memref<!tpu.dma_semaphore, #tpu.memory_space<semaphore_mem>>
      %dma_start3A = arith.constant 0 : i32
      %dma_start3A_91 = tpu.memref_slice %arg6[%dma_start3A] : memref<10240xf32, #tpu.memory_space<vmem>> -> memref<640xf32, #tpu.memory_space<vmem>>
      %dma_start3A_92 = tpu.memref_slice %arg8[%add3A_20] : memref<163840xf32, #tpu.memory_space<vmem_shared>> -> memref<640xf32, #tpu.memory_space<vmem_shared>>
      %dma_start3A_93 = arith.constant 0 : i32
      %dma_start3A_94 = tpu.memref_slice %arg6[%dma_start3A_93] : memref<10240xf32, #tpu.memory_space<vmem>> -> memref<640xf32, #tpu.memory_space<vmem>>
      %dma_start3A_95 = tpu.memref_slice %arg8[%add3A_20] : memref<163840xf32, #tpu.memory_space<vmem_shared>> -> memref<640xf32, #tpu.memory_space<vmem_shared>>
      tpu.enqueue_dma source(%dma_start3A_95 : memref<640xf32, #tpu.memory_space<vmem_shared>>) target(%dma_start3A_94 : memref<640xf32, #tpu.memory_space<vmem>>) target_semaphore(%run_scoped3A : memref<!tpu.dma_semaphore, #tpu.memory_space<semaphore_mem>>)
      %dma_wait3A = arith.constant 0 : i32
      %dma_wait3A_96 = tpu.memref_slice %arg6[%dma_wait3A] : memref<10240xf32, #tpu.memory_space<vmem>> -> memref<640xf32, #tpu.memory_space<vmem>>
      %dma_wait3A_97 = tpu.memref_slice %arg8[%add3A_20] : memref<163840xf32, #tpu.memory_space<vmem_shared>> -> memref<640xf32, #tpu.memory_space<vmem_shared>>
      %dma_wait3A_98 = arith.constant 0 : i32
      %dma_wait3A_99 = tpu.memref_slice %arg6[%dma_wait3A_98] : memref<10240xf32, #tpu.memory_space<vmem>> -> memref<640xf32, #tpu.memory_space<vmem>>
      %dma_wait3A_100 = tpu.memref_slice %arg8[%add3A_20] : memref<163840xf32, #tpu.memory_space<vmem_shared>> -> memref<640xf32, #tpu.memory_space<vmem_shared>>
      tpu.wait_dma2 semaphore(%run_scoped3A : memref<!tpu.dma_semaphore, #tpu.memory_space<semaphore_mem>>) src(%dma_wait3A_100 : memref<640xf32, #tpu.memory_space<vmem_shared>>) dst(%dma_wait3A_99 : memref<640xf32, #tpu.memory_space<vmem>>)
      tpu.yield
    }) : () -> ()
    %mul3A_21 = arith.constant 640 : i32
    %mul3A_22 = arith.muli %arg1, %mul3A_21 : i32
    %add3A_23 = arith.constant 10240 : i32
    %add3A_24 = arith.addi %add3A_23, %mul3A_22 : i32
    "tpu.region"() ({
      %run_scoped3A = tpu.sem_alloc : memref<!tpu.dma_semaphore, #tpu.memory_space<semaphore_mem>>
      %dma_start3A = arith.constant 640 : i32
      %dma_start3A_91 = tpu.memref_slice %arg6[%dma_start3A] : memref<10240xf32, #tpu.memory_space<vmem>> -> memref<640xf32, #tpu.memory_space<vmem>>
      %dma_start3A_92 = tpu.memref_slice %arg8[%add3A_24] : memref<163840xf32, #tpu.memory_space<vmem_shared>> -> memref<640xf32, #tpu.memory_space<vmem_shared>>
      %dma_start3A_93 = arith.constant 640 : i32
      %dma_start3A_94 = tpu.memref_slice %arg6[%dma_start3A_93] : memref<10240xf32, #tpu.memory_space<vmem>> -> memref<640xf32, #tpu.memory_space<vmem>>
      %dma_start3A_95 = tpu.memref_slice %arg8[%add3A_24] : memref<163840xf32, #tpu.memory_space<vmem_shared>> -> memref<640xf32, #tpu.memory_space<vmem_shared>>
      tpu.enqueue_dma source(%dma_start3A_95 : memref<640xf32, #tpu.memory_space<vmem_shared>>) target(%dma_start3A_94 : memref<640xf32, #tpu.memory_space<vmem>>) target_semaphore(%run_scoped3A : memref<!tpu.dma_semaphore, #tpu.memory_space<semaphore_mem>>)
      %dma_wait3A = arith.constant 640 : i32
      %dma_wait3A_96 = tpu.memref_slice %arg6[%dma_wait3A] : memref<10240xf32, #tpu.memory_space<vmem>> -> memref<640xf32, #tpu.memory_space<vmem>>
      %dma_wait3A_97 = tpu.memref_slice %arg8[%add3A_24] : memref<163840xf32, #tpu.memory_space<vmem_shared>> -> memref<640xf32, #tpu.memory_space<vmem_shared>>
      %dma_wait3A_98 = arith.constant 640 : i32
      %dma_wait3A_99 = tpu.memref_slice %arg6[%dma_wait3A_98] : memref<10240xf32, #tpu.memory_space<vmem>> -> memref<640xf32, #tpu.memory_space<vmem>>
      %dma_wait3A_100 = tpu.memref_slice %arg8[%add3A_24] : memref<163840xf32, #tpu.memory_space<vmem_shared>> -> memref<640xf32, #tpu.memory_space<vmem_shared>>
      tpu.wait_dma2 semaphore(%run_scoped3A : memref<!tpu.dma_semaphore, #tpu.memory_space<semaphore_mem>>) src(%dma_wait3A_100 : memref<640xf32, #tpu.memory_space<vmem_shared>>) dst(%dma_wait3A_99 : memref<640xf32, #tpu.memory_space<vmem>>)
      tpu.yield
    }) : () -> ()
    %mul3A_25 = arith.constant 640 : i32
    %mul3A_26 = arith.muli %arg1, %mul3A_25 : i32
    %add3A_27 = arith.constant 20480 : i32
    %add3A_28 = arith.addi %add3A_27, %mul3A_26 : i32
    "tpu.region"() ({
      %run_scoped3A = tpu.sem_alloc : memref<!tpu.dma_semaphore, #tpu.memory_space<semaphore_mem>>
      %dma_start3A = arith.constant 1280 : i32
      %dma_start3A_91 = tpu.memref_slice %arg6[%dma_start3A] : memref<10240xf32, #tpu.memory_space<vmem>> -> memref<640xf32, #tpu.memory_space<vmem>>
      %dma_start3A_92 = tpu.memref_slice %arg8[%add3A_28] : memref<163840xf32, #tpu.memory_space<vmem_shared>> -> memref<640xf32, #tpu.memory_space<vmem_shared>>
      %dma_start3A_93 = arith.constant 1280 : i32
      %dma_start3A_94 = tpu.memref_slice %arg6[%dma_start3A_93] : memref<10240xf32, #tpu.memory_space<vmem>> -> memref<640xf32, #tpu.memory_space<vmem>>
      %dma_start3A_95 = tpu.memref_slice %arg8[%add3A_28] : memref<163840xf32, #tpu.memory_space<vmem_shared>> -> memref<640xf32, #tpu.memory_space<vmem_shared>>
      tpu.enqueue_dma source(%dma_start3A_95 : memref<640xf32, #tpu.memory_space<vmem_shared>>) target(%dma_start3A_94 : memref<640xf32, #tpu.memory_space<vmem>>) target_semaphore(%run_scoped3A : memref<!tpu.dma_semaphore, #tpu.memory_space<semaphore_mem>>)
      %dma_wait3A = arith.constant 1280 : i32
      %dma_wait3A_96 = tpu.memref_slice %arg6[%dma_wait3A] : memref<10240xf32, #tpu.memory_space<vmem>> -> memref<640xf32, #tpu.memory_space<vmem>>
      %dma_wait3A_97 = tpu.memref_slice %arg8[%add3A_28] : memref<163840xf32, #tpu.memory_space<vmem_shared>> -> memref<640xf32, #tpu.memory_space<vmem_shared>>
      %dma_wait3A_98 = arith.constant 1280 : i32
      %dma_wait3A_99 = tpu.memref_slice %arg6[%dma_wait3A_98] : memref<10240xf32, #tpu.memory_space<vmem>> -> memref<640xf32, #tpu.memory_space<vmem>>
      %dma_wait3A_100 = tpu.memref_slice %arg8[%add3A_28] : memref<163840xf32, #tpu.memory_space<vmem_shared>> -> memref<640xf32, #tpu.memory_space<vmem_shared>>
      tpu.wait_dma2 semaphore(%run_scoped3A : memref<!tpu.dma_semaphore, #tpu.memory_space<semaphore_mem>>) src(%dma_wait3A_100 : memref<640xf32, #tpu.memory_space<vmem_shared>>) dst(%dma_wait3A_99 : memref<640xf32, #tpu.memory_space<vmem>>)
      tpu.yield
    }) : () -> ()
    %mul3A_29 = arith.constant 640 : i32
    %mul3A_30 = arith.muli %arg1, %mul3A_29 : i32
    %add3A_31 = arith.constant 30720 : i32
    %add3A_32 = arith.addi %add3A_31, %mul3A_30 : i32
    "tpu.region"() ({
      %run_scoped3A = tpu.sem_alloc : memref<!tpu.dma_semaphore, #tpu.memory_space<semaphore_mem>>
      %dma_start3A = arith.constant 1920 : i32
      %dma_start3A_91 = tpu.memref_slice %arg6[%dma_start3A] : memref<10240xf32, #tpu.memory_space<vmem>> -> memref<640xf32, #tpu.memory_space<vmem>>
      %dma_start3A_92 = tpu.memref_slice %arg8[%add3A_32] : memref<163840xf32, #tpu.memory_space<vmem_shared>> -> memref<640xf32, #tpu.memory_space<vmem_shared>>
      %dma_start3A_93 = arith.constant 1920 : i32
      %dma_start3A_94 = tpu.memref_slice %arg6[%dma_start3A_93] : memref<10240xf32, #tpu.memory_space<vmem>> -> memref<640xf32, #tpu.memory_space<vmem>>
      %dma_start3A_95 = tpu.memref_slice %arg8[%add3A_32] : memref<163840xf32, #tpu.memory_space<vmem_shared>> -> memref<640xf32, #tpu.memory_space<vmem_shared>>
      tpu.enqueue_dma source(%dma_start3A_95 : memref<640xf32, #tpu.memory_space<vmem_shared>>) target(%dma_start3A_94 : memref<640xf32, #tpu.memory_space<vmem>>) target_semaphore(%run_scoped3A : memref<!tpu.dma_semaphore, #tpu.memory_space<semaphore_mem>>)
      %dma_wait3A = arith.constant 1920 : i32
      %dma_wait3A_96 = tpu.memref_slice %arg6[%dma_wait3A] : memref<10240xf32, #tpu.memory_space<vmem>> -> memref<640xf32, #tpu.memory_space<vmem>>
      %dma_wait3A_97 = tpu.memref_slice %arg8[%add3A_32] : memref<163840xf32, #tpu.memory_space<vmem_shared>> -> memref<640xf32, #tpu.memory_space<vmem_shared>>
      %dma_wait3A_98 = arith.constant 1920 : i32
      %dma_wait3A_99 = tpu.memref_slice %arg6[%dma_wait3A_98] : memref<10240xf32, #tpu.memory_space<vmem>> -> memref<640xf32, #tpu.memory_space<vmem>>
      %dma_wait3A_100 = tpu.memref_slice %arg8[%add3A_32] : memref<163840xf32, #tpu.memory_space<vmem_shared>> -> memref<640xf32, #tpu.memory_space<vmem_shared>>
      tpu.wait_dma2 semaphore(%run_scoped3A : memref<!tpu.dma_semaphore, #tpu.memory_space<semaphore_mem>>) src(%dma_wait3A_100 : memref<640xf32, #tpu.memory_space<vmem_shared>>) dst(%dma_wait3A_99 : memref<640xf32, #tpu.memory_space<vmem>>)
      tpu.yield
    }) : () -> ()
    %mul3A_33 = arith.constant 640 : i32
    %mul3A_34 = arith.muli %arg1, %mul3A_33 : i32
    %add3A_35 = arith.constant 40960 : i32
    %add3A_36 = arith.addi %add3A_35, %mul3A_34 : i32
    "tpu.region"() ({
      %run_scoped3A = tpu.sem_alloc : memref<!tpu.dma_semaphore, #tpu.memory_space<semaphore_mem>>
      %dma_start3A = arith.constant 2560 : i32
      %dma_start3A_91 = tpu.memref_slice %arg6[%dma_start3A] : memref<10240xf32, #tpu.memory_space<vmem>> -> memref<640xf32, #tpu.memory_space<vmem>>
      %dma_start3A_92 = tpu.memref_slice %arg8[%add3A_36] : memref<163840xf32, #tpu.memory_space<vmem_shared>> -> memref<640xf32, #tpu.memory_space<vmem_shared>>
      %dma_start3A_93 = arith.constant 2560 : i32
      %dma_start3A_94 = tpu.memref_slice %arg6[%dma_start3A_93] : memref<10240xf32, #tpu.memory_space<vmem>> -> memref<640xf32, #tpu.memory_space<vmem>>
      %dma_start3A_95 = tpu.memref_slice %arg8[%add3A_36] : memref<163840xf32, #tpu.memory_space<vmem_shared>> -> memref<640xf32, #tpu.memory_space<vmem_shared>>
      tpu.enqueue_dma source(%dma_start3A_95 : memref<640xf32, #tpu.memory_space<vmem_shared>>) target(%dma_start3A_94 : memref<640xf32, #tpu.memory_space<vmem>>) target_semaphore(%run_scoped3A : memref<!tpu.dma_semaphore, #tpu.memory_space<semaphore_mem>>)
      %dma_wait3A = arith.constant 2560 : i32
      %dma_wait3A_96 = tpu.memref_slice %arg6[%dma_wait3A] : memref<10240xf32, #tpu.memory_space<vmem>> -> memref<640xf32, #tpu.memory_space<vmem>>
      %dma_wait3A_97 = tpu.memref_slice %arg8[%add3A_36] : memref<163840xf32, #tpu.memory_space<vmem_shared>> -> memref<640xf32, #tpu.memory_space<vmem_shared>>
      %dma_wait3A_98 = arith.constant 2560 : i32
      %dma_wait3A_99 = tpu.memref_slice %arg6[%dma_wait3A_98] : memref<10240xf32, #tpu.memory_space<vmem>> -> memref<640xf32, #tpu.memory_space<vmem>>
      %dma_wait3A_100 = tpu.memref_slice %arg8[%add3A_36] : memref<163840xf32, #tpu.memory_space<vmem_shared>> -> memref<640xf32, #tpu.memory_space<vmem_shared>>
      tpu.wait_dma2 semaphore(%run_scoped3A : memref<!tpu.dma_semaphore, #tpu.memory_space<semaphore_mem>>) src(%dma_wait3A_100 : memref<640xf32, #tpu.memory_space<vmem_shared>>) dst(%dma_wait3A_99 : memref<640xf32, #tpu.memory_space<vmem>>)
      tpu.yield
    }) : () -> ()
    %mul3A_37 = arith.constant 640 : i32
    %mul3A_38 = arith.muli %arg1, %mul3A_37 : i32
    %add3A_39 = arith.constant 51200 : i32
    %add3A_40 = arith.addi %add3A_39, %mul3A_38 : i32
    "tpu.region"() ({
      %run_scoped3A = tpu.sem_alloc : memref<!tpu.dma_semaphore, #tpu.memory_space<semaphore_mem>>
      %dma_start3A = arith.constant 3200 : i32
      %dma_start3A_91 = tpu.memref_slice %arg6[%dma_start3A] : memref<10240xf32, #tpu.memory_space<vmem>> -> memref<640xf32, #tpu.memory_space<vmem>>
      %dma_start3A_92 = tpu.memref_slice %arg8[%add3A_40] : memref<163840xf32, #tpu.memory_space<vmem_shared>> -> memref<640xf32, #tpu.memory_space<vmem_shared>>
      %dma_start3A_93 = arith.constant 3200 : i32
      %dma_start3A_94 = tpu.memref_slice %arg6[%dma_start3A_93] : memref<10240xf32, #tpu.memory_space<vmem>> -> memref<640xf32, #tpu.memory_space<vmem>>
      %dma_start3A_95 = tpu.memref_slice %arg8[%add3A_40] : memref<163840xf32, #tpu.memory_space<vmem_shared>> -> memref<640xf32, #tpu.memory_space<vmem_shared>>
      tpu.enqueue_dma source(%dma_start3A_95 : memref<640xf32, #tpu.memory_space<vmem_shared>>) target(%dma_start3A_94 : memref<640xf32, #tpu.memory_space<vmem>>) target_semaphore(%run_scoped3A : memref<!tpu.dma_semaphore, #tpu.memory_space<semaphore_mem>>)
      %dma_wait3A = arith.constant 3200 : i32
      %dma_wait3A_96 = tpu.memref_slice %arg6[%dma_wait3A] : memref<10240xf32, #tpu.memory_space<vmem>> -> memref<640xf32, #tpu.memory_space<vmem>>
      %dma_wait3A_97 = tpu.memref_slice %arg8[%add3A_40] : memref<163840xf32, #tpu.memory_space<vmem_shared>> -> memref<640xf32, #tpu.memory_space<vmem_shared>>
      %dma_wait3A_98 = arith.constant 3200 : i32
      %dma_wait3A_99 = tpu.memref_slice %arg6[%dma_wait3A_98] : memref<10240xf32, #tpu.memory_space<vmem>> -> memref<640xf32, #tpu.memory_space<vmem>>
      %dma_wait3A_100 = tpu.memref_slice %arg8[%add3A_40] : memref<163840xf32, #tpu.memory_space<vmem_shared>> -> memref<640xf32, #tpu.memory_space<vmem_shared>>
      tpu.wait_dma2 semaphore(%run_scoped3A : memref<!tpu.dma_semaphore, #tpu.memory_space<semaphore_mem>>) src(%dma_wait3A_100 : memref<640xf32, #tpu.memory_space<vmem_shared>>) dst(%dma_wait3A_99 : memref<640xf32, #tpu.memory_space<vmem>>)
      tpu.yield
    }) : () -> ()
    %mul3A_41 = arith.constant 640 : i32
    %mul3A_42 = arith.muli %arg1, %mul3A_41 : i32
    %add3A_43 = arith.constant 61440 : i32
    %add3A_44 = arith.addi %add3A_43, %mul3A_42 : i32
    "tpu.region"() ({
      %run_scoped3A = tpu.sem_alloc : memref<!tpu.dma_semaphore, #tpu.memory_space<semaphore_mem>>
      %dma_start3A = arith.constant 3840 : i32
      %dma_start3A_91 = tpu.memref_slice %arg6[%dma_start3A] : memref<10240xf32, #tpu.memory_space<vmem>> -> memref<640xf32, #tpu.memory_space<vmem>>
      %dma_start3A_92 = tpu.memref_slice %arg8[%add3A_44] : memref<163840xf32, #tpu.memory_space<vmem_shared>> -> memref<640xf32, #tpu.memory_space<vmem_shared>>
      %dma_start3A_93 = arith.constant 3840 : i32
      %dma_start3A_94 = tpu.memref_slice %arg6[%dma_start3A_93] : memref<10240xf32, #tpu.memory_space<vmem>> -> memref<640xf32, #tpu.memory_space<vmem>>
      %dma_start3A_95 = tpu.memref_slice %arg8[%add3A_44] : memref<163840xf32, #tpu.memory_space<vmem_shared>> -> memref<640xf32, #tpu.memory_space<vmem_shared>>
      tpu.enqueue_dma source(%dma_start3A_95 : memref<640xf32, #tpu.memory_space<vmem_shared>>) target(%dma_start3A_94 : memref<640xf32, #tpu.memory_space<vmem>>) target_semaphore(%run_scoped3A : memref<!tpu.dma_semaphore, #tpu.memory_space<semaphore_mem>>)
      %dma_wait3A = arith.constant 3840 : i32
      %dma_wait3A_96 = tpu.memref_slice %arg6[%dma_wait3A] : memref<10240xf32, #tpu.memory_space<vmem>> -> memref<640xf32, #tpu.memory_space<vmem>>
      %dma_wait3A_97 = tpu.memref_slice %arg8[%add3A_44] : memref<163840xf32, #tpu.memory_space<vmem_shared>> -> memref<640xf32, #tpu.memory_space<vmem_shared>>
      %dma_wait3A_98 = arith.constant 3840 : i32
      %dma_wait3A_99 = tpu.memref_slice %arg6[%dma_wait3A_98] : memref<10240xf32, #tpu.memory_space<vmem>> -> memref<640xf32, #tpu.memory_space<vmem>>
      %dma_wait3A_100 = tpu.memref_slice %arg8[%add3A_44] : memref<163840xf32, #tpu.memory_space<vmem_shared>> -> memref<640xf32, #tpu.memory_space<vmem_shared>>
      tpu.wait_dma2 semaphore(%run_scoped3A : memref<!tpu.dma_semaphore, #tpu.memory_space<semaphore_mem>>) src(%dma_wait3A_100 : memref<640xf32, #tpu.memory_space<vmem_shared>>) dst(%dma_wait3A_99 : memref<640xf32, #tpu.memory_space<vmem>>)
      tpu.yield
    }) : () -> ()
    %mul3A_45 = arith.constant 640 : i32
    %mul3A_46 = arith.muli %arg1, %mul3A_45 : i32
    %add3A_47 = arith.constant 71680 : i32
    %add3A_48 = arith.addi %add3A_47, %mul3A_46 : i32
    "tpu.region"() ({
      %run_scoped3A = tpu.sem_alloc : memref<!tpu.dma_semaphore, #tpu.memory_space<semaphore_mem>>
      %dma_start3A = arith.constant 4480 : i32
      %dma_start3A_91 = tpu.memref_slice %arg6[%dma_start3A] : memref<10240xf32, #tpu.memory_space<vmem>> -> memref<640xf32, #tpu.memory_space<vmem>>
      %dma_start3A_92 = tpu.memref_slice %arg8[%add3A_48] : memref<163840xf32, #tpu.memory_space<vmem_shared>> -> memref<640xf32, #tpu.memory_space<vmem_shared>>
      %dma_start3A_93 = arith.constant 4480 : i32
      %dma_start3A_94 = tpu.memref_slice %arg6[%dma_start3A_93] : memref<10240xf32, #tpu.memory_space<vmem>> -> memref<640xf32, #tpu.memory_space<vmem>>
      %dma_start3A_95 = tpu.memref_slice %arg8[%add3A_48] : memref<163840xf32, #tpu.memory_space<vmem_shared>> -> memref<640xf32, #tpu.memory_space<vmem_shared>>
      tpu.enqueue_dma source(%dma_start3A_95 : memref<640xf32, #tpu.memory_space<vmem_shared>>) target(%dma_start3A_94 : memref<640xf32, #tpu.memory_space<vmem>>) target_semaphore(%run_scoped3A : memref<!tpu.dma_semaphore, #tpu.memory_space<semaphore_mem>>)
      %dma_wait3A = arith.constant 4480 : i32
      %dma_wait3A_96 = tpu.memref_slice %arg6[%dma_wait3A] : memref<10240xf32, #tpu.memory_space<vmem>> -> memref<640xf32, #tpu.memory_space<vmem>>
      %dma_wait3A_97 = tpu.memref_slice %arg8[%add3A_48] : memref<163840xf32, #tpu.memory_space<vmem_shared>> -> memref<640xf32, #tpu.memory_space<vmem_shared>>
      %dma_wait3A_98 = arith.constant 4480 : i32
      %dma_wait3A_99 = tpu.memref_slice %arg6[%dma_wait3A_98] : memref<10240xf32, #tpu.memory_space<vmem>> -> memref<640xf32, #tpu.memory_space<vmem>>
      %dma_wait3A_100 = tpu.memref_slice %arg8[%add3A_48] : memref<163840xf32, #tpu.memory_space<vmem_shared>> -> memref<640xf32, #tpu.memory_space<vmem_shared>>
      tpu.wait_dma2 semaphore(%run_scoped3A : memref<!tpu.dma_semaphore, #tpu.memory_space<semaphore_mem>>) src(%dma_wait3A_100 : memref<640xf32, #tpu.memory_space<vmem_shared>>) dst(%dma_wait3A_99 : memref<640xf32, #tpu.memory_space<vmem>>)
      tpu.yield
    }) : () -> ()
    %mul3A_49 = arith.constant 640 : i32
    %mul3A_50 = arith.muli %arg1, %mul3A_49 : i32
    %add3A_51 = arith.constant 81920 : i32
    %add3A_52 = arith.addi %add3A_51, %mul3A_50 : i32
    "tpu.region"() ({
      %run_scoped3A = tpu.sem_alloc : memref<!tpu.dma_semaphore, #tpu.memory_space<semaphore_mem>>
      %dma_start3A = arith.constant 5120 : i32
      %dma_start3A_91 = tpu.memref_slice %arg6[%dma_start3A] : memref<10240xf32, #tpu.memory_space<vmem>> -> memref<640xf32, #tpu.memory_space<vmem>>
      %dma_start3A_92 = tpu.memref_slice %arg8[%add3A_52] : memref<163840xf32, #tpu.memory_space<vmem_shared>> -> memref<640xf32, #tpu.memory_space<vmem_shared>>
      %dma_start3A_93 = arith.constant 5120 : i32
      %dma_start3A_94 = tpu.memref_slice %arg6[%dma_start3A_93] : memref<10240xf32, #tpu.memory_space<vmem>> -> memref<640xf32, #tpu.memory_space<vmem>>
      %dma_start3A_95 = tpu.memref_slice %arg8[%add3A_52] : memref<163840xf32, #tpu.memory_space<vmem_shared>> -> memref<640xf32, #tpu.memory_space<vmem_shared>>
      tpu.enqueue_dma source(%dma_start3A_95 : memref<640xf32, #tpu.memory_space<vmem_shared>>) target(%dma_start3A_94 : memref<640xf32, #tpu.memory_space<vmem>>) target_semaphore(%run_scoped3A : memref<!tpu.dma_semaphore, #tpu.memory_space<semaphore_mem>>)
      %dma_wait3A = arith.constant 5120 : i32
      %dma_wait3A_96 = tpu.memref_slice %arg6[%dma_wait3A] : memref<10240xf32, #tpu.memory_space<vmem>> -> memref<640xf32, #tpu.memory_space<vmem>>
      %dma_wait3A_97 = tpu.memref_slice %arg8[%add3A_52] : memref<163840xf32, #tpu.memory_space<vmem_shared>> -> memref<640xf32, #tpu.memory_space<vmem_shared>>
      %dma_wait3A_98 = arith.constant 5120 : i32
      %dma_wait3A_99 = tpu.memref_slice %arg6[%dma_wait3A_98] : memref<10240xf32, #tpu.memory_space<vmem>> -> memref<640xf32, #tpu.memory_space<vmem>>
      %dma_wait3A_100 = tpu.memref_slice %arg8[%add3A_52] : memref<163840xf32, #tpu.memory_space<vmem_shared>> -> memref<640xf32, #tpu.memory_space<vmem_shared>>
      tpu.wait_dma2 semaphore(%run_scoped3A : memref<!tpu.dma_semaphore, #tpu.memory_space<semaphore_mem>>) src(%dma_wait3A_100 : memref<640xf32, #tpu.memory_space<vmem_shared>>) dst(%dma_wait3A_99 : memref<640xf32, #tpu.memory_space<vmem>>)
      tpu.yield
    }) : () -> ()
    %mul3A_53 = arith.constant 640 : i32
    %mul3A_54 = arith.muli %arg1, %mul3A_53 : i32
    %add3A_55 = arith.constant 92160 : i32
    %add3A_56 = arith.addi %add3A_55, %mul3A_54 : i32
    "tpu.region"() ({
      %run_scoped3A = tpu.sem_alloc : memref<!tpu.dma_semaphore, #tpu.memory_space<semaphore_mem>>
      %dma_start3A = arith.constant 5760 : i32
      %dma_start3A_91 = tpu.memref_slice %arg6[%dma_start3A] : memref<10240xf32, #tpu.memory_space<vmem>> -> memref<640xf32, #tpu.memory_space<vmem>>
      %dma_start3A_92 = tpu.memref_slice %arg8[%add3A_56] : memref<163840xf32, #tpu.memory_space<vmem_shared>> -> memref<640xf32, #tpu.memory_space<vmem_shared>>
      %dma_start3A_93 = arith.constant 5760 : i32
      %dma_start3A_94 = tpu.memref_slice %arg6[%dma_start3A_93] : memref<10240xf32, #tpu.memory_space<vmem>> -> memref<640xf32, #tpu.memory_space<vmem>>
      %dma_start3A_95 = tpu.memref_slice %arg8[%add3A_56] : memref<163840xf32, #tpu.memory_space<vmem_shared>> -> memref<640xf32, #tpu.memory_space<vmem_shared>>
      tpu.enqueue_dma source(%dma_start3A_95 : memref<640xf32, #tpu.memory_space<vmem_shared>>) target(%dma_start3A_94 : memref<640xf32, #tpu.memory_space<vmem>>) target_semaphore(%run_scoped3A : memref<!tpu.dma_semaphore, #tpu.memory_space<semaphore_mem>>)
      %dma_wait3A = arith.constant 5760 : i32
      %dma_wait3A_96 = tpu.memref_slice %arg6[%dma_wait3A] : memref<10240xf32, #tpu.memory_space<vmem>> -> memref<640xf32, #tpu.memory_space<vmem>>
      %dma_wait3A_97 = tpu.memref_slice %arg8[%add3A_56] : memref<163840xf32, #tpu.memory_space<vmem_shared>> -> memref<640xf32, #tpu.memory_space<vmem_shared>>
      %dma_wait3A_98 = arith.constant 5760 : i32
      %dma_wait3A_99 = tpu.memref_slice %arg6[%dma_wait3A_98] : memref<10240xf32, #tpu.memory_space<vmem>> -> memref<640xf32, #tpu.memory_space<vmem>>
      %dma_wait3A_100 = tpu.memref_slice %arg8[%add3A_56] : memref<163840xf32, #tpu.memory_space<vmem_shared>> -> memref<640xf32, #tpu.memory_space<vmem_shared>>
      tpu.wait_dma2 semaphore(%run_scoped3A : memref<!tpu.dma_semaphore, #tpu.memory_space<semaphore_mem>>) src(%dma_wait3A_100 : memref<640xf32, #tpu.memory_space<vmem_shared>>) dst(%dma_wait3A_99 : memref<640xf32, #tpu.memory_space<vmem>>)
      tpu.yield
    }) : () -> ()
    %mul3A_57 = arith.constant 640 : i32
    %mul3A_58 = arith.muli %arg1, %mul3A_57 : i32
    %add3A_59 = arith.constant 102400 : i32
    %add3A_60 = arith.addi %add3A_59, %mul3A_58 : i32
    "tpu.region"() ({
      %run_scoped3A = tpu.sem_alloc : memref<!tpu.dma_semaphore, #tpu.memory_space<semaphore_mem>>
      %dma_start3A = arith.constant 6400 : i32
      %dma_start3A_91 = tpu.memref_slice %arg6[%dma_start3A] : memref<10240xf32, #tpu.memory_space<vmem>> -> memref<640xf32, #tpu.memory_space<vmem>>
      %dma_start3A_92 = tpu.memref_slice %arg8[%add3A_60] : memref<163840xf32, #tpu.memory_space<vmem_shared>> -> memref<640xf32, #tpu.memory_space<vmem_shared>>
      %dma_start3A_93 = arith.constant 6400 : i32
      %dma_start3A_94 = tpu.memref_slice %arg6[%dma_start3A_93] : memref<10240xf32, #tpu.memory_space<vmem>> -> memref<640xf32, #tpu.memory_space<vmem>>
      %dma_start3A_95 = tpu.memref_slice %arg8[%add3A_60] : memref<163840xf32, #tpu.memory_space<vmem_shared>> -> memref<640xf32, #tpu.memory_space<vmem_shared>>
      tpu.enqueue_dma source(%dma_start3A_95 : memref<640xf32, #tpu.memory_space<vmem_shared>>) target(%dma_start3A_94 : memref<640xf32, #tpu.memory_space<vmem>>) target_semaphore(%run_scoped3A : memref<!tpu.dma_semaphore, #tpu.memory_space<semaphore_mem>>)
      %dma_wait3A = arith.constant 6400 : i32
      %dma_wait3A_96 = tpu.memref_slice %arg6[%dma_wait3A] : memref<10240xf32, #tpu.memory_space<vmem>> -> memref<640xf32, #tpu.memory_space<vmem>>
      %dma_wait3A_97 = tpu.memref_slice %arg8[%add3A_60] : memref<163840xf32, #tpu.memory_space<vmem_shared>> -> memref<640xf32, #tpu.memory_space<vmem_shared>>
      %dma_wait3A_98 = arith.constant 6400 : i32
      %dma_wait3A_99 = tpu.memref_slice %arg6[%dma_wait3A_98] : memref<10240xf32, #tpu.memory_space<vmem>> -> memref<640xf32, #tpu.memory_space<vmem>>
      %dma_wait3A_100 = tpu.memref_slice %arg8[%add3A_60] : memref<163840xf32, #tpu.memory_space<vmem_shared>> -> memref<640xf32, #tpu.memory_space<vmem_shared>>
      tpu.wait_dma2 semaphore(%run_scoped3A : memref<!tpu.dma_semaphore, #tpu.memory_space<semaphore_mem>>) src(%dma_wait3A_100 : memref<640xf32, #tpu.memory_space<vmem_shared>>) dst(%dma_wait3A_99 : memref<640xf32, #tpu.memory_space<vmem>>)
      tpu.yield
    }) : () -> ()
    %mul3A_61 = arith.constant 640 : i32
    %mul3A_62 = arith.muli %arg1, %mul3A_61 : i32
    %add3A_63 = arith.constant 112640 : i32
    %add3A_64 = arith.addi %add3A_63, %mul3A_62 : i32
    "tpu.region"() ({
      %run_scoped3A = tpu.sem_alloc : memref<!tpu.dma_semaphore, #tpu.memory_space<semaphore_mem>>
      %dma_start3A = arith.constant 7040 : i32
      %dma_start3A_91 = tpu.memref_slice %arg6[%dma_start3A] : memref<10240xf32, #tpu.memory_space<vmem>> -> memref<640xf32, #tpu.memory_space<vmem>>
      %dma_start3A_92 = tpu.memref_slice %arg8[%add3A_64] : memref<163840xf32, #tpu.memory_space<vmem_shared>> -> memref<640xf32, #tpu.memory_space<vmem_shared>>
      %dma_start3A_93 = arith.constant 7040 : i32
      %dma_start3A_94 = tpu.memref_slice %arg6[%dma_start3A_93] : memref<10240xf32, #tpu.memory_space<vmem>> -> memref<640xf32, #tpu.memory_space<vmem>>
      %dma_start3A_95 = tpu.memref_slice %arg8[%add3A_64] : memref<163840xf32, #tpu.memory_space<vmem_shared>> -> memref<640xf32, #tpu.memory_space<vmem_shared>>
      tpu.enqueue_dma source(%dma_start3A_95 : memref<640xf32, #tpu.memory_space<vmem_shared>>) target(%dma_start3A_94 : memref<640xf32, #tpu.memory_space<vmem>>) target_semaphore(%run_scoped3A : memref<!tpu.dma_semaphore, #tpu.memory_space<semaphore_mem>>)
      %dma_wait3A = arith.constant 7040 : i32
      %dma_wait3A_96 = tpu.memref_slice %arg6[%dma_wait3A] : memref<10240xf32, #tpu.memory_space<vmem>> -> memref<640xf32, #tpu.memory_space<vmem>>
      %dma_wait3A_97 = tpu.memref_slice %arg8[%add3A_64] : memref<163840xf32, #tpu.memory_space<vmem_shared>> -> memref<640xf32, #tpu.memory_space<vmem_shared>>
      %dma_wait3A_98 = arith.constant 7040 : i32
      %dma_wait3A_99 = tpu.memref_slice %arg6[%dma_wait3A_98] : memref<10240xf32, #tpu.memory_space<vmem>> -> memref<640xf32, #tpu.memory_space<vmem>>
      %dma_wait3A_100 = tpu.memref_slice %arg8[%add3A_64] : memref<163840xf32, #tpu.memory_space<vmem_shared>> -> memref<640xf32, #tpu.memory_space<vmem_shared>>
      tpu.wait_dma2 semaphore(%run_scoped3A : memref<!tpu.dma_semaphore, #tpu.memory_space<semaphore_mem>>) src(%dma_wait3A_100 : memref<640xf32, #tpu.memory_space<vmem_shared>>) dst(%dma_wait3A_99 : memref<640xf32, #tpu.memory_space<vmem>>)
      tpu.yield
    }) : () -> ()
    %mul3A_65 = arith.constant 640 : i32
    %mul3A_66 = arith.muli %arg1, %mul3A_65 : i32
    %add3A_67 = arith.constant 122880 : i32
    %add3A_68 = arith.addi %add3A_67, %mul3A_66 : i32
    "tpu.region"() ({
      %run_scoped3A = tpu.sem_alloc : memref<!tpu.dma_semaphore, #tpu.memory_space<semaphore_mem>>
      %dma_start3A = arith.constant 7680 : i32
      %dma_start3A_91 = tpu.memref_slice %arg6[%dma_start3A] : memref<10240xf32, #tpu.memory_space<vmem>> -> memref<640xf32, #tpu.memory_space<vmem>>
      %dma_start3A_92 = tpu.memref_slice %arg8[%add3A_68] : memref<163840xf32, #tpu.memory_space<vmem_shared>> -> memref<640xf32, #tpu.memory_space<vmem_shared>>
      %dma_start3A_93 = arith.constant 7680 : i32
      %dma_start3A_94 = tpu.memref_slice %arg6[%dma_start3A_93] : memref<10240xf32, #tpu.memory_space<vmem>> -> memref<640xf32, #tpu.memory_space<vmem>>
      %dma_start3A_95 = tpu.memref_slice %arg8[%add3A_68] : memref<163840xf32, #tpu.memory_space<vmem_shared>> -> memref<640xf32, #tpu.memory_space<vmem_shared>>
      tpu.enqueue_dma source(%dma_start3A_95 : memref<640xf32, #tpu.memory_space<vmem_shared>>) target(%dma_start3A_94 : memref<640xf32, #tpu.memory_space<vmem>>) target_semaphore(%run_scoped3A : memref<!tpu.dma_semaphore, #tpu.memory_space<semaphore_mem>>)
      %dma_wait3A = arith.constant 7680 : i32
      %dma_wait3A_96 = tpu.memref_slice %arg6[%dma_wait3A] : memref<10240xf32, #tpu.memory_space<vmem>> -> memref<640xf32, #tpu.memory_space<vmem>>
      %dma_wait3A_97 = tpu.memref_slice %arg8[%add3A_68] : memref<163840xf32, #tpu.memory_space<vmem_shared>> -> memref<640xf32, #tpu.memory_space<vmem_shared>>
      %dma_wait3A_98 = arith.constant 7680 : i32
      %dma_wait3A_99 = tpu.memref_slice %arg6[%dma_wait3A_98] : memref<10240xf32, #tpu.memory_space<vmem>> -> memref<640xf32, #tpu.memory_space<vmem>>
      %dma_wait3A_100 = tpu.memref_slice %arg8[%add3A_68] : memref<163840xf32, #tpu.memory_space<vmem_shared>> -> memref<640xf32, #tpu.memory_space<vmem_shared>>
      tpu.wait_dma2 semaphore(%run_scoped3A : memref<!tpu.dma_semaphore, #tpu.memory_space<semaphore_mem>>) src(%dma_wait3A_100 : memref<640xf32, #tpu.memory_space<vmem_shared>>) dst(%dma_wait3A_99 : memref<640xf32, #tpu.memory_space<vmem>>)
      tpu.yield
    }) : () -> ()
    %mul3A_69 = arith.constant 640 : i32
    %mul3A_70 = arith.muli %arg1, %mul3A_69 : i32
    %add3A_71 = arith.constant 133120 : i32
    %add3A_72 = arith.addi %add3A_71, %mul3A_70 : i32
    "tpu.region"() ({
      %run_scoped3A = tpu.sem_alloc : memref<!tpu.dma_semaphore, #tpu.memory_space<semaphore_mem>>
      %dma_start3A = arith.constant 8320 : i32
      %dma_start3A_91 = tpu.memref_slice %arg6[%dma_start3A] : memref<10240xf32, #tpu.memory_space<vmem>> -> memref<640xf32, #tpu.memory_space<vmem>>
      %dma_start3A_92 = tpu.memref_slice %arg8[%add3A_72] : memref<163840xf32, #tpu.memory_space<vmem_shared>> -> memref<640xf32, #tpu.memory_space<vmem_shared>>
      %dma_start3A_93 = arith.constant 8320 : i32
      %dma_start3A_94 = tpu.memref_slice %arg6[%dma_start3A_93] : memref<10240xf32, #tpu.memory_space<vmem>> -> memref<640xf32, #tpu.memory_space<vmem>>
      %dma_start3A_95 = tpu.memref_slice %arg8[%add3A_72] : memref<163840xf32, #tpu.memory_space<vmem_shared>> -> memref<640xf32, #tpu.memory_space<vmem_shared>>
      tpu.enqueue_dma source(%dma_start3A_95 : memref<640xf32, #tpu.memory_space<vmem_shared>>) target(%dma_start3A_94 : memref<640xf32, #tpu.memory_space<vmem>>) target_semaphore(%run_scoped3A : memref<!tpu.dma_semaphore, #tpu.memory_space<semaphore_mem>>)
      %dma_wait3A = arith.constant 8320 : i32
      %dma_wait3A_96 = tpu.memref_slice %arg6[%dma_wait3A] : memref<10240xf32, #tpu.memory_space<vmem>> -> memref<640xf32, #tpu.memory_space<vmem>>
      %dma_wait3A_97 = tpu.memref_slice %arg8[%add3A_72] : memref<163840xf32, #tpu.memory_space<vmem_shared>> -> memref<640xf32, #tpu.memory_space<vmem_shared>>
      %dma_wait3A_98 = arith.constant 8320 : i32
      %dma_wait3A_99 = tpu.memref_slice %arg6[%dma_wait3A_98] : memref<10240xf32, #tpu.memory_space<vmem>> -> memref<640xf32, #tpu.memory_space<vmem>>
      %dma_wait3A_100 = tpu.memref_slice %arg8[%add3A_72] : memref<163840xf32, #tpu.memory_space<vmem_shared>> -> memref<640xf32, #tpu.memory_space<vmem_shared>>
      tpu.wait_dma2 semaphore(%run_scoped3A : memref<!tpu.dma_semaphore, #tpu.memory_space<semaphore_mem>>) src(%dma_wait3A_100 : memref<640xf32, #tpu.memory_space<vmem_shared>>) dst(%dma_wait3A_99 : memref<640xf32, #tpu.memory_space<vmem>>)
      tpu.yield
    }) : () -> ()
    %mul3A_73 = arith.constant 640 : i32
    %mul3A_74 = arith.muli %arg1, %mul3A_73 : i32
    %add3A_75 = arith.constant 143360 : i32
    %add3A_76 = arith.addi %add3A_75, %mul3A_74 : i32
    "tpu.region"() ({
      %run_scoped3A = tpu.sem_alloc : memref<!tpu.dma_semaphore, #tpu.memory_space<semaphore_mem>>
      %dma_start3A = arith.constant 8960 : i32
      %dma_start3A_91 = tpu.memref_slice %arg6[%dma_start3A] : memref<10240xf32, #tpu.memory_space<vmem>> -> memref<640xf32, #tpu.memory_space<vmem>>
      %dma_start3A_92 = tpu.memref_slice %arg8[%add3A_76] : memref<163840xf32, #tpu.memory_space<vmem_shared>> -> memref<640xf32, #tpu.memory_space<vmem_shared>>
      %dma_start3A_93 = arith.constant 8960 : i32
      %dma_start3A_94 = tpu.memref_slice %arg6[%dma_start3A_93] : memref<10240xf32, #tpu.memory_space<vmem>> -> memref<640xf32, #tpu.memory_space<vmem>>
      %dma_start3A_95 = tpu.memref_slice %arg8[%add3A_76] : memref<163840xf32, #tpu.memory_space<vmem_shared>> -> memref<640xf32, #tpu.memory_space<vmem_shared>>
      tpu.enqueue_dma source(%dma_start3A_95 : memref<640xf32, #tpu.memory_space<vmem_shared>>) target(%dma_start3A_94 : memref<640xf32, #tpu.memory_space<vmem>>) target_semaphore(%run_scoped3A : memref<!tpu.dma_semaphore, #tpu.memory_space<semaphore_mem>>)
      %dma_wait3A = arith.constant 8960 : i32
      %dma_wait3A_96 = tpu.memref_slice %arg6[%dma_wait3A] : memref<10240xf32, #tpu.memory_space<vmem>> -> memref<640xf32, #tpu.memory_space<vmem>>
      %dma_wait3A_97 = tpu.memref_slice %arg8[%add3A_76] : memref<163840xf32, #tpu.memory_space<vmem_shared>> -> memref<640xf32, #tpu.memory_space<vmem_shared>>
      %dma_wait3A_98 = arith.constant 8960 : i32
      %dma_wait3A_99 = tpu.memref_slice %arg6[%dma_wait3A_98] : memref<10240xf32, #tpu.memory_space<vmem>> -> memref<640xf32, #tpu.memory_space<vmem>>
      %dma_wait3A_100 = tpu.memref_slice %arg8[%add3A_76] : memref<163840xf32, #tpu.memory_space<vmem_shared>> -> memref<640xf32, #tpu.memory_space<vmem_shared>>
      tpu.wait_dma2 semaphore(%run_scoped3A : memref<!tpu.dma_semaphore, #tpu.memory_space<semaphore_mem>>) src(%dma_wait3A_100 : memref<640xf32, #tpu.memory_space<vmem_shared>>) dst(%dma_wait3A_99 : memref<640xf32, #tpu.memory_space<vmem>>)
      tpu.yield
    }) : () -> ()
    %mul3A_77 = arith.constant 640 : i32
    %mul3A_78 = arith.muli %arg1, %mul3A_77 : i32
    %add3A_79 = arith.constant 153600 : i32
    %add3A_80 = arith.addi %add3A_79, %mul3A_78 : i32
    "tpu.region"() ({
      %run_scoped3A = tpu.sem_alloc : memref<!tpu.dma_semaphore, #tpu.memory_space<semaphore_mem>>
      %dma_start3A = arith.constant 9600 : i32
      %dma_start3A_91 = tpu.memref_slice %arg6[%dma_start3A] : memref<10240xf32, #tpu.memory_space<vmem>> -> memref<640xf32, #tpu.memory_space<vmem>>
      %dma_start3A_92 = tpu.memref_slice %arg8[%add3A_80] : memref<163840xf32, #tpu.memory_space<vmem_shared>> -> memref<640xf32, #tpu.memory_space<vmem_shared>>
      %dma_start3A_93 = arith.constant 9600 : i32
      %dma_start3A_94 = tpu.memref_slice %arg6[%dma_start3A_93] : memref<10240xf32, #tpu.memory_space<vmem>> -> memref<640xf32, #tpu.memory_space<vmem>>
      %dma_start3A_95 = tpu.memref_slice %arg8[%add3A_80] : memref<163840xf32, #tpu.memory_space<vmem_shared>> -> memref<640xf32, #tpu.memory_space<vmem_shared>>
      tpu.enqueue_dma source(%dma_start3A_95 : memref<640xf32, #tpu.memory_space<vmem_shared>>) target(%dma_start3A_94 : memref<640xf32, #tpu.memory_space<vmem>>) target_semaphore(%run_scoped3A : memref<!tpu.dma_semaphore, #tpu.memory_space<semaphore_mem>>)
      %dma_wait3A = arith.constant 9600 : i32
      %dma_wait3A_96 = tpu.memref_slice %arg6[%dma_wait3A] : memref<10240xf32, #tpu.memory_space<vmem>> -> memref<640xf32, #tpu.memory_space<vmem>>
      %dma_wait3A_97 = tpu.memref_slice %arg8[%add3A_80] : memref<163840xf32, #tpu.memory_space<vmem_shared>> -> memref<640xf32, #tpu.memory_space<vmem_shared>>
      %dma_wait3A_98 = arith.constant 9600 : i32
      %dma_wait3A_99 = tpu.memref_slice %arg6[%dma_wait3A_98] : memref<10240xf32, #tpu.memory_space<vmem>> -> memref<640xf32, #tpu.memory_space<vmem>>
      %dma_wait3A_100 = tpu.memref_slice %arg8[%add3A_80] : memref<163840xf32, #tpu.memory_space<vmem_shared>> -> memref<640xf32, #tpu.memory_space<vmem_shared>>
      tpu.wait_dma2 semaphore(%run_scoped3A : memref<!tpu.dma_semaphore, #tpu.memory_space<semaphore_mem>>) src(%dma_wait3A_100 : memref<640xf32, #tpu.memory_space<vmem_shared>>) dst(%dma_wait3A_99 : memref<640xf32, #tpu.memory_space<vmem>>)
      tpu.yield
    }) : () -> ()
    %scan3A_81 = arith.constant 0 : i32
    %scan3A_82 = arith.constant 40 : i32
    %scan3A_83 = arith.addi %scan3A_81, %scan3A_82 : i32
    %scan3A_84 = arith.constant 1 : i32
    scf.for %scan3A_91 = %scan3A_81 to %scan3A_83 step %scan3A_84  : i32 {
      %broadcast_in_dim3A_92 = arith.constant 0.000000e+00 : f32
      %broadcast_in_dim3A_93 = vector.broadcast %broadcast_in_dim3A_92 : f32 to vector<16xf32>
      %mul3A_94 = arith.constant 16 : i32
      %mul3A_95 = arith.muli %scan3A_91, %mul3A_94 : i32
      %add3A_96 = arith.constant 0 : i32
      %add3A_97 = arith.addi %add3A_96, %mul3A_95 : i32
      %get3A = arith.index_cast %add3A_97 : i32 to index
      %get3A_98 = tpu.vector_load %arg6[%get3A] {strides = array<i32>} : memref<10240xf32, #tpu.memory_space<vmem>>, vector<16xf32>,
      %add3A_99 = arith.addf %broadcast_in_dim3A_93, %get3A_98 : vector<16xf32>
      %mul3A_100 = arith.constant 16 : i32
      %mul3A_101 = arith.muli %scan3A_91, %mul3A_100 : i32
      %add3A_102 = arith.constant 640 : i32
      %add3A_103 = arith.addi %add3A_102, %mul3A_101 : i32
      %get3A_104 = arith.index_cast %add3A_103 : i32 to index
      %get3A_105 = tpu.vector_load %arg6[%get3A_104] {strides = array<i32>} : memref<10240xf32, #tpu.memory_space<vmem>>, vector<16xf32>,
      %add3A_106 = arith.addf %add3A_99, %get3A_105 : vector<16xf32>
      %mul3A_107 = arith.constant 16 : i32
      %mul3A_108 = arith.muli %scan3A_91, %mul3A_107 : i32
      %add3A_109 = arith.constant 1280 : i32
      %add3A_110 = arith.addi %add3A_109, %mul3A_108 : i32
      %get3A_111 = arith.index_cast %add3A_110 : i32 to index
      %get3A_112 = tpu.vector_load %arg6[%get3A_111] {strides = array<i32>} : memref<10240xf32, #tpu.memory_space<vmem>>, vector<16xf32>,
      %add3A_113 = arith.addf %add3A_106, %get3A_112 : vector<16xf32>
      %mul3A_114 = arith.constant 16 : i32
      %mul3A_115 = arith.muli %scan3A_91, %mul3A_114 : i32
      %add3A_116 = arith.constant 1920 : i32
      %add3A_117 = arith.addi %add3A_116, %mul3A_115 : i32
      %get3A_118 = arith.index_cast %add3A_117 : i32 to index
      %get3A_119 = tpu.vector_load %arg6[%get3A_118] {strides = array<i32>} : memref<10240xf32, #tpu.memory_space<vmem>>, vector<16xf32>,
      %add3A_120 = arith.addf %add3A_113, %get3A_119 : vector<16xf32>
      %mul3A_121 = arith.constant 16 : i32
      %mul3A_122 = arith.muli %scan3A_91, %mul3A_121 : i32
      %add3A_123 = arith.constant 2560 : i32
      %add3A_124 = arith.addi %add3A_123, %mul3A_122 : i32
      %get3A_125 = arith.index_cast %add3A_124 : i32 to index
      %get3A_126 = tpu.vector_load %arg6[%get3A_125] {strides = array<i32>} : memref<10240xf32, #tpu.memory_space<vmem>>, vector<16xf32>,
      %add3A_127 = arith.addf %add3A_120, %get3A_126 : vector<16xf32>
      %mul3A_128 = arith.constant 16 : i32
      %mul3A_129 = arith.muli %scan3A_91, %mul3A_128 : i32
      %add3A_130 = arith.constant 3200 : i32
      %add3A_131 = arith.addi %add3A_130, %mul3A_129 : i32
      %get3A_132 = arith.index_cast %add3A_131 : i32 to index
      %get3A_133 = tpu.vector_load %arg6[%get3A_132] {strides = array<i32>} : memref<10240xf32, #tpu.memory_space<vmem>>, vector<16xf32>,
      %add3A_134 = arith.addf %add3A_127, %get3A_133 : vector<16xf32>
      %mul3A_135 = arith.constant 16 : i32
      %mul3A_136 = arith.muli %scan3A_91, %mul3A_135 : i32
      %add3A_137 = arith.constant 3840 : i32
      %add3A_138 = arith.addi %add3A_137, %mul3A_136 : i32
      %get3A_139 = arith.index_cast %add3A_138 : i32 to index
      %get3A_140 = tpu.vector_load %arg6[%get3A_139] {strides = array<i32>} : memref<10240xf32, #tpu.memory_space<vmem>>, vector<16xf32>,
      %add3A_141 = arith.addf %add3A_134, %get3A_140 : vector<16xf32>
      %mul3A_142 = arith.constant 16 : i32
      %mul3A_143 = arith.muli %scan3A_91, %mul3A_142 : i32
      %add3A_144 = arith.constant 4480 : i32
      %add3A_145 = arith.addi %add3A_144, %mul3A_143 : i32
      %get3A_146 = arith.index_cast %add3A_145 : i32 to index
      %get3A_147 = tpu.vector_load %arg6[%get3A_146] {strides = array<i32>} : memref<10240xf32, #tpu.memory_space<vmem>>, vector<16xf32>,
      %add3A_148 = arith.addf %add3A_141, %get3A_147 : vector<16xf32>
      %mul3A_149 = arith.constant 16 : i32
      %mul3A_150 = arith.muli %scan3A_91, %mul3A_149 : i32
      %add3A_151 = arith.constant 5120 : i32
      %add3A_152 = arith.addi %add3A_151, %mul3A_150 : i32
      %get3A_153 = arith.index_cast %add3A_152 : i32 to index
      %get3A_154 = tpu.vector_load %arg6[%get3A_153] {strides = array<i32>} : memref<10240xf32, #tpu.memory_space<vmem>>, vector<16xf32>,
      %add3A_155 = arith.addf %add3A_148, %get3A_154 : vector<16xf32>
      %mul3A_156 = arith.constant 16 : i32
      %mul3A_157 = arith.muli %scan3A_91, %mul3A_156 : i32
      %add3A_158 = arith.constant 5760 : i32
      %add3A_159 = arith.addi %add3A_158, %mul3A_157 : i32
      %get3A_160 = arith.index_cast %add3A_159 : i32 to index
      %get3A_161 = tpu.vector_load %arg6[%get3A_160] {strides = array<i32>} : memref<10240xf32, #tpu.memory_space<vmem>>, vector<16xf32>,
      %add3A_162 = arith.addf %add3A_155, %get3A_161 : vector<16xf32>
      %mul3A_163 = arith.constant 16 : i32
      %mul3A_164 = arith.muli %scan3A_91, %mul3A_163 : i32
      %add3A_165 = arith.constant 6400 : i32
      %add3A_166 = arith.addi %add3A_165, %mul3A_164 : i32
      %get3A_167 = arith.index_cast %add3A_166 : i32 to index
      %get3A_168 = tpu.vector_load %arg6[%get3A_167] {strides = array<i32>} : memref<10240xf32, #tpu.memory_space<vmem>>, vector<16xf32>,
      %add3A_169 = arith.addf %add3A_162, %get3A_168 : vector<16xf32>
      %mul3A_170 = arith.constant 16 : i32
      %mul3A_171 = arith.muli %scan3A_91, %mul3A_170 : i32
      %add3A_172 = arith.constant 7040 : i32
      %add3A_173 = arith.addi %add3A_172, %mul3A_171 : i32
      %get3A_174 = arith.index_cast %add3A_173 : i32 to index
      %get3A_175 = tpu.vector_load %arg6[%get3A_174] {strides = array<i32>} : memref<10240xf32, #tpu.memory_space<vmem>>, vector<16xf32>,
      %add3A_176 = arith.addf %add3A_169, %get3A_175 : vector<16xf32>
      %mul3A_177 = arith.constant 16 : i32
      %mul3A_178 = arith.muli %scan3A_91, %mul3A_177 : i32
      %add3A_179 = arith.constant 7680 : i32
      %add3A_180 = arith.addi %add3A_179, %mul3A_178 : i32
      %get3A_181 = arith.index_cast %add3A_180 : i32 to index
      %get3A_182 = tpu.vector_load %arg6[%get3A_181] {strides = array<i32>} : memref<10240xf32, #tpu.memory_space<vmem>>, vector<16xf32>,
      %add3A_183 = arith.addf %add3A_176, %get3A_182 : vector<16xf32>
      %mul3A_184 = arith.constant 16 : i32
      %mul3A_185 = arith.muli %scan3A_91, %mul3A_184 : i32
      %add3A_186 = arith.constant 8320 : i32
      %add3A_187 = arith.addi %add3A_186, %mul3A_185 : i32
      %get3A_188 = arith.index_cast %add3A_187 : i32 to index
      %get3A_189 = tpu.vector_load %arg6[%get3A_188] {strides = array<i32>} : memref<10240xf32, #tpu.memory_space<vmem>>, vector<16xf32>,
      %add3A_190 = arith.addf %add3A_183, %get3A_189 : vector<16xf32>
      %mul3A_191 = arith.constant 16 : i32
      %mul3A_192 = arith.muli %scan3A_91, %mul3A_191 : i32
      %add3A_193 = arith.constant 8960 : i32
      %add3A_194 = arith.addi %add3A_193, %mul3A_192 : i32
      %get3A_195 = arith.index_cast %add3A_194 : i32 to index
      %get3A_196 = tpu.vector_load %arg6[%get3A_195] {strides = array<i32>} : memref<10240xf32, #tpu.memory_space<vmem>>, vector<16xf32>,
      %add3A_197 = arith.addf %add3A_190, %get3A_196 : vector<16xf32>
      %mul3A_198 = arith.constant 16 : i32
      %mul3A_199 = arith.muli %scan3A_91, %mul3A_198 : i32
      %add3A_200 = arith.constant 9600 : i32
      %add3A_201 = arith.addi %add3A_200, %mul3A_199 : i32
      %get3A_202 = arith.index_cast %add3A_201 : i32 to index
      %get3A_203 = tpu.vector_load %arg6[%get3A_202] {strides = array<i32>} : memref<10240xf32, #tpu.memory_space<vmem>>, vector<16xf32>,
      %add3A_204 = arith.addf %add3A_197, %get3A_203 : vector<16xf32>
      %mul3A_205 = arith.constant 16 : i32
      %mul3A_206 = arith.muli %scan3A_91, %mul3A_205 : i32
      %swap3A = arith.index_cast %mul3A_206 : i32 to index
      %swap3A_207 = tpu.vector_load %arg7[%swap3A] {strides = array<i32>} : memref<640xf32, #tpu.memory_space<vmem>>, vector<16xf32>,
      tpu.vector_store %arg7[%swap3A], %add3A_204 {strides = array<i32>} : memref<640xf32, #tpu.memory_space<vmem>>, vector<16xf32>,
    }
    %scan3A_85 = arith.constant 40 : i32
    %mul3A_86 = arith.constant 10240 : i32
    %mul3A_87 = arith.muli %arg0, %mul3A_86 : i32
    %mul3A_88 = arith.constant 640 : i32
    %mul3A_89 = arith.muli %arg1, %mul3A_88 : i32
    %add3A_90 = arith.addi %mul3A_87, %mul3A_89 : i32
    "tpu.region"() ({
      %run_scoped3A = tpu.sem_alloc : memref<!tpu.dma_semaphore, #tpu.memory_space<semaphore_mem>>
      %dma_start3A = tpu.memref_slice %arg3[%add3A_90] : memref<20480xf32, #tpu.memory_space<hbm>> -> memref<640xf32, #tpu.memory_space<hbm>>
      %dma_start3A_91 = tpu.memref_slice %arg3[%add3A_90] : memref<20480xf32, #tpu.memory_space<hbm>> -> memref<640xf32, #tpu.memory_space<hbm>>
      tpu.enqueue_dma source(%arg7 : memref<640xf32, #tpu.memory_space<vmem>>) target(%dma_start3A_91 : memref<640xf32, #tpu.memory_space<hbm>>) target_semaphore(%run_scoped3A : memref<!tpu.dma_semaphore, #tpu.memory_space<semaphore_mem>>)
      %dma_wait3A = tpu.memref_slice %arg3[%add3A_90] : memref<20480xf32, #tpu.memory_space<hbm>> -> memref<640xf32, #tpu.memory_space<hbm>>
      %dma_wait3A_92 = tpu.memref_slice %arg3[%add3A_90] : memref<20480xf32, #tpu.memory_space<hbm>> -> memref<640xf32, #tpu.memory_space<hbm>>
      tpu.wait_dma2 semaphore(%run_scoped3A : memref<!tpu.dma_semaphore, #tpu.memory_space<semaphore_mem>>) src(%arg7 : memref<640xf32, #tpu.memory_space<vmem>>) dst(%dma_wait3A_92 : memref<640xf32, #tpu.memory_space<hbm>>)
      tpu.yield
    }) : () -> ()
    return
  }
}

#map = affine_map<(d0, d1) -> (0)>
module attributes {stable_mosaic.version = 14 : i64} {
  func.func @_cs(%arg0: i32, %arg1: i32, %arg2: memref<327680xi32, #tpu.memory_space<hbm>>, %arg3: memref<327680xi32, #tpu.memory_space<hbm>>, %arg4: memref<10240xf32, #tpu.memory_space<hbm>>, %arg5: memref<20480xf32, #tpu.memory_space<hbm>>, %arg6: memref<10240xi32, #tpu.memory_space<vmem>>, %arg7: memref<10240xi32, #tpu.memory_space<vmem>>, %arg8: memref<10240xf32, #tpu.memory_space<vmem>>, %arg9: memref<10240xf32, #tpu.memory_space<vmem>>, %arg10: memref<10240xf32, #tpu.memory_space<vmem>>, %arg11: memref<640xf32, #tpu.memory_space<vmem>>, %arg12: memref<163840xf32, #tpu.memory_space<vmem_shared>>) attributes {dimension_semantics = [#tpu.dimension_semantics<core_parallel>, #tpu.dimension_semantics<subcore_parallel>], iteration_bounds = array<i64: 2, 16>, scalar_prefetch = 0 : i64, scratch_operands = 7 : i64, tpu.core_type = #tpu.core_type<sc_vector_subcore>, window_params = [{transform_indices = #map}, {transform_indices = #map}, {transform_indices = #map}, {transform_indices = #map}]} {
    %mul3A = arith.constant 16 : i32
    %mul3A_0 = arith.muli %arg0, %mul3A : i32
    %add3A = arith.addi %mul3A_0, %arg1 : i32
    %mul3A_1 = arith.constant 10240 : i32
    %mul3A_2 = arith.muli %add3A, %mul3A_1 : i32
    "tpu.region"() ({
      %run_scoped3A = tpu.sem_alloc : memref<!tpu.dma_semaphore, #tpu.memory_space<semaphore_mem>>
      %dma_start3A = tpu.memref_slice %arg2[%mul3A_2] : memref<327680xi32, #tpu.memory_space<hbm>> -> memref<10240xi32, #tpu.memory_space<hbm>>
      %dma_start3A_91 = tpu.memref_slice %arg2[%mul3A_2] : memref<327680xi32, #tpu.memory_space<hbm>> -> memref<10240xi32, #tpu.memory_space<hbm>>
      tpu.enqueue_dma source(%dma_start3A_91 : memref<10240xi32, #tpu.memory_space<hbm>>) target(%arg6 : memref<10240xi32, #tpu.memory_space<vmem>>) target_semaphore(%run_scoped3A : memref<!tpu.dma_semaphore, #tpu.memory_space<semaphore_mem>>)
      %dma_wait3A = tpu.memref_slice %arg2[%mul3A_2] : memref<327680xi32, #tpu.memory_space<hbm>> -> memref<10240xi32, #tpu.memory_space<hbm>>
      %dma_wait3A_92 = tpu.memref_slice %arg2[%mul3A_2] : memref<327680xi32, #tpu.memory_space<hbm>> -> memref<10240xi32, #tpu.memory_space<hbm>>
      tpu.wait_dma2 semaphore(%run_scoped3A : memref<!tpu.dma_semaphore, #tpu.memory_space<semaphore_mem>>) src(%dma_wait3A_92 : memref<10240xi32, #tpu.memory_space<hbm>>) dst(%arg6 : memref<10240xi32, #tpu.memory_space<vmem>>)
      tpu.yield
    }) : () -> ()
    %mul3A_3 = arith.constant 10240 : i32
    %mul3A_4 = arith.muli %add3A, %mul3A_3 : i32
    "tpu.region"() ({
      %run_scoped3A = tpu.sem_alloc : memref<!tpu.dma_semaphore, #tpu.memory_space<semaphore_mem>>
      %dma_start3A = tpu.memref_slice %arg3[%mul3A_4] : memref<327680xi32, #tpu.memory_space<hbm>> -> memref<10240xi32, #tpu.memory_space<hbm>>
      %dma_start3A_91 = tpu.memref_slice %arg3[%mul3A_4] : memref<327680xi32, #tpu.memory_space<hbm>> -> memref<10240xi32, #tpu.memory_space<hbm>>
      tpu.enqueue_dma source(%dma_start3A_91 : memref<10240xi32, #tpu.memory_space<hbm>>) target(%arg7 : memref<10240xi32, #tpu.memory_space<vmem>>) target_semaphore(%run_scoped3A : memref<!tpu.dma_semaphore, #tpu.memory_space<semaphore_mem>>)
      %dma_wait3A = tpu.memref_slice %arg3[%mul3A_4] : memref<327680xi32, #tpu.memory_space<hbm>> -> memref<10240xi32, #tpu.memory_space<hbm>>
      %dma_wait3A_92 = tpu.memref_slice %arg3[%mul3A_4] : memref<327680xi32, #tpu.memory_space<hbm>> -> memref<10240xi32, #tpu.memory_space<hbm>>
      tpu.wait_dma2 semaphore(%run_scoped3A : memref<!tpu.dma_semaphore, #tpu.memory_space<semaphore_mem>>) src(%dma_wait3A_92 : memref<10240xi32, #tpu.memory_space<hbm>>) dst(%arg7 : memref<10240xi32, #tpu.memory_space<vmem>>)
      tpu.yield
    }) : () -> ()
    "tpu.region"() ({
      %run_scoped3A = tpu.sem_alloc : memref<!tpu.dma_semaphore, #tpu.memory_space<semaphore_mem>>
      tpu.enqueue_dma source(%arg4 : memref<10240xf32, #tpu.memory_space<hbm>>) target(%arg8 : memref<10240xf32, #tpu.memory_space<vmem>>) target_semaphore(%run_scoped3A : memref<!tpu.dma_semaphore, #tpu.memory_space<semaphore_mem>>)
      tpu.wait_dma2 semaphore(%run_scoped3A : memref<!tpu.dma_semaphore, #tpu.memory_space<semaphore_mem>>) src(%arg4 : memref<10240xf32, #tpu.memory_space<hbm>>) dst(%arg8 : memref<10240xf32, #tpu.memory_space<vmem>>)
      tpu.yield
    }) : () -> ()
    %broadcast_in_dim3A = arith.constant 0.000000e+00 : f32
    %broadcast_in_dim3A_5 = vector.broadcast %broadcast_in_dim3A : f32 to vector<16xf32>
    %scan3A = arith.constant 0 : i32
    %scan3A_6 = arith.constant 640 : i32
    %scan3A_7 = arith.addi %scan3A, %scan3A_6 : i32
    %scan3A_8 = arith.constant 1 : i32
    scf.for %scan3A_91 = %scan3A to %scan3A_7 step %scan3A_8  : i32 {
      %mul3A_92 = arith.constant 16 : i32
      %mul3A_93 = arith.muli %scan3A_91, %mul3A_92 : i32
      %swap3A = arith.index_cast %mul3A_93 : i32 to index
      %swap3A_94 = tpu.vector_load %arg9[%swap3A] {strides = array<i32>} : memref<10240xf32, #tpu.memory_space<vmem>>, vector<16xf32>,
      tpu.vector_store %arg9[%swap3A], %broadcast_in_dim3A_5 {strides = array<i32>} : memref<10240xf32, #tpu.memory_space<vmem>>, vector<16xf32>,
    }
    %scan3A_9 = arith.constant 640 : i32
    %scan3A_10 = arith.constant 0 : i32
    %scan3A_11 = arith.constant 640 : i32
    %scan3A_12 = arith.addi %scan3A_10, %scan3A_11 : i32
    %scan3A_13 = arith.constant 1 : i32
    scf.for %scan3A_91 = %scan3A_10 to %scan3A_12 step %scan3A_13  : i32 {
      %mul3A_92 = arith.constant 16 : i32
      %mul3A_93 = arith.muli %scan3A_91, %mul3A_92 : i32
      %get3A = arith.index_cast %mul3A_93 : i32 to index
      %get3A_94 = tpu.vector_load %arg7[%get3A] {strides = array<i32>} : memref<10240xi32, #tpu.memory_space<vmem>>, vector<16xi32>,
      %mul3A_95 = arith.constant 16 : i32
      %mul3A_96 = arith.muli %scan3A_91, %mul3A_95 : i32
      %get3A_97 = arith.index_cast %mul3A_96 : i32 to index
      %get3A_98 = tpu.vector_load %arg6[%get3A_97] {strides = array<i32>} : memref<10240xi32, #tpu.memory_space<vmem>>, vector<16xi32>,
      %gather3A = tpu.vector_load_idx %arg8[%get3A_94] : memref<10240xf32, #tpu.memory_space<vmem>>[vector<16xi32>], vector<16xf32>,
      tpu.vector_store_idx %arg9[%get3A_98], %gather3A {add = true} : memref<10240xf32, #tpu.memory_space<vmem>>[vector<16xi32>], vector<16xf32>,
    }
    %scan3A_14 = arith.constant 640 : i32
    %mul3A_15 = arith.constant 10240 : i32
    %mul3A_16 = arith.muli %arg1, %mul3A_15 : i32
    "tpu.region"() ({
      %run_scoped3A = tpu.sem_alloc : memref<!tpu.dma_semaphore, #tpu.memory_space<semaphore_mem>>
      %dma_start3A = tpu.memref_slice %arg12[%mul3A_16] : memref<163840xf32, #tpu.memory_space<vmem_shared>> -> memref<10240xf32, #tpu.memory_space<vmem_shared>>
      %dma_start3A_91 = tpu.memref_slice %arg12[%mul3A_16] : memref<163840xf32, #tpu.memory_space<vmem_shared>> -> memref<10240xf32, #tpu.memory_space<vmem_shared>>
      tpu.enqueue_dma source(%arg9 : memref<10240xf32, #tpu.memory_space<vmem>>) target(%dma_start3A_91 : memref<10240xf32, #tpu.memory_space<vmem_shared>>) target_semaphore(%run_scoped3A : memref<!tpu.dma_semaphore, #tpu.memory_space<semaphore_mem>>)
      %dma_wait3A = tpu.memref_slice %arg12[%mul3A_16] : memref<163840xf32, #tpu.memory_space<vmem_shared>> -> memref<10240xf32, #tpu.memory_space<vmem_shared>>
      %dma_wait3A_92 = tpu.memref_slice %arg12[%mul3A_16] : memref<163840xf32, #tpu.memory_space<vmem_shared>> -> memref<10240xf32, #tpu.memory_space<vmem_shared>>
      tpu.wait_dma2 semaphore(%run_scoped3A : memref<!tpu.dma_semaphore, #tpu.memory_space<semaphore_mem>>) src(%arg9 : memref<10240xf32, #tpu.memory_space<vmem>>) dst(%dma_wait3A_92 : memref<10240xf32, #tpu.memory_space<vmem_shared>>)
      tpu.yield
    }) : () -> ()
    %barrier3A = arith.constant 0 : index
    tpu.barrier barrier_id(%barrier3A)
    %mul3A_17 = arith.constant 640 : i32
    %mul3A_18 = arith.muli %arg1, %mul3A_17 : i32
    %add3A_19 = arith.constant 0 : i32
    %add3A_20 = arith.addi %add3A_19, %mul3A_18 : i32
    "tpu.region"() ({
      %run_scoped3A = tpu.sem_alloc : memref<!tpu.dma_semaphore, #tpu.memory_space<semaphore_mem>>
      %dma_start3A = arith.constant 0 : i32
      %dma_start3A_91 = tpu.memref_slice %arg10[%dma_start3A] : memref<10240xf32, #tpu.memory_space<vmem>> -> memref<640xf32, #tpu.memory_space<vmem>>
      %dma_start3A_92 = tpu.memref_slice %arg12[%add3A_20] : memref<163840xf32, #tpu.memory_space<vmem_shared>> -> memref<640xf32, #tpu.memory_space<vmem_shared>>
      %dma_start3A_93 = arith.constant 0 : i32
      %dma_start3A_94 = tpu.memref_slice %arg10[%dma_start3A_93] : memref<10240xf32, #tpu.memory_space<vmem>> -> memref<640xf32, #tpu.memory_space<vmem>>
      %dma_start3A_95 = tpu.memref_slice %arg12[%add3A_20] : memref<163840xf32, #tpu.memory_space<vmem_shared>> -> memref<640xf32, #tpu.memory_space<vmem_shared>>
      tpu.enqueue_dma source(%dma_start3A_95 : memref<640xf32, #tpu.memory_space<vmem_shared>>) target(%dma_start3A_94 : memref<640xf32, #tpu.memory_space<vmem>>) target_semaphore(%run_scoped3A : memref<!tpu.dma_semaphore, #tpu.memory_space<semaphore_mem>>)
      %dma_wait3A = arith.constant 0 : i32
      %dma_wait3A_96 = tpu.memref_slice %arg10[%dma_wait3A] : memref<10240xf32, #tpu.memory_space<vmem>> -> memref<640xf32, #tpu.memory_space<vmem>>
      %dma_wait3A_97 = tpu.memref_slice %arg12[%add3A_20] : memref<163840xf32, #tpu.memory_space<vmem_shared>> -> memref<640xf32, #tpu.memory_space<vmem_shared>>
      %dma_wait3A_98 = arith.constant 0 : i32
      %dma_wait3A_99 = tpu.memref_slice %arg10[%dma_wait3A_98] : memref<10240xf32, #tpu.memory_space<vmem>> -> memref<640xf32, #tpu.memory_space<vmem>>
      %dma_wait3A_100 = tpu.memref_slice %arg12[%add3A_20] : memref<163840xf32, #tpu.memory_space<vmem_shared>> -> memref<640xf32, #tpu.memory_space<vmem_shared>>
      tpu.wait_dma2 semaphore(%run_scoped3A : memref<!tpu.dma_semaphore, #tpu.memory_space<semaphore_mem>>) src(%dma_wait3A_100 : memref<640xf32, #tpu.memory_space<vmem_shared>>) dst(%dma_wait3A_99 : memref<640xf32, #tpu.memory_space<vmem>>)
      tpu.yield
    }) : () -> ()
    %mul3A_21 = arith.constant 640 : i32
    %mul3A_22 = arith.muli %arg1, %mul3A_21 : i32
    %add3A_23 = arith.constant 10240 : i32
    %add3A_24 = arith.addi %add3A_23, %mul3A_22 : i32
    "tpu.region"() ({
      %run_scoped3A = tpu.sem_alloc : memref<!tpu.dma_semaphore, #tpu.memory_space<semaphore_mem>>
      %dma_start3A = arith.constant 640 : i32
      %dma_start3A_91 = tpu.memref_slice %arg10[%dma_start3A] : memref<10240xf32, #tpu.memory_space<vmem>> -> memref<640xf32, #tpu.memory_space<vmem>>
      %dma_start3A_92 = tpu.memref_slice %arg12[%add3A_24] : memref<163840xf32, #tpu.memory_space<vmem_shared>> -> memref<640xf32, #tpu.memory_space<vmem_shared>>
      %dma_start3A_93 = arith.constant 640 : i32
      %dma_start3A_94 = tpu.memref_slice %arg10[%dma_start3A_93] : memref<10240xf32, #tpu.memory_space<vmem>> -> memref<640xf32, #tpu.memory_space<vmem>>
      %dma_start3A_95 = tpu.memref_slice %arg12[%add3A_24] : memref<163840xf32, #tpu.memory_space<vmem_shared>> -> memref<640xf32, #tpu.memory_space<vmem_shared>>
      tpu.enqueue_dma source(%dma_start3A_95 : memref<640xf32, #tpu.memory_space<vmem_shared>>) target(%dma_start3A_94 : memref<640xf32, #tpu.memory_space<vmem>>) target_semaphore(%run_scoped3A : memref<!tpu.dma_semaphore, #tpu.memory_space<semaphore_mem>>)
      %dma_wait3A = arith.constant 640 : i32
      %dma_wait3A_96 = tpu.memref_slice %arg10[%dma_wait3A] : memref<10240xf32, #tpu.memory_space<vmem>> -> memref<640xf32, #tpu.memory_space<vmem>>
      %dma_wait3A_97 = tpu.memref_slice %arg12[%add3A_24] : memref<163840xf32, #tpu.memory_space<vmem_shared>> -> memref<640xf32, #tpu.memory_space<vmem_shared>>
      %dma_wait3A_98 = arith.constant 640 : i32
      %dma_wait3A_99 = tpu.memref_slice %arg10[%dma_wait3A_98] : memref<10240xf32, #tpu.memory_space<vmem>> -> memref<640xf32, #tpu.memory_space<vmem>>
      %dma_wait3A_100 = tpu.memref_slice %arg12[%add3A_24] : memref<163840xf32, #tpu.memory_space<vmem_shared>> -> memref<640xf32, #tpu.memory_space<vmem_shared>>
      tpu.wait_dma2 semaphore(%run_scoped3A : memref<!tpu.dma_semaphore, #tpu.memory_space<semaphore_mem>>) src(%dma_wait3A_100 : memref<640xf32, #tpu.memory_space<vmem_shared>>) dst(%dma_wait3A_99 : memref<640xf32, #tpu.memory_space<vmem>>)
      tpu.yield
    }) : () -> ()
    %mul3A_25 = arith.constant 640 : i32
    %mul3A_26 = arith.muli %arg1, %mul3A_25 : i32
    %add3A_27 = arith.constant 20480 : i32
    %add3A_28 = arith.addi %add3A_27, %mul3A_26 : i32
    "tpu.region"() ({
      %run_scoped3A = tpu.sem_alloc : memref<!tpu.dma_semaphore, #tpu.memory_space<semaphore_mem>>
      %dma_start3A = arith.constant 1280 : i32
      %dma_start3A_91 = tpu.memref_slice %arg10[%dma_start3A] : memref<10240xf32, #tpu.memory_space<vmem>> -> memref<640xf32, #tpu.memory_space<vmem>>
      %dma_start3A_92 = tpu.memref_slice %arg12[%add3A_28] : memref<163840xf32, #tpu.memory_space<vmem_shared>> -> memref<640xf32, #tpu.memory_space<vmem_shared>>
      %dma_start3A_93 = arith.constant 1280 : i32
      %dma_start3A_94 = tpu.memref_slice %arg10[%dma_start3A_93] : memref<10240xf32, #tpu.memory_space<vmem>> -> memref<640xf32, #tpu.memory_space<vmem>>
      %dma_start3A_95 = tpu.memref_slice %arg12[%add3A_28] : memref<163840xf32, #tpu.memory_space<vmem_shared>> -> memref<640xf32, #tpu.memory_space<vmem_shared>>
      tpu.enqueue_dma source(%dma_start3A_95 : memref<640xf32, #tpu.memory_space<vmem_shared>>) target(%dma_start3A_94 : memref<640xf32, #tpu.memory_space<vmem>>) target_semaphore(%run_scoped3A : memref<!tpu.dma_semaphore, #tpu.memory_space<semaphore_mem>>)
      %dma_wait3A = arith.constant 1280 : i32
      %dma_wait3A_96 = tpu.memref_slice %arg10[%dma_wait3A] : memref<10240xf32, #tpu.memory_space<vmem>> -> memref<640xf32, #tpu.memory_space<vmem>>
      %dma_wait3A_97 = tpu.memref_slice %arg12[%add3A_28] : memref<163840xf32, #tpu.memory_space<vmem_shared>> -> memref<640xf32, #tpu.memory_space<vmem_shared>>
      %dma_wait3A_98 = arith.constant 1280 : i32
      %dma_wait3A_99 = tpu.memref_slice %arg10[%dma_wait3A_98] : memref<10240xf32, #tpu.memory_space<vmem>> -> memref<640xf32, #tpu.memory_space<vmem>>
      %dma_wait3A_100 = tpu.memref_slice %arg12[%add3A_28] : memref<163840xf32, #tpu.memory_space<vmem_shared>> -> memref<640xf32, #tpu.memory_space<vmem_shared>>
      tpu.wait_dma2 semaphore(%run_scoped3A : memref<!tpu.dma_semaphore, #tpu.memory_space<semaphore_mem>>) src(%dma_wait3A_100 : memref<640xf32, #tpu.memory_space<vmem_shared>>) dst(%dma_wait3A_99 : memref<640xf32, #tpu.memory_space<vmem>>)
      tpu.yield
    }) : () -> ()
    %mul3A_29 = arith.constant 640 : i32
    %mul3A_30 = arith.muli %arg1, %mul3A_29 : i32
    %add3A_31 = arith.constant 30720 : i32
    %add3A_32 = arith.addi %add3A_31, %mul3A_30 : i32
    "tpu.region"() ({
      %run_scoped3A = tpu.sem_alloc : memref<!tpu.dma_semaphore, #tpu.memory_space<semaphore_mem>>
      %dma_start3A = arith.constant 1920 : i32
      %dma_start3A_91 = tpu.memref_slice %arg10[%dma_start3A] : memref<10240xf32, #tpu.memory_space<vmem>> -> memref<640xf32, #tpu.memory_space<vmem>>
      %dma_start3A_92 = tpu.memref_slice %arg12[%add3A_32] : memref<163840xf32, #tpu.memory_space<vmem_shared>> -> memref<640xf32, #tpu.memory_space<vmem_shared>>
      %dma_start3A_93 = arith.constant 1920 : i32
      %dma_start3A_94 = tpu.memref_slice %arg10[%dma_start3A_93] : memref<10240xf32, #tpu.memory_space<vmem>> -> memref<640xf32, #tpu.memory_space<vmem>>
      %dma_start3A_95 = tpu.memref_slice %arg12[%add3A_32] : memref<163840xf32, #tpu.memory_space<vmem_shared>> -> memref<640xf32, #tpu.memory_space<vmem_shared>>
      tpu.enqueue_dma source(%dma_start3A_95 : memref<640xf32, #tpu.memory_space<vmem_shared>>) target(%dma_start3A_94 : memref<640xf32, #tpu.memory_space<vmem>>) target_semaphore(%run_scoped3A : memref<!tpu.dma_semaphore, #tpu.memory_space<semaphore_mem>>)
      %dma_wait3A = arith.constant 1920 : i32
      %dma_wait3A_96 = tpu.memref_slice %arg10[%dma_wait3A] : memref<10240xf32, #tpu.memory_space<vmem>> -> memref<640xf32, #tpu.memory_space<vmem>>
      %dma_wait3A_97 = tpu.memref_slice %arg12[%add3A_32] : memref<163840xf32, #tpu.memory_space<vmem_shared>> -> memref<640xf32, #tpu.memory_space<vmem_shared>>
      %dma_wait3A_98 = arith.constant 1920 : i32
      %dma_wait3A_99 = tpu.memref_slice %arg10[%dma_wait3A_98] : memref<10240xf32, #tpu.memory_space<vmem>> -> memref<640xf32, #tpu.memory_space<vmem>>
      %dma_wait3A_100 = tpu.memref_slice %arg12[%add3A_32] : memref<163840xf32, #tpu.memory_space<vmem_shared>> -> memref<640xf32, #tpu.memory_space<vmem_shared>>
      tpu.wait_dma2 semaphore(%run_scoped3A : memref<!tpu.dma_semaphore, #tpu.memory_space<semaphore_mem>>) src(%dma_wait3A_100 : memref<640xf32, #tpu.memory_space<vmem_shared>>) dst(%dma_wait3A_99 : memref<640xf32, #tpu.memory_space<vmem>>)
      tpu.yield
    }) : () -> ()
    %mul3A_33 = arith.constant 640 : i32
    %mul3A_34 = arith.muli %arg1, %mul3A_33 : i32
    %add3A_35 = arith.constant 40960 : i32
    %add3A_36 = arith.addi %add3A_35, %mul3A_34 : i32
    "tpu.region"() ({
      %run_scoped3A = tpu.sem_alloc : memref<!tpu.dma_semaphore, #tpu.memory_space<semaphore_mem>>
      %dma_start3A = arith.constant 2560 : i32
      %dma_start3A_91 = tpu.memref_slice %arg10[%dma_start3A] : memref<10240xf32, #tpu.memory_space<vmem>> -> memref<640xf32, #tpu.memory_space<vmem>>
      %dma_start3A_92 = tpu.memref_slice %arg12[%add3A_36] : memref<163840xf32, #tpu.memory_space<vmem_shared>> -> memref<640xf32, #tpu.memory_space<vmem_shared>>
      %dma_start3A_93 = arith.constant 2560 : i32
      %dma_start3A_94 = tpu.memref_slice %arg10[%dma_start3A_93] : memref<10240xf32, #tpu.memory_space<vmem>> -> memref<640xf32, #tpu.memory_space<vmem>>
      %dma_start3A_95 = tpu.memref_slice %arg12[%add3A_36] : memref<163840xf32, #tpu.memory_space<vmem_shared>> -> memref<640xf32, #tpu.memory_space<vmem_shared>>
      tpu.enqueue_dma source(%dma_start3A_95 : memref<640xf32, #tpu.memory_space<vmem_shared>>) target(%dma_start3A_94 : memref<640xf32, #tpu.memory_space<vmem>>) target_semaphore(%run_scoped3A : memref<!tpu.dma_semaphore, #tpu.memory_space<semaphore_mem>>)
      %dma_wait3A = arith.constant 2560 : i32
      %dma_wait3A_96 = tpu.memref_slice %arg10[%dma_wait3A] : memref<10240xf32, #tpu.memory_space<vmem>> -> memref<640xf32, #tpu.memory_space<vmem>>
      %dma_wait3A_97 = tpu.memref_slice %arg12[%add3A_36] : memref<163840xf32, #tpu.memory_space<vmem_shared>> -> memref<640xf32, #tpu.memory_space<vmem_shared>>
      %dma_wait3A_98 = arith.constant 2560 : i32
      %dma_wait3A_99 = tpu.memref_slice %arg10[%dma_wait3A_98] : memref<10240xf32, #tpu.memory_space<vmem>> -> memref<640xf32, #tpu.memory_space<vmem>>
      %dma_wait3A_100 = tpu.memref_slice %arg12[%add3A_36] : memref<163840xf32, #tpu.memory_space<vmem_shared>> -> memref<640xf32, #tpu.memory_space<vmem_shared>>
      tpu.wait_dma2 semaphore(%run_scoped3A : memref<!tpu.dma_semaphore, #tpu.memory_space<semaphore_mem>>) src(%dma_wait3A_100 : memref<640xf32, #tpu.memory_space<vmem_shared>>) dst(%dma_wait3A_99 : memref<640xf32, #tpu.memory_space<vmem>>)
      tpu.yield
    }) : () -> ()
    %mul3A_37 = arith.constant 640 : i32
    %mul3A_38 = arith.muli %arg1, %mul3A_37 : i32
    %add3A_39 = arith.constant 51200 : i32
    %add3A_40 = arith.addi %add3A_39, %mul3A_38 : i32
    "tpu.region"() ({
      %run_scoped3A = tpu.sem_alloc : memref<!tpu.dma_semaphore, #tpu.memory_space<semaphore_mem>>
      %dma_start3A = arith.constant 3200 : i32
      %dma_start3A_91 = tpu.memref_slice %arg10[%dma_start3A] : memref<10240xf32, #tpu.memory_space<vmem>> -> memref<640xf32, #tpu.memory_space<vmem>>
      %dma_start3A_92 = tpu.memref_slice %arg12[%add3A_40] : memref<163840xf32, #tpu.memory_space<vmem_shared>> -> memref<640xf32, #tpu.memory_space<vmem_shared>>
      %dma_start3A_93 = arith.constant 3200 : i32
      %dma_start3A_94 = tpu.memref_slice %arg10[%dma_start3A_93] : memref<10240xf32, #tpu.memory_space<vmem>> -> memref<640xf32, #tpu.memory_space<vmem>>
      %dma_start3A_95 = tpu.memref_slice %arg12[%add3A_40] : memref<163840xf32, #tpu.memory_space<vmem_shared>> -> memref<640xf32, #tpu.memory_space<vmem_shared>>
      tpu.enqueue_dma source(%dma_start3A_95 : memref<640xf32, #tpu.memory_space<vmem_shared>>) target(%dma_start3A_94 : memref<640xf32, #tpu.memory_space<vmem>>) target_semaphore(%run_scoped3A : memref<!tpu.dma_semaphore, #tpu.memory_space<semaphore_mem>>)
      %dma_wait3A = arith.constant 3200 : i32
      %dma_wait3A_96 = tpu.memref_slice %arg10[%dma_wait3A] : memref<10240xf32, #tpu.memory_space<vmem>> -> memref<640xf32, #tpu.memory_space<vmem>>
      %dma_wait3A_97 = tpu.memref_slice %arg12[%add3A_40] : memref<163840xf32, #tpu.memory_space<vmem_shared>> -> memref<640xf32, #tpu.memory_space<vmem_shared>>
      %dma_wait3A_98 = arith.constant 3200 : i32
      %dma_wait3A_99 = tpu.memref_slice %arg10[%dma_wait3A_98] : memref<10240xf32, #tpu.memory_space<vmem>> -> memref<640xf32, #tpu.memory_space<vmem>>
      %dma_wait3A_100 = tpu.memref_slice %arg12[%add3A_40] : memref<163840xf32, #tpu.memory_space<vmem_shared>> -> memref<640xf32, #tpu.memory_space<vmem_shared>>
      tpu.wait_dma2 semaphore(%run_scoped3A : memref<!tpu.dma_semaphore, #tpu.memory_space<semaphore_mem>>) src(%dma_wait3A_100 : memref<640xf32, #tpu.memory_space<vmem_shared>>) dst(%dma_wait3A_99 : memref<640xf32, #tpu.memory_space<vmem>>)
      tpu.yield
    }) : () -> ()
    %mul3A_41 = arith.constant 640 : i32
    %mul3A_42 = arith.muli %arg1, %mul3A_41 : i32
    %add3A_43 = arith.constant 61440 : i32
    %add3A_44 = arith.addi %add3A_43, %mul3A_42 : i32
    "tpu.region"() ({
      %run_scoped3A = tpu.sem_alloc : memref<!tpu.dma_semaphore, #tpu.memory_space<semaphore_mem>>
      %dma_start3A = arith.constant 3840 : i32
      %dma_start3A_91 = tpu.memref_slice %arg10[%dma_start3A] : memref<10240xf32, #tpu.memory_space<vmem>> -> memref<640xf32, #tpu.memory_space<vmem>>
      %dma_start3A_92 = tpu.memref_slice %arg12[%add3A_44] : memref<163840xf32, #tpu.memory_space<vmem_shared>> -> memref<640xf32, #tpu.memory_space<vmem_shared>>
      %dma_start3A_93 = arith.constant 3840 : i32
      %dma_start3A_94 = tpu.memref_slice %arg10[%dma_start3A_93] : memref<10240xf32, #tpu.memory_space<vmem>> -> memref<640xf32, #tpu.memory_space<vmem>>
      %dma_start3A_95 = tpu.memref_slice %arg12[%add3A_44] : memref<163840xf32, #tpu.memory_space<vmem_shared>> -> memref<640xf32, #tpu.memory_space<vmem_shared>>
      tpu.enqueue_dma source(%dma_start3A_95 : memref<640xf32, #tpu.memory_space<vmem_shared>>) target(%dma_start3A_94 : memref<640xf32, #tpu.memory_space<vmem>>) target_semaphore(%run_scoped3A : memref<!tpu.dma_semaphore, #tpu.memory_space<semaphore_mem>>)
      %dma_wait3A = arith.constant 3840 : i32
      %dma_wait3A_96 = tpu.memref_slice %arg10[%dma_wait3A] : memref<10240xf32, #tpu.memory_space<vmem>> -> memref<640xf32, #tpu.memory_space<vmem>>
      %dma_wait3A_97 = tpu.memref_slice %arg12[%add3A_44] : memref<163840xf32, #tpu.memory_space<vmem_shared>> -> memref<640xf32, #tpu.memory_space<vmem_shared>>
      %dma_wait3A_98 = arith.constant 3840 : i32
      %dma_wait3A_99 = tpu.memref_slice %arg10[%dma_wait3A_98] : memref<10240xf32, #tpu.memory_space<vmem>> -> memref<640xf32, #tpu.memory_space<vmem>>
      %dma_wait3A_100 = tpu.memref_slice %arg12[%add3A_44] : memref<163840xf32, #tpu.memory_space<vmem_shared>> -> memref<640xf32, #tpu.memory_space<vmem_shared>>
      tpu.wait_dma2 semaphore(%run_scoped3A : memref<!tpu.dma_semaphore, #tpu.memory_space<semaphore_mem>>) src(%dma_wait3A_100 : memref<640xf32, #tpu.memory_space<vmem_shared>>) dst(%dma_wait3A_99 : memref<640xf32, #tpu.memory_space<vmem>>)
      tpu.yield
    }) : () -> ()
    %mul3A_45 = arith.constant 640 : i32
    %mul3A_46 = arith.muli %arg1, %mul3A_45 : i32
    %add3A_47 = arith.constant 71680 : i32
    %add3A_48 = arith.addi %add3A_47, %mul3A_46 : i32
    "tpu.region"() ({
      %run_scoped3A = tpu.sem_alloc : memref<!tpu.dma_semaphore, #tpu.memory_space<semaphore_mem>>
      %dma_start3A = arith.constant 4480 : i32
      %dma_start3A_91 = tpu.memref_slice %arg10[%dma_start3A] : memref<10240xf32, #tpu.memory_space<vmem>> -> memref<640xf32, #tpu.memory_space<vmem>>
      %dma_start3A_92 = tpu.memref_slice %arg12[%add3A_48] : memref<163840xf32, #tpu.memory_space<vmem_shared>> -> memref<640xf32, #tpu.memory_space<vmem_shared>>
      %dma_start3A_93 = arith.constant 4480 : i32
      %dma_start3A_94 = tpu.memref_slice %arg10[%dma_start3A_93] : memref<10240xf32, #tpu.memory_space<vmem>> -> memref<640xf32, #tpu.memory_space<vmem>>
      %dma_start3A_95 = tpu.memref_slice %arg12[%add3A_48] : memref<163840xf32, #tpu.memory_space<vmem_shared>> -> memref<640xf32, #tpu.memory_space<vmem_shared>>
      tpu.enqueue_dma source(%dma_start3A_95 : memref<640xf32, #tpu.memory_space<vmem_shared>>) target(%dma_start3A_94 : memref<640xf32, #tpu.memory_space<vmem>>) target_semaphore(%run_scoped3A : memref<!tpu.dma_semaphore, #tpu.memory_space<semaphore_mem>>)
      %dma_wait3A = arith.constant 4480 : i32
      %dma_wait3A_96 = tpu.memref_slice %arg10[%dma_wait3A] : memref<10240xf32, #tpu.memory_space<vmem>> -> memref<640xf32, #tpu.memory_space<vmem>>
      %dma_wait3A_97 = tpu.memref_slice %arg12[%add3A_48] : memref<163840xf32, #tpu.memory_space<vmem_shared>> -> memref<640xf32, #tpu.memory_space<vmem_shared>>
      %dma_wait3A_98 = arith.constant 4480 : i32
      %dma_wait3A_99 = tpu.memref_slice %arg10[%dma_wait3A_98] : memref<10240xf32, #tpu.memory_space<vmem>> -> memref<640xf32, #tpu.memory_space<vmem>>
      %dma_wait3A_100 = tpu.memref_slice %arg12[%add3A_48] : memref<163840xf32, #tpu.memory_space<vmem_shared>> -> memref<640xf32, #tpu.memory_space<vmem_shared>>
      tpu.wait_dma2 semaphore(%run_scoped3A : memref<!tpu.dma_semaphore, #tpu.memory_space<semaphore_mem>>) src(%dma_wait3A_100 : memref<640xf32, #tpu.memory_space<vmem_shared>>) dst(%dma_wait3A_99 : memref<640xf32, #tpu.memory_space<vmem>>)
      tpu.yield
    }) : () -> ()
    %mul3A_49 = arith.constant 640 : i32
    %mul3A_50 = arith.muli %arg1, %mul3A_49 : i32
    %add3A_51 = arith.constant 81920 : i32
    %add3A_52 = arith.addi %add3A_51, %mul3A_50 : i32
    "tpu.region"() ({
      %run_scoped3A = tpu.sem_alloc : memref<!tpu.dma_semaphore, #tpu.memory_space<semaphore_mem>>
      %dma_start3A = arith.constant 5120 : i32
      %dma_start3A_91 = tpu.memref_slice %arg10[%dma_start3A] : memref<10240xf32, #tpu.memory_space<vmem>> -> memref<640xf32, #tpu.memory_space<vmem>>
      %dma_start3A_92 = tpu.memref_slice %arg12[%add3A_52] : memref<163840xf32, #tpu.memory_space<vmem_shared>> -> memref<640xf32, #tpu.memory_space<vmem_shared>>
      %dma_start3A_93 = arith.constant 5120 : i32
      %dma_start3A_94 = tpu.memref_slice %arg10[%dma_start3A_93] : memref<10240xf32, #tpu.memory_space<vmem>> -> memref<640xf32, #tpu.memory_space<vmem>>
      %dma_start3A_95 = tpu.memref_slice %arg12[%add3A_52] : memref<163840xf32, #tpu.memory_space<vmem_shared>> -> memref<640xf32, #tpu.memory_space<vmem_shared>>
      tpu.enqueue_dma source(%dma_start3A_95 : memref<640xf32, #tpu.memory_space<vmem_shared>>) target(%dma_start3A_94 : memref<640xf32, #tpu.memory_space<vmem>>) target_semaphore(%run_scoped3A : memref<!tpu.dma_semaphore, #tpu.memory_space<semaphore_mem>>)
      %dma_wait3A = arith.constant 5120 : i32
      %dma_wait3A_96 = tpu.memref_slice %arg10[%dma_wait3A] : memref<10240xf32, #tpu.memory_space<vmem>> -> memref<640xf32, #tpu.memory_space<vmem>>
      %dma_wait3A_97 = tpu.memref_slice %arg12[%add3A_52] : memref<163840xf32, #tpu.memory_space<vmem_shared>> -> memref<640xf32, #tpu.memory_space<vmem_shared>>
      %dma_wait3A_98 = arith.constant 5120 : i32
      %dma_wait3A_99 = tpu.memref_slice %arg10[%dma_wait3A_98] : memref<10240xf32, #tpu.memory_space<vmem>> -> memref<640xf32, #tpu.memory_space<vmem>>
      %dma_wait3A_100 = tpu.memref_slice %arg12[%add3A_52] : memref<163840xf32, #tpu.memory_space<vmem_shared>> -> memref<640xf32, #tpu.memory_space<vmem_shared>>
      tpu.wait_dma2 semaphore(%run_scoped3A : memref<!tpu.dma_semaphore, #tpu.memory_space<semaphore_mem>>) src(%dma_wait3A_100 : memref<640xf32, #tpu.memory_space<vmem_shared>>) dst(%dma_wait3A_99 : memref<640xf32, #tpu.memory_space<vmem>>)
      tpu.yield
    }) : () -> ()
    %mul3A_53 = arith.constant 640 : i32
    %mul3A_54 = arith.muli %arg1, %mul3A_53 : i32
    %add3A_55 = arith.constant 92160 : i32
    %add3A_56 = arith.addi %add3A_55, %mul3A_54 : i32
    "tpu.region"() ({
      %run_scoped3A = tpu.sem_alloc : memref<!tpu.dma_semaphore, #tpu.memory_space<semaphore_mem>>
      %dma_start3A = arith.constant 5760 : i32
      %dma_start3A_91 = tpu.memref_slice %arg10[%dma_start3A] : memref<10240xf32, #tpu.memory_space<vmem>> -> memref<640xf32, #tpu.memory_space<vmem>>
      %dma_start3A_92 = tpu.memref_slice %arg12[%add3A_56] : memref<163840xf32, #tpu.memory_space<vmem_shared>> -> memref<640xf32, #tpu.memory_space<vmem_shared>>
      %dma_start3A_93 = arith.constant 5760 : i32
      %dma_start3A_94 = tpu.memref_slice %arg10[%dma_start3A_93] : memref<10240xf32, #tpu.memory_space<vmem>> -> memref<640xf32, #tpu.memory_space<vmem>>
      %dma_start3A_95 = tpu.memref_slice %arg12[%add3A_56] : memref<163840xf32, #tpu.memory_space<vmem_shared>> -> memref<640xf32, #tpu.memory_space<vmem_shared>>
      tpu.enqueue_dma source(%dma_start3A_95 : memref<640xf32, #tpu.memory_space<vmem_shared>>) target(%dma_start3A_94 : memref<640xf32, #tpu.memory_space<vmem>>) target_semaphore(%run_scoped3A : memref<!tpu.dma_semaphore, #tpu.memory_space<semaphore_mem>>)
      %dma_wait3A = arith.constant 5760 : i32
      %dma_wait3A_96 = tpu.memref_slice %arg10[%dma_wait3A] : memref<10240xf32, #tpu.memory_space<vmem>> -> memref<640xf32, #tpu.memory_space<vmem>>
      %dma_wait3A_97 = tpu.memref_slice %arg12[%add3A_56] : memref<163840xf32, #tpu.memory_space<vmem_shared>> -> memref<640xf32, #tpu.memory_space<vmem_shared>>
      %dma_wait3A_98 = arith.constant 5760 : i32
      %dma_wait3A_99 = tpu.memref_slice %arg10[%dma_wait3A_98] : memref<10240xf32, #tpu.memory_space<vmem>> -> memref<640xf32, #tpu.memory_space<vmem>>
      %dma_wait3A_100 = tpu.memref_slice %arg12[%add3A_56] : memref<163840xf32, #tpu.memory_space<vmem_shared>> -> memref<640xf32, #tpu.memory_space<vmem_shared>>
      tpu.wait_dma2 semaphore(%run_scoped3A : memref<!tpu.dma_semaphore, #tpu.memory_space<semaphore_mem>>) src(%dma_wait3A_100 : memref<640xf32, #tpu.memory_space<vmem_shared>>) dst(%dma_wait3A_99 : memref<640xf32, #tpu.memory_space<vmem>>)
      tpu.yield
    }) : () -> ()
    %mul3A_57 = arith.constant 640 : i32
    %mul3A_58 = arith.muli %arg1, %mul3A_57 : i32
    %add3A_59 = arith.constant 102400 : i32
    %add3A_60 = arith.addi %add3A_59, %mul3A_58 : i32
    "tpu.region"() ({
      %run_scoped3A = tpu.sem_alloc : memref<!tpu.dma_semaphore, #tpu.memory_space<semaphore_mem>>
      %dma_start3A = arith.constant 6400 : i32
      %dma_start3A_91 = tpu.memref_slice %arg10[%dma_start3A] : memref<10240xf32, #tpu.memory_space<vmem>> -> memref<640xf32, #tpu.memory_space<vmem>>
      %dma_start3A_92 = tpu.memref_slice %arg12[%add3A_60] : memref<163840xf32, #tpu.memory_space<vmem_shared>> -> memref<640xf32, #tpu.memory_space<vmem_shared>>
      %dma_start3A_93 = arith.constant 6400 : i32
      %dma_start3A_94 = tpu.memref_slice %arg10[%dma_start3A_93] : memref<10240xf32, #tpu.memory_space<vmem>> -> memref<640xf32, #tpu.memory_space<vmem>>
      %dma_start3A_95 = tpu.memref_slice %arg12[%add3A_60] : memref<163840xf32, #tpu.memory_space<vmem_shared>> -> memref<640xf32, #tpu.memory_space<vmem_shared>>
      tpu.enqueue_dma source(%dma_start3A_95 : memref<640xf32, #tpu.memory_space<vmem_shared>>) target(%dma_start3A_94 : memref<640xf32, #tpu.memory_space<vmem>>) target_semaphore(%run_scoped3A : memref<!tpu.dma_semaphore, #tpu.memory_space<semaphore_mem>>)
      %dma_wait3A = arith.constant 6400 : i32
      %dma_wait3A_96 = tpu.memref_slice %arg10[%dma_wait3A] : memref<10240xf32, #tpu.memory_space<vmem>> -> memref<640xf32, #tpu.memory_space<vmem>>
      %dma_wait3A_97 = tpu.memref_slice %arg12[%add3A_60] : memref<163840xf32, #tpu.memory_space<vmem_shared>> -> memref<640xf32, #tpu.memory_space<vmem_shared>>
      %dma_wait3A_98 = arith.constant 6400 : i32
      %dma_wait3A_99 = tpu.memref_slice %arg10[%dma_wait3A_98] : memref<10240xf32, #tpu.memory_space<vmem>> -> memref<640xf32, #tpu.memory_space<vmem>>
      %dma_wait3A_100 = tpu.memref_slice %arg12[%add3A_60] : memref<163840xf32, #tpu.memory_space<vmem_shared>> -> memref<640xf32, #tpu.memory_space<vmem_shared>>
      tpu.wait_dma2 semaphore(%run_scoped3A : memref<!tpu.dma_semaphore, #tpu.memory_space<semaphore_mem>>) src(%dma_wait3A_100 : memref<640xf32, #tpu.memory_space<vmem_shared>>) dst(%dma_wait3A_99 : memref<640xf32, #tpu.memory_space<vmem>>)
      tpu.yield
    }) : () -> ()
    %mul3A_61 = arith.constant 640 : i32
    %mul3A_62 = arith.muli %arg1, %mul3A_61 : i32
    %add3A_63 = arith.constant 112640 : i32
    %add3A_64 = arith.addi %add3A_63, %mul3A_62 : i32
    "tpu.region"() ({
      %run_scoped3A = tpu.sem_alloc : memref<!tpu.dma_semaphore, #tpu.memory_space<semaphore_mem>>
      %dma_start3A = arith.constant 7040 : i32
      %dma_start3A_91 = tpu.memref_slice %arg10[%dma_start3A] : memref<10240xf32, #tpu.memory_space<vmem>> -> memref<640xf32, #tpu.memory_space<vmem>>
      %dma_start3A_92 = tpu.memref_slice %arg12[%add3A_64] : memref<163840xf32, #tpu.memory_space<vmem_shared>> -> memref<640xf32, #tpu.memory_space<vmem_shared>>
      %dma_start3A_93 = arith.constant 7040 : i32
      %dma_start3A_94 = tpu.memref_slice %arg10[%dma_start3A_93] : memref<10240xf32, #tpu.memory_space<vmem>> -> memref<640xf32, #tpu.memory_space<vmem>>
      %dma_start3A_95 = tpu.memref_slice %arg12[%add3A_64] : memref<163840xf32, #tpu.memory_space<vmem_shared>> -> memref<640xf32, #tpu.memory_space<vmem_shared>>
      tpu.enqueue_dma source(%dma_start3A_95 : memref<640xf32, #tpu.memory_space<vmem_shared>>) target(%dma_start3A_94 : memref<640xf32, #tpu.memory_space<vmem>>) target_semaphore(%run_scoped3A : memref<!tpu.dma_semaphore, #tpu.memory_space<semaphore_mem>>)
      %dma_wait3A = arith.constant 7040 : i32
      %dma_wait3A_96 = tpu.memref_slice %arg10[%dma_wait3A] : memref<10240xf32, #tpu.memory_space<vmem>> -> memref<640xf32, #tpu.memory_space<vmem>>
      %dma_wait3A_97 = tpu.memref_slice %arg12[%add3A_64] : memref<163840xf32, #tpu.memory_space<vmem_shared>> -> memref<640xf32, #tpu.memory_space<vmem_shared>>
      %dma_wait3A_98 = arith.constant 7040 : i32
      %dma_wait3A_99 = tpu.memref_slice %arg10[%dma_wait3A_98] : memref<10240xf32, #tpu.memory_space<vmem>> -> memref<640xf32, #tpu.memory_space<vmem>>
      %dma_wait3A_100 = tpu.memref_slice %arg12[%add3A_64] : memref<163840xf32, #tpu.memory_space<vmem_shared>> -> memref<640xf32, #tpu.memory_space<vmem_shared>>
      tpu.wait_dma2 semaphore(%run_scoped3A : memref<!tpu.dma_semaphore, #tpu.memory_space<semaphore_mem>>) src(%dma_wait3A_100 : memref<640xf32, #tpu.memory_space<vmem_shared>>) dst(%dma_wait3A_99 : memref<640xf32, #tpu.memory_space<vmem>>)
      tpu.yield
    }) : () -> ()
    %mul3A_65 = arith.constant 640 : i32
    %mul3A_66 = arith.muli %arg1, %mul3A_65 : i32
    %add3A_67 = arith.constant 122880 : i32
    %add3A_68 = arith.addi %add3A_67, %mul3A_66 : i32
    "tpu.region"() ({
      %run_scoped3A = tpu.sem_alloc : memref<!tpu.dma_semaphore, #tpu.memory_space<semaphore_mem>>
      %dma_start3A = arith.constant 7680 : i32
      %dma_start3A_91 = tpu.memref_slice %arg10[%dma_start3A] : memref<10240xf32, #tpu.memory_space<vmem>> -> memref<640xf32, #tpu.memory_space<vmem>>
      %dma_start3A_92 = tpu.memref_slice %arg12[%add3A_68] : memref<163840xf32, #tpu.memory_space<vmem_shared>> -> memref<640xf32, #tpu.memory_space<vmem_shared>>
      %dma_start3A_93 = arith.constant 7680 : i32
      %dma_start3A_94 = tpu.memref_slice %arg10[%dma_start3A_93] : memref<10240xf32, #tpu.memory_space<vmem>> -> memref<640xf32, #tpu.memory_space<vmem>>
      %dma_start3A_95 = tpu.memref_slice %arg12[%add3A_68] : memref<163840xf32, #tpu.memory_space<vmem_shared>> -> memref<640xf32, #tpu.memory_space<vmem_shared>>
      tpu.enqueue_dma source(%dma_start3A_95 : memref<640xf32, #tpu.memory_space<vmem_shared>>) target(%dma_start3A_94 : memref<640xf32, #tpu.memory_space<vmem>>) target_semaphore(%run_scoped3A : memref<!tpu.dma_semaphore, #tpu.memory_space<semaphore_mem>>)
      %dma_wait3A = arith.constant 7680 : i32
      %dma_wait3A_96 = tpu.memref_slice %arg10[%dma_wait3A] : memref<10240xf32, #tpu.memory_space<vmem>> -> memref<640xf32, #tpu.memory_space<vmem>>
      %dma_wait3A_97 = tpu.memref_slice %arg12[%add3A_68] : memref<163840xf32, #tpu.memory_space<vmem_shared>> -> memref<640xf32, #tpu.memory_space<vmem_shared>>
      %dma_wait3A_98 = arith.constant 7680 : i32
      %dma_wait3A_99 = tpu.memref_slice %arg10[%dma_wait3A_98] : memref<10240xf32, #tpu.memory_space<vmem>> -> memref<640xf32, #tpu.memory_space<vmem>>
      %dma_wait3A_100 = tpu.memref_slice %arg12[%add3A_68] : memref<163840xf32, #tpu.memory_space<vmem_shared>> -> memref<640xf32, #tpu.memory_space<vmem_shared>>
      tpu.wait_dma2 semaphore(%run_scoped3A : memref<!tpu.dma_semaphore, #tpu.memory_space<semaphore_mem>>) src(%dma_wait3A_100 : memref<640xf32, #tpu.memory_space<vmem_shared>>) dst(%dma_wait3A_99 : memref<640xf32, #tpu.memory_space<vmem>>)
      tpu.yield
    }) : () -> ()
    %mul3A_69 = arith.constant 640 : i32
    %mul3A_70 = arith.muli %arg1, %mul3A_69 : i32
    %add3A_71 = arith.constant 133120 : i32
    %add3A_72 = arith.addi %add3A_71, %mul3A_70 : i32
    "tpu.region"() ({
      %run_scoped3A = tpu.sem_alloc : memref<!tpu.dma_semaphore, #tpu.memory_space<semaphore_mem>>
      %dma_start3A = arith.constant 8320 : i32
      %dma_start3A_91 = tpu.memref_slice %arg10[%dma_start3A] : memref<10240xf32, #tpu.memory_space<vmem>> -> memref<640xf32, #tpu.memory_space<vmem>>
      %dma_start3A_92 = tpu.memref_slice %arg12[%add3A_72] : memref<163840xf32, #tpu.memory_space<vmem_shared>> -> memref<640xf32, #tpu.memory_space<vmem_shared>>
      %dma_start3A_93 = arith.constant 8320 : i32
      %dma_start3A_94 = tpu.memref_slice %arg10[%dma_start3A_93] : memref<10240xf32, #tpu.memory_space<vmem>> -> memref<640xf32, #tpu.memory_space<vmem>>
      %dma_start3A_95 = tpu.memref_slice %arg12[%add3A_72] : memref<163840xf32, #tpu.memory_space<vmem_shared>> -> memref<640xf32, #tpu.memory_space<vmem_shared>>
      tpu.enqueue_dma source(%dma_start3A_95 : memref<640xf32, #tpu.memory_space<vmem_shared>>) target(%dma_start3A_94 : memref<640xf32, #tpu.memory_space<vmem>>) target_semaphore(%run_scoped3A : memref<!tpu.dma_semaphore, #tpu.memory_space<semaphore_mem>>)
      %dma_wait3A = arith.constant 8320 : i32
      %dma_wait3A_96 = tpu.memref_slice %arg10[%dma_wait3A] : memref<10240xf32, #tpu.memory_space<vmem>> -> memref<640xf32, #tpu.memory_space<vmem>>
      %dma_wait3A_97 = tpu.memref_slice %arg12[%add3A_72] : memref<163840xf32, #tpu.memory_space<vmem_shared>> -> memref<640xf32, #tpu.memory_space<vmem_shared>>
      %dma_wait3A_98 = arith.constant 8320 : i32
      %dma_wait3A_99 = tpu.memref_slice %arg10[%dma_wait3A_98] : memref<10240xf32, #tpu.memory_space<vmem>> -> memref<640xf32, #tpu.memory_space<vmem>>
      %dma_wait3A_100 = tpu.memref_slice %arg12[%add3A_72] : memref<163840xf32, #tpu.memory_space<vmem_shared>> -> memref<640xf32, #tpu.memory_space<vmem_shared>>
      tpu.wait_dma2 semaphore(%run_scoped3A : memref<!tpu.dma_semaphore, #tpu.memory_space<semaphore_mem>>) src(%dma_wait3A_100 : memref<640xf32, #tpu.memory_space<vmem_shared>>) dst(%dma_wait3A_99 : memref<640xf32, #tpu.memory_space<vmem>>)
      tpu.yield
    }) : () -> ()
    %mul3A_73 = arith.constant 640 : i32
    %mul3A_74 = arith.muli %arg1, %mul3A_73 : i32
    %add3A_75 = arith.constant 143360 : i32
    %add3A_76 = arith.addi %add3A_75, %mul3A_74 : i32
    "tpu.region"() ({
      %run_scoped3A = tpu.sem_alloc : memref<!tpu.dma_semaphore, #tpu.memory_space<semaphore_mem>>
      %dma_start3A = arith.constant 8960 : i32
      %dma_start3A_91 = tpu.memref_slice %arg10[%dma_start3A] : memref<10240xf32, #tpu.memory_space<vmem>> -> memref<640xf32, #tpu.memory_space<vmem>>
      %dma_start3A_92 = tpu.memref_slice %arg12[%add3A_76] : memref<163840xf32, #tpu.memory_space<vmem_shared>> -> memref<640xf32, #tpu.memory_space<vmem_shared>>
      %dma_start3A_93 = arith.constant 8960 : i32
      %dma_start3A_94 = tpu.memref_slice %arg10[%dma_start3A_93] : memref<10240xf32, #tpu.memory_space<vmem>> -> memref<640xf32, #tpu.memory_space<vmem>>
      %dma_start3A_95 = tpu.memref_slice %arg12[%add3A_76] : memref<163840xf32, #tpu.memory_space<vmem_shared>> -> memref<640xf32, #tpu.memory_space<vmem_shared>>
      tpu.enqueue_dma source(%dma_start3A_95 : memref<640xf32, #tpu.memory_space<vmem_shared>>) target(%dma_start3A_94 : memref<640xf32, #tpu.memory_space<vmem>>) target_semaphore(%run_scoped3A : memref<!tpu.dma_semaphore, #tpu.memory_space<semaphore_mem>>)
      %dma_wait3A = arith.constant 8960 : i32
      %dma_wait3A_96 = tpu.memref_slice %arg10[%dma_wait3A] : memref<10240xf32, #tpu.memory_space<vmem>> -> memref<640xf32, #tpu.memory_space<vmem>>
      %dma_wait3A_97 = tpu.memref_slice %arg12[%add3A_76] : memref<163840xf32, #tpu.memory_space<vmem_shared>> -> memref<640xf32, #tpu.memory_space<vmem_shared>>
      %dma_wait3A_98 = arith.constant 8960 : i32
      %dma_wait3A_99 = tpu.memref_slice %arg10[%dma_wait3A_98] : memref<10240xf32, #tpu.memory_space<vmem>> -> memref<640xf32, #tpu.memory_space<vmem>>
      %dma_wait3A_100 = tpu.memref_slice %arg12[%add3A_76] : memref<163840xf32, #tpu.memory_space<vmem_shared>> -> memref<640xf32, #tpu.memory_space<vmem_shared>>
      tpu.wait_dma2 semaphore(%run_scoped3A : memref<!tpu.dma_semaphore, #tpu.memory_space<semaphore_mem>>) src(%dma_wait3A_100 : memref<640xf32, #tpu.memory_space<vmem_shared>>) dst(%dma_wait3A_99 : memref<640xf32, #tpu.memory_space<vmem>>)
      tpu.yield
    }) : () -> ()
    %mul3A_77 = arith.constant 640 : i32
    %mul3A_78 = arith.muli %arg1, %mul3A_77 : i32
    %add3A_79 = arith.constant 153600 : i32
    %add3A_80 = arith.addi %add3A_79, %mul3A_78 : i32
    "tpu.region"() ({
      %run_scoped3A = tpu.sem_alloc : memref<!tpu.dma_semaphore, #tpu.memory_space<semaphore_mem>>
      %dma_start3A = arith.constant 9600 : i32
      %dma_start3A_91 = tpu.memref_slice %arg10[%dma_start3A] : memref<10240xf32, #tpu.memory_space<vmem>> -> memref<640xf32, #tpu.memory_space<vmem>>
      %dma_start3A_92 = tpu.memref_slice %arg12[%add3A_80] : memref<163840xf32, #tpu.memory_space<vmem_shared>> -> memref<640xf32, #tpu.memory_space<vmem_shared>>
      %dma_start3A_93 = arith.constant 9600 : i32
      %dma_start3A_94 = tpu.memref_slice %arg10[%dma_start3A_93] : memref<10240xf32, #tpu.memory_space<vmem>> -> memref<640xf32, #tpu.memory_space<vmem>>
      %dma_start3A_95 = tpu.memref_slice %arg12[%add3A_80] : memref<163840xf32, #tpu.memory_space<vmem_shared>> -> memref<640xf32, #tpu.memory_space<vmem_shared>>
      tpu.enqueue_dma source(%dma_start3A_95 : memref<640xf32, #tpu.memory_space<vmem_shared>>) target(%dma_start3A_94 : memref<640xf32, #tpu.memory_space<vmem>>) target_semaphore(%run_scoped3A : memref<!tpu.dma_semaphore, #tpu.memory_space<semaphore_mem>>)
      %dma_wait3A = arith.constant 9600 : i32
      %dma_wait3A_96 = tpu.memref_slice %arg10[%dma_wait3A] : memref<10240xf32, #tpu.memory_space<vmem>> -> memref<640xf32, #tpu.memory_space<vmem>>
      %dma_wait3A_97 = tpu.memref_slice %arg12[%add3A_80] : memref<163840xf32, #tpu.memory_space<vmem_shared>> -> memref<640xf32, #tpu.memory_space<vmem_shared>>
      %dma_wait3A_98 = arith.constant 9600 : i32
      %dma_wait3A_99 = tpu.memref_slice %arg10[%dma_wait3A_98] : memref<10240xf32, #tpu.memory_space<vmem>> -> memref<640xf32, #tpu.memory_space<vmem>>
      %dma_wait3A_100 = tpu.memref_slice %arg12[%add3A_80] : memref<163840xf32, #tpu.memory_space<vmem_shared>> -> memref<640xf32, #tpu.memory_space<vmem_shared>>
      tpu.wait_dma2 semaphore(%run_scoped3A : memref<!tpu.dma_semaphore, #tpu.memory_space<semaphore_mem>>) src(%dma_wait3A_100 : memref<640xf32, #tpu.memory_space<vmem_shared>>) dst(%dma_wait3A_99 : memref<640xf32, #tpu.memory_space<vmem>>)
      tpu.yield
    }) : () -> ()
    %scan3A_81 = arith.constant 0 : i32
    %scan3A_82 = arith.constant 40 : i32
    %scan3A_83 = arith.addi %scan3A_81, %scan3A_82 : i32
    %scan3A_84 = arith.constant 1 : i32
    scf.for %scan3A_91 = %scan3A_81 to %scan3A_83 step %scan3A_84  : i32 {
      %broadcast_in_dim3A_92 = arith.constant 0.000000e+00 : f32
      %broadcast_in_dim3A_93 = vector.broadcast %broadcast_in_dim3A_92 : f32 to vector<16xf32>
      %mul3A_94 = arith.constant 16 : i32
      %mul3A_95 = arith.muli %scan3A_91, %mul3A_94 : i32
      %add3A_96 = arith.constant 0 : i32
      %add3A_97 = arith.addi %add3A_96, %mul3A_95 : i32
      %get3A = arith.index_cast %add3A_97 : i32 to index
      %get3A_98 = tpu.vector_load %arg10[%get3A] {strides = array<i32>} : memref<10240xf32, #tpu.memory_space<vmem>>, vector<16xf32>,
      %add3A_99 = arith.addf %broadcast_in_dim3A_93, %get3A_98 : vector<16xf32>
      %mul3A_100 = arith.constant 16 : i32
      %mul3A_101 = arith.muli %scan3A_91, %mul3A_100 : i32
      %add3A_102 = arith.constant 640 : i32
      %add3A_103 = arith.addi %add3A_102, %mul3A_101 : i32
      %get3A_104 = arith.index_cast %add3A_103 : i32 to index
      %get3A_105 = tpu.vector_load %arg10[%get3A_104] {strides = array<i32>} : memref<10240xf32, #tpu.memory_space<vmem>>, vector<16xf32>,
      %add3A_106 = arith.addf %add3A_99, %get3A_105 : vector<16xf32>
      %mul3A_107 = arith.constant 16 : i32
      %mul3A_108 = arith.muli %scan3A_91, %mul3A_107 : i32
      %add3A_109 = arith.constant 1280 : i32
      %add3A_110 = arith.addi %add3A_109, %mul3A_108 : i32
      %get3A_111 = arith.index_cast %add3A_110 : i32 to index
      %get3A_112 = tpu.vector_load %arg10[%get3A_111] {strides = array<i32>} : memref<10240xf32, #tpu.memory_space<vmem>>, vector<16xf32>,
      %add3A_113 = arith.addf %add3A_106, %get3A_112 : vector<16xf32>
      %mul3A_114 = arith.constant 16 : i32
      %mul3A_115 = arith.muli %scan3A_91, %mul3A_114 : i32
      %add3A_116 = arith.constant 1920 : i32
      %add3A_117 = arith.addi %add3A_116, %mul3A_115 : i32
      %get3A_118 = arith.index_cast %add3A_117 : i32 to index
      %get3A_119 = tpu.vector_load %arg10[%get3A_118] {strides = array<i32>} : memref<10240xf32, #tpu.memory_space<vmem>>, vector<16xf32>,
      %add3A_120 = arith.addf %add3A_113, %get3A_119 : vector<16xf32>
      %mul3A_121 = arith.constant 16 : i32
      %mul3A_122 = arith.muli %scan3A_91, %mul3A_121 : i32
      %add3A_123 = arith.constant 2560 : i32
      %add3A_124 = arith.addi %add3A_123, %mul3A_122 : i32
      %get3A_125 = arith.index_cast %add3A_124 : i32 to index
      %get3A_126 = tpu.vector_load %arg10[%get3A_125] {strides = array<i32>} : memref<10240xf32, #tpu.memory_space<vmem>>, vector<16xf32>,
      %add3A_127 = arith.addf %add3A_120, %get3A_126 : vector<16xf32>
      %mul3A_128 = arith.constant 16 : i32
      %mul3A_129 = arith.muli %scan3A_91, %mul3A_128 : i32
      %add3A_130 = arith.constant 3200 : i32
      %add3A_131 = arith.addi %add3A_130, %mul3A_129 : i32
      %get3A_132 = arith.index_cast %add3A_131 : i32 to index
      %get3A_133 = tpu.vector_load %arg10[%get3A_132] {strides = array<i32>} : memref<10240xf32, #tpu.memory_space<vmem>>, vector<16xf32>,
      %add3A_134 = arith.addf %add3A_127, %get3A_133 : vector<16xf32>
      %mul3A_135 = arith.constant 16 : i32
      %mul3A_136 = arith.muli %scan3A_91, %mul3A_135 : i32
      %add3A_137 = arith.constant 3840 : i32
      %add3A_138 = arith.addi %add3A_137, %mul3A_136 : i32
      %get3A_139 = arith.index_cast %add3A_138 : i32 to index
      %get3A_140 = tpu.vector_load %arg10[%get3A_139] {strides = array<i32>} : memref<10240xf32, #tpu.memory_space<vmem>>, vector<16xf32>,
      %add3A_141 = arith.addf %add3A_134, %get3A_140 : vector<16xf32>
      %mul3A_142 = arith.constant 16 : i32
      %mul3A_143 = arith.muli %scan3A_91, %mul3A_142 : i32
      %add3A_144 = arith.constant 4480 : i32
      %add3A_145 = arith.addi %add3A_144, %mul3A_143 : i32
      %get3A_146 = arith.index_cast %add3A_145 : i32 to index
      %get3A_147 = tpu.vector_load %arg10[%get3A_146] {strides = array<i32>} : memref<10240xf32, #tpu.memory_space<vmem>>, vector<16xf32>,
      %add3A_148 = arith.addf %add3A_141, %get3A_147 : vector<16xf32>
      %mul3A_149 = arith.constant 16 : i32
      %mul3A_150 = arith.muli %scan3A_91, %mul3A_149 : i32
      %add3A_151 = arith.constant 5120 : i32
      %add3A_152 = arith.addi %add3A_151, %mul3A_150 : i32
      %get3A_153 = arith.index_cast %add3A_152 : i32 to index
      %get3A_154 = tpu.vector_load %arg10[%get3A_153] {strides = array<i32>} : memref<10240xf32, #tpu.memory_space<vmem>>, vector<16xf32>,
      %add3A_155 = arith.addf %add3A_148, %get3A_154 : vector<16xf32>
      %mul3A_156 = arith.constant 16 : i32
      %mul3A_157 = arith.muli %scan3A_91, %mul3A_156 : i32
      %add3A_158 = arith.constant 5760 : i32
      %add3A_159 = arith.addi %add3A_158, %mul3A_157 : i32
      %get3A_160 = arith.index_cast %add3A_159 : i32 to index
      %get3A_161 = tpu.vector_load %arg10[%get3A_160] {strides = array<i32>} : memref<10240xf32, #tpu.memory_space<vmem>>, vector<16xf32>,
      %add3A_162 = arith.addf %add3A_155, %get3A_161 : vector<16xf32>
      %mul3A_163 = arith.constant 16 : i32
      %mul3A_164 = arith.muli %scan3A_91, %mul3A_163 : i32
      %add3A_165 = arith.constant 6400 : i32
      %add3A_166 = arith.addi %add3A_165, %mul3A_164 : i32
      %get3A_167 = arith.index_cast %add3A_166 : i32 to index
      %get3A_168 = tpu.vector_load %arg10[%get3A_167] {strides = array<i32>} : memref<10240xf32, #tpu.memory_space<vmem>>, vector<16xf32>,
      %add3A_169 = arith.addf %add3A_162, %get3A_168 : vector<16xf32>
      %mul3A_170 = arith.constant 16 : i32
      %mul3A_171 = arith.muli %scan3A_91, %mul3A_170 : i32
      %add3A_172 = arith.constant 7040 : i32
      %add3A_173 = arith.addi %add3A_172, %mul3A_171 : i32
      %get3A_174 = arith.index_cast %add3A_173 : i32 to index
      %get3A_175 = tpu.vector_load %arg10[%get3A_174] {strides = array<i32>} : memref<10240xf32, #tpu.memory_space<vmem>>, vector<16xf32>,
      %add3A_176 = arith.addf %add3A_169, %get3A_175 : vector<16xf32>
      %mul3A_177 = arith.constant 16 : i32
      %mul3A_178 = arith.muli %scan3A_91, %mul3A_177 : i32
      %add3A_179 = arith.constant 7680 : i32
      %add3A_180 = arith.addi %add3A_179, %mul3A_178 : i32
      %get3A_181 = arith.index_cast %add3A_180 : i32 to index
      %get3A_182 = tpu.vector_load %arg10[%get3A_181] {strides = array<i32>} : memref<10240xf32, #tpu.memory_space<vmem>>, vector<16xf32>,
      %add3A_183 = arith.addf %add3A_176, %get3A_182 : vector<16xf32>
      %mul3A_184 = arith.constant 16 : i32
      %mul3A_185 = arith.muli %scan3A_91, %mul3A_184 : i32
      %add3A_186 = arith.constant 8320 : i32
      %add3A_187 = arith.addi %add3A_186, %mul3A_185 : i32
      %get3A_188 = arith.index_cast %add3A_187 : i32 to index
      %get3A_189 = tpu.vector_load %arg10[%get3A_188] {strides = array<i32>} : memref<10240xf32, #tpu.memory_space<vmem>>, vector<16xf32>,
      %add3A_190 = arith.addf %add3A_183, %get3A_189 : vector<16xf32>
      %mul3A_191 = arith.constant 16 : i32
      %mul3A_192 = arith.muli %scan3A_91, %mul3A_191 : i32
      %add3A_193 = arith.constant 8960 : i32
      %add3A_194 = arith.addi %add3A_193, %mul3A_192 : i32
      %get3A_195 = arith.index_cast %add3A_194 : i32 to index
      %get3A_196 = tpu.vector_load %arg10[%get3A_195] {strides = array<i32>} : memref<10240xf32, #tpu.memory_space<vmem>>, vector<16xf32>,
      %add3A_197 = arith.addf %add3A_190, %get3A_196 : vector<16xf32>
      %mul3A_198 = arith.constant 16 : i32
      %mul3A_199 = arith.muli %scan3A_91, %mul3A_198 : i32
      %add3A_200 = arith.constant 9600 : i32
      %add3A_201 = arith.addi %add3A_200, %mul3A_199 : i32
      %get3A_202 = arith.index_cast %add3A_201 : i32 to index
      %get3A_203 = tpu.vector_load %arg10[%get3A_202] {strides = array<i32>} : memref<10240xf32, #tpu.memory_space<vmem>>, vector<16xf32>,
      %add3A_204 = arith.addf %add3A_197, %get3A_203 : vector<16xf32>
      %mul3A_205 = arith.constant 16 : i32
      %mul3A_206 = arith.muli %scan3A_91, %mul3A_205 : i32
      %swap3A = arith.index_cast %mul3A_206 : i32 to index
      %swap3A_207 = tpu.vector_load %arg11[%swap3A] {strides = array<i32>} : memref<640xf32, #tpu.memory_space<vmem>>, vector<16xf32>,
      tpu.vector_store %arg11[%swap3A], %add3A_204 {strides = array<i32>} : memref<640xf32, #tpu.memory_space<vmem>>, vector<16xf32>,
    }
    %scan3A_85 = arith.constant 40 : i32
    %mul3A_86 = arith.constant 10240 : i32
    %mul3A_87 = arith.muli %arg0, %mul3A_86 : i32
    %mul3A_88 = arith.constant 640 : i32
    %mul3A_89 = arith.muli %arg1, %mul3A_88 : i32
    %add3A_90 = arith.addi %mul3A_87, %mul3A_89 : i32
    "tpu.region"() ({
      %run_scoped3A = tpu.sem_alloc : memref<!tpu.dma_semaphore, #tpu.memory_space<semaphore_mem>>
      %dma_start3A = tpu.memref_slice %arg5[%add3A_90] : memref<20480xf32, #tpu.memory_space<hbm>> -> memref<640xf32, #tpu.memory_space<hbm>>
      %dma_start3A_91 = tpu.memref_slice %arg5[%add3A_90] : memref<20480xf32, #tpu.memory_space<hbm>> -> memref<640xf32, #tpu.memory_space<hbm>>
      tpu.enqueue_dma source(%arg11 : memref<640xf32, #tpu.memory_space<vmem>>) target(%dma_start3A_91 : memref<640xf32, #tpu.memory_space<hbm>>) target_semaphore(%run_scoped3A : memref<!tpu.dma_semaphore, #tpu.memory_space<semaphore_mem>>)
      %dma_wait3A = tpu.memref_slice %arg5[%add3A_90] : memref<20480xf32, #tpu.memory_space<hbm>> -> memref<640xf32, #tpu.memory_space<hbm>>
      %dma_wait3A_92 = tpu.memref_slice %arg5[%add3A_90] : memref<20480xf32, #tpu.memory_space<hbm>> -> memref<640xf32, #tpu.memory_space<hbm>>
      tpu.wait_dma2 semaphore(%run_scoped3A : memref<!tpu.dma_semaphore, #tpu.memory_space<semaphore_mem>>) src(%arg11 : memref<640xf32, #tpu.memory_space<vmem>>) dst(%dma_wait3A_92 : memref<640xf32, #tpu.memory_space<hbm>>)
      tpu.yield
    }) : () -> ()
    return
  }
}

#map = affine_map<(d0, d1) -> (0)>
#map1 = affine_map<(d0, d1) -> (0, 0)>
#map2 = affine_map<(d0, d1) -> (0, 0, 0)>
module attributes {stable_mosaic.version = 14 : i64} {
  func.func @_agg(%arg0: i32, %arg1: i32, %arg2: memref<327680xi32, #tpu.memory_space<hbm>>, %arg3: memref<327680xi32, #tpu.memory_space<hbm>>, %arg4: memref<10240x128xf32, #tpu.memory_space<hbm>>, %arg5: memref<640x128xf32, #tpu.memory_space<hbm>>, %arg6: memref<2x10240x128xf32, #tpu.memory_space<hbm>>, %arg7: memref<10240xi32, #tpu.memory_space<vmem>>, %arg8: memref<64xi32, #tpu.memory_space<vmem>>, %arg9: memref<64xi32, #tpu.memory_space<vmem>>, %arg10: memref<64xi32, #tpu.memory_space<vmem>>, %arg11: memref<64xi32, #tpu.memory_space<vmem>>, %arg12: memref<64x128xf32, #tpu.memory_space<vmem>>, %arg13: memref<64x128xf32, #tpu.memory_space<vmem>>, %arg14: memref<64x128xf32, #tpu.memory_space<vmem>>, %arg15: memref<64x128xf32, #tpu.memory_space<vmem>>, %arg16: memref<10240x128xf32, #tpu.memory_space<vmem_shared>>, %arg17: memref<!tpu.dma_semaphore, #tpu.memory_space<semaphore_mem>>, %arg18: memref<!tpu.dma_semaphore, #tpu.memory_space<semaphore_mem>>, %arg19: memref<!tpu.dma_semaphore, #tpu.memory_space<semaphore_mem>>) attributes {dimension_semantics = [#tpu.dimension_semantics<core_parallel>, #tpu.dimension_semantics<subcore_parallel>], iteration_bounds = array<i64: 2, 16>, scalar_prefetch = 0 : i64, scratch_operands = 13 : i64, tpu.core_type = #tpu.core_type<sc_vector_subcore>, window_params = [{transform_indices = #map}, {transform_indices = #map}, {transform_indices = #map1}, {transform_indices = #map1}, {transform_indices = #map2}]} {
    %mul3A = arith.constant 16 : i32
    %mul3A_0 = arith.muli %arg0, %mul3A : i32
    %add3A = arith.addi %mul3A_0, %arg1 : i32
    %mul3A_1 = arith.constant 10240 : i32
    %mul3A_2 = arith.muli %add3A, %mul3A_1 : i32
    %mul3A_3 = arith.constant 640 : i32
    %mul3A_4 = arith.muli %arg1, %mul3A_3 : i32
    "tpu.region"() ({
      %run_scoped3A = tpu.sem_alloc : memref<!tpu.dma_semaphore, #tpu.memory_space<semaphore_mem>>
      %dma_start3A = arith.constant 0 : i32
      %dma_start3A_25 = tpu.memref_slice %arg16[%mul3A_4, %dma_start3A] : memref<10240x128xf32, #tpu.memory_space<vmem_shared>> -> memref<640x128xf32, #tpu.memory_space<vmem_shared>>
      tpu.enqueue_dma source(%arg5 : memref<640x128xf32, #tpu.memory_space<hbm>>) target(%dma_start3A_25 : memref<640x128xf32, #tpu.memory_space<vmem_shared>>) target_semaphore(%run_scoped3A : memref<!tpu.dma_semaphore, #tpu.memory_space<semaphore_mem>>)
      %dma_wait3A_26 = arith.constant 0 : i32
      %dma_wait3A_27 = tpu.memref_slice %arg16[%mul3A_4, %dma_wait3A_26] : memref<10240x128xf32, #tpu.memory_space<vmem_shared>> -> memref<640x128xf32, #tpu.memory_space<vmem_shared>>
      tpu.wait_dma2 semaphore(%run_scoped3A : memref<!tpu.dma_semaphore, #tpu.memory_space<semaphore_mem>>) src(%arg5 : memref<640x128xf32, #tpu.memory_space<hbm>>) dst(%dma_wait3A_27 : memref<640x128xf32, #tpu.memory_space<vmem_shared>>)
      tpu.yield
    }) : () -> ()
    "tpu.region"() ({
      %run_scoped3A = tpu.sem_alloc : memref<!tpu.dma_semaphore, #tpu.memory_space<semaphore_mem>>
      %dma_start3A = tpu.memref_slice %arg2[%mul3A_2] : memref<327680xi32, #tpu.memory_space<hbm>> -> memref<10240xi32, #tpu.memory_space<hbm>>
      %dma_start3A_25 = tpu.memref_slice %arg2[%mul3A_2] : memref<327680xi32, #tpu.memory_space<hbm>> -> memref<10240xi32, #tpu.memory_space<hbm>>
      tpu.enqueue_dma source(%dma_start3A_25 : memref<10240xi32, #tpu.memory_space<hbm>>) target(%arg7 : memref<10240xi32, #tpu.memory_space<vmem>>) target_semaphore(%run_scoped3A : memref<!tpu.dma_semaphore, #tpu.memory_space<semaphore_mem>>)
      %dma_wait3A_26 = tpu.memref_slice %arg2[%mul3A_2] : memref<327680xi32, #tpu.memory_space<hbm>> -> memref<10240xi32, #tpu.memory_space<hbm>>
      %dma_wait3A_27 = tpu.memref_slice %arg2[%mul3A_2] : memref<327680xi32, #tpu.memory_space<hbm>> -> memref<10240xi32, #tpu.memory_space<hbm>>
      tpu.wait_dma2 semaphore(%run_scoped3A : memref<!tpu.dma_semaphore, #tpu.memory_space<semaphore_mem>>) src(%dma_wait3A_27 : memref<10240xi32, #tpu.memory_space<hbm>>) dst(%arg7 : memref<10240xi32, #tpu.memory_space<vmem>>)
      tpu.yield
    }) : () -> ()
    %barrier3A = arith.constant 0 : index
    tpu.barrier barrier_id(%barrier3A)
    %scan3A = arith.constant 0 : i32
    %scan3A_5 = arith.constant 40 : i32
    %scan3A_6 = arith.addi %scan3A, %scan3A_5 : i32
    %scan3A_7 = arith.constant 1 : i32
    scf.for %scan3A_25 = %scan3A to %scan3A_6 step %scan3A_7  : i32 {
      %gt3A = arith.constant 0 : i32
      %gt3A_26 = arith.cmpi sgt, %scan3A_25, %gt3A : i32
      %convert_element_type3A = arith.extui %gt3A_26 : i1 to i32
      %cond3A = arith.constant 0 : i32
      %cond3A_27 = arith.cmpi ne, %convert_element_type3A, %cond3A : i32
      scf.if %cond3A_27 {
        %dma_wait3A_123 = arith.constant 0 : i32
        %dma_wait3A_124 = arith.constant 0 : i32
        %dma_wait3A_125 = tpu.memref_slice %arg16[%dma_wait3A_123, %dma_wait3A_124] : memref<10240x128xf32, #tpu.memory_space<vmem_shared>> -> memref<10240x128xf32, #tpu.memory_space<vmem_shared>>
        tpu.wait_indirect_dma semaphore(%arg19 : memref<!tpu.dma_semaphore, #tpu.memory_space<semaphore_mem>>) src(%arg12 : memref<64x128xf32, #tpu.memory_space<vmem>>) dst(%dma_wait3A_125 : memref<10240x128xf32, #tpu.memory_space<vmem_shared>>)
        %dma_wait3A_126 = arith.constant 0 : i32
        %dma_wait3A_127 = arith.constant 0 : i32
        %dma_wait3A_128 = tpu.memref_slice %arg16[%dma_wait3A_126, %dma_wait3A_127] : memref<10240x128xf32, #tpu.memory_space<vmem_shared>> -> memref<10240x128xf32, #tpu.memory_space<vmem_shared>>
        tpu.wait_indirect_dma semaphore(%arg19 : memref<!tpu.dma_semaphore, #tpu.memory_space<semaphore_mem>>) src(%arg13 : memref<64x128xf32, #tpu.memory_space<vmem>>) dst(%dma_wait3A_128 : memref<10240x128xf32, #tpu.memory_space<vmem_shared>>)
        %dma_wait3A_129 = arith.constant 0 : i32
        %dma_wait3A_130 = arith.constant 0 : i32
        %dma_wait3A_131 = tpu.memref_slice %arg16[%dma_wait3A_129, %dma_wait3A_130] : memref<10240x128xf32, #tpu.memory_space<vmem_shared>> -> memref<10240x128xf32, #tpu.memory_space<vmem_shared>>
        tpu.wait_indirect_dma semaphore(%arg19 : memref<!tpu.dma_semaphore, #tpu.memory_space<semaphore_mem>>) src(%arg14 : memref<64x128xf32, #tpu.memory_space<vmem>>) dst(%dma_wait3A_131 : memref<10240x128xf32, #tpu.memory_space<vmem_shared>>)
        %dma_wait3A_132 = arith.constant 0 : i32
        %dma_wait3A_133 = arith.constant 0 : i32
        %dma_wait3A_134 = tpu.memref_slice %arg16[%dma_wait3A_132, %dma_wait3A_133] : memref<10240x128xf32, #tpu.memory_space<vmem_shared>> -> memref<10240x128xf32, #tpu.memory_space<vmem_shared>>
        tpu.wait_indirect_dma semaphore(%arg19 : memref<!tpu.dma_semaphore, #tpu.memory_space<semaphore_mem>>) src(%arg15 : memref<64x128xf32, #tpu.memory_space<vmem>>) dst(%dma_wait3A_134 : memref<10240x128xf32, #tpu.memory_space<vmem_shared>>)
      } else {
      }
      %mul3A_28 = arith.constant 4 : i32
      %mul3A_29 = arith.muli %mul3A_28, %scan3A_25 : i32
      %add3A_30 = arith.constant 0 : i32
      %add3A_31 = arith.addi %mul3A_29, %add3A_30 : i32
      %mul3A_32 = arith.constant 64 : i32
      %mul3A_33 = arith.muli %add3A_31, %mul3A_32 : i32
      %add3A_34 = arith.addi %mul3A_2, %mul3A_33 : i32
      %dma_start3A = tpu.memref_slice %arg3[%add3A_34] : memref<327680xi32, #tpu.memory_space<hbm>> -> memref<64xi32, #tpu.memory_space<hbm>>
      %dma_start3A_35 = tpu.memref_slice %arg3[%add3A_34] : memref<327680xi32, #tpu.memory_space<hbm>> -> memref<64xi32, #tpu.memory_space<hbm>>
      tpu.enqueue_dma source(%dma_start3A_35 : memref<64xi32, #tpu.memory_space<hbm>>) target(%arg8 : memref<64xi32, #tpu.memory_space<vmem>>) target_semaphore(%arg17 : memref<!tpu.dma_semaphore, #tpu.memory_space<semaphore_mem>>)
      %mul3A_36 = arith.constant 64 : i32
      %mul3A_37 = arith.muli %add3A_31, %mul3A_36 : i32
      %dma_start3A_38 = tpu.memref_slice %arg7[%mul3A_37] : memref<10240xi32, #tpu.memory_space<vmem>> -> memref<64xi32, #tpu.memory_space<vmem>>
      %dma_start3A_39 = arith.constant 0 : i32
      %dma_start3A_40 = arith.constant 0 : i32
      %dma_start3A_41 = tpu.memref_slice %arg4[%dma_start3A_39, %dma_start3A_40] : memref<10240x128xf32, #tpu.memory_space<hbm>> -> memref<10240x128xf32, #tpu.memory_space<hbm>>
      tpu.enqueue_indirect_dma source(%dma_start3A_41 : memref<10240x128xf32, #tpu.memory_space<hbm>>) target(%arg12 : memref<64x128xf32, #tpu.memory_space<vmem>>) offsets(%dma_start3A_38 : memref<64xi32, #tpu.memory_space<vmem>>) semaphore(%arg18 : memref<!tpu.dma_semaphore, #tpu.memory_space<semaphore_mem>>)
      %mul3A_42 = arith.constant 4 : i32
      %mul3A_43 = arith.muli %mul3A_42, %scan3A_25 : i32
      %add3A_44 = arith.constant 1 : i32
      %add3A_45 = arith.addi %mul3A_43, %add3A_44 : i32
      %mul3A_46 = arith.constant 64 : i32
      %mul3A_47 = arith.muli %add3A_45, %mul3A_46 : i32
      %add3A_48 = arith.addi %mul3A_2, %mul3A_47 : i32
      %dma_start3A_49 = tpu.memref_slice %arg3[%add3A_48] : memref<327680xi32, #tpu.memory_space<hbm>> -> memref<64xi32, #tpu.memory_space<hbm>>
      %dma_start3A_50 = tpu.memref_slice %arg3[%add3A_48] : memref<327680xi32, #tpu.memory_space<hbm>> -> memref<64xi32, #tpu.memory_space<hbm>>
      tpu.enqueue_dma source(%dma_start3A_50 : memref<64xi32, #tpu.memory_space<hbm>>) target(%arg9 : memref<64xi32, #tpu.memory_space<vmem>>) target_semaphore(%arg17 : memref<!tpu.dma_semaphore, #tpu.memory_space<semaphore_mem>>)
      %mul3A_51 = arith.constant 64 : i32
      %mul3A_52 = arith.muli %add3A_45, %mul3A_51 : i32
      %dma_start3A_53 = tpu.memref_slice %arg7[%mul3A_52] : memref<10240xi32, #tpu.memory_space<vmem>> -> memref<64xi32, #tpu.memory_space<vmem>>
      %dma_start3A_54 = arith.constant 0 : i32
      %dma_start3A_55 = arith.constant 0 : i32
      %dma_start3A_56 = tpu.memref_slice %arg4[%dma_start3A_54, %dma_start3A_55] : memref<10240x128xf32, #tpu.memory_space<hbm>> -> memref<10240x128xf32, #tpu.memory_space<hbm>>
      tpu.enqueue_indirect_dma source(%dma_start3A_56 : memref<10240x128xf32, #tpu.memory_space<hbm>>) target(%arg13 : memref<64x128xf32, #tpu.memory_space<vmem>>) offsets(%dma_start3A_53 : memref<64xi32, #tpu.memory_space<vmem>>) semaphore(%arg18 : memref<!tpu.dma_semaphore, #tpu.memory_space<semaphore_mem>>)
      %mul3A_57 = arith.constant 4 : i32
      %mul3A_58 = arith.muli %mul3A_57, %scan3A_25 : i32
      %add3A_59 = arith.constant 2 : i32
      %add3A_60 = arith.addi %mul3A_58, %add3A_59 : i32
      %mul3A_61 = arith.constant 64 : i32
      %mul3A_62 = arith.muli %add3A_60, %mul3A_61 : i32
      %add3A_63 = arith.addi %mul3A_2, %mul3A_62 : i32
      %dma_start3A_64 = tpu.memref_slice %arg3[%add3A_63] : memref<327680xi32, #tpu.memory_space<hbm>> -> memref<64xi32, #tpu.memory_space<hbm>>
      %dma_start3A_65 = tpu.memref_slice %arg3[%add3A_63] : memref<327680xi32, #tpu.memory_space<hbm>> -> memref<64xi32, #tpu.memory_space<hbm>>
      tpu.enqueue_dma source(%dma_start3A_65 : memref<64xi32, #tpu.memory_space<hbm>>) target(%arg10 : memref<64xi32, #tpu.memory_space<vmem>>) target_semaphore(%arg17 : memref<!tpu.dma_semaphore, #tpu.memory_space<semaphore_mem>>)
      %mul3A_66 = arith.constant 64 : i32
      %mul3A_67 = arith.muli %add3A_60, %mul3A_66 : i32
      %dma_start3A_68 = tpu.memref_slice %arg7[%mul3A_67] : memref<10240xi32, #tpu.memory_space<vmem>> -> memref<64xi32, #tpu.memory_space<vmem>>
      %dma_start3A_69 = arith.constant 0 : i32
      %dma_start3A_70 = arith.constant 0 : i32
      %dma_start3A_71 = tpu.memref_slice %arg4[%dma_start3A_69, %dma_start3A_70] : memref<10240x128xf32, #tpu.memory_space<hbm>> -> memref<10240x128xf32, #tpu.memory_space<hbm>>
      tpu.enqueue_indirect_dma source(%dma_start3A_71 : memref<10240x128xf32, #tpu.memory_space<hbm>>) target(%arg14 : memref<64x128xf32, #tpu.memory_space<vmem>>) offsets(%dma_start3A_68 : memref<64xi32, #tpu.memory_space<vmem>>) semaphore(%arg18 : memref<!tpu.dma_semaphore, #tpu.memory_space<semaphore_mem>>)
      %mul3A_72 = arith.constant 4 : i32
      %mul3A_73 = arith.muli %mul3A_72, %scan3A_25 : i32
      %add3A_74 = arith.constant 3 : i32
      %add3A_75 = arith.addi %mul3A_73, %add3A_74 : i32
      %mul3A_76 = arith.constant 64 : i32
      %mul3A_77 = arith.muli %add3A_75, %mul3A_76 : i32
      %add3A_78 = arith.addi %mul3A_2, %mul3A_77 : i32
      %dma_start3A_79 = tpu.memref_slice %arg3[%add3A_78] : memref<327680xi32, #tpu.memory_space<hbm>> -> memref<64xi32, #tpu.memory_space<hbm>>
      %dma_start3A_80 = tpu.memref_slice %arg3[%add3A_78] : memref<327680xi32, #tpu.memory_space<hbm>> -> memref<64xi32, #tpu.memory_space<hbm>>
      tpu.enqueue_dma source(%dma_start3A_80 : memref<64xi32, #tpu.memory_space<hbm>>) target(%arg11 : memref<64xi32, #tpu.memory_space<vmem>>) target_semaphore(%arg17 : memref<!tpu.dma_semaphore, #tpu.memory_space<semaphore_mem>>)
      %mul3A_81 = arith.constant 64 : i32
      %mul3A_82 = arith.muli %add3A_75, %mul3A_81 : i32
      %dma_start3A_83 = tpu.memref_slice %arg7[%mul3A_82] : memref<10240xi32, #tpu.memory_space<vmem>> -> memref<64xi32, #tpu.memory_space<vmem>>
      %dma_start3A_84 = arith.constant 0 : i32
      %dma_start3A_85 = arith.constant 0 : i32
      %dma_start3A_86 = tpu.memref_slice %arg4[%dma_start3A_84, %dma_start3A_85] : memref<10240x128xf32, #tpu.memory_space<hbm>> -> memref<10240x128xf32, #tpu.memory_space<hbm>>
      tpu.enqueue_indirect_dma source(%dma_start3A_86 : memref<10240x128xf32, #tpu.memory_space<hbm>>) target(%arg15 : memref<64x128xf32, #tpu.memory_space<vmem>>) offsets(%dma_start3A_83 : memref<64xi32, #tpu.memory_space<vmem>>) semaphore(%arg18 : memref<!tpu.dma_semaphore, #tpu.memory_space<semaphore_mem>>)
      %dma_wait3A_87 = tpu.memref_slice %arg3[%add3A_34] : memref<327680xi32, #tpu.memory_space<hbm>> -> memref<64xi32, #tpu.memory_space<hbm>>
      %dma_wait3A_88 = tpu.memref_slice %arg3[%add3A_34] : memref<327680xi32, #tpu.memory_space<hbm>> -> memref<64xi32, #tpu.memory_space<hbm>>
      tpu.wait_dma2 semaphore(%arg17 : memref<!tpu.dma_semaphore, #tpu.memory_space<semaphore_mem>>) src(%dma_wait3A_88 : memref<64xi32, #tpu.memory_space<hbm>>) dst(%arg8 : memref<64xi32, #tpu.memory_space<vmem>>)
      %dma_wait3A_89 = tpu.memref_slice %arg7[%mul3A_37] : memref<10240xi32, #tpu.memory_space<vmem>> -> memref<64xi32, #tpu.memory_space<vmem>>
      %dma_wait3A_90 = arith.constant 0 : i32
      %dma_wait3A_91 = arith.constant 0 : i32
      %dma_wait3A_92 = tpu.memref_slice %arg4[%dma_wait3A_90, %dma_wait3A_91] : memref<10240x128xf32, #tpu.memory_space<hbm>> -> memref<10240x128xf32, #tpu.memory_space<hbm>>
      tpu.wait_indirect_dma semaphore(%arg18 : memref<!tpu.dma_semaphore, #tpu.memory_space<semaphore_mem>>) src(%dma_wait3A_92 : memref<10240x128xf32, #tpu.memory_space<hbm>>) dst(%arg12 : memref<64x128xf32, #tpu.memory_space<vmem>>)
      %dma_start3A_93 = arith.constant 0 : i32
      %dma_start3A_94 = arith.constant 0 : i32
      %dma_start3A_95 = tpu.memref_slice %arg16[%dma_start3A_93, %dma_start3A_94] : memref<10240x128xf32, #tpu.memory_space<vmem_shared>> -> memref<10240x128xf32, #tpu.memory_space<vmem_shared>>
      tpu.enqueue_indirect_dma source(%arg12 : memref<64x128xf32, #tpu.memory_space<vmem>>) target(%dma_start3A_95 : memref<10240x128xf32, #tpu.memory_space<vmem_shared>>) offsets(%arg8 : memref<64xi32, #tpu.memory_space<vmem>>) semaphore(%arg19 : memref<!tpu.dma_semaphore, #tpu.memory_space<semaphore_mem>>) {add = true}
      %dma_wait3A_96 = tpu.memref_slice %arg3[%add3A_48] : memref<327680xi32, #tpu.memory_space<hbm>> -> memref<64xi32, #tpu.memory_space<hbm>>
      %dma_wait3A_97 = tpu.memref_slice %arg3[%add3A_48] : memref<327680xi32, #tpu.memory_space<hbm>> -> memref<64xi32, #tpu.memory_space<hbm>>
      tpu.wait_dma2 semaphore(%arg17 : memref<!tpu.dma_semaphore, #tpu.memory_space<semaphore_mem>>) src(%dma_wait3A_97 : memref<64xi32, #tpu.memory_space<hbm>>) dst(%arg9 : memref<64xi32, #tpu.memory_space<vmem>>)
      %dma_wait3A_98 = tpu.memref_slice %arg7[%mul3A_52] : memref<10240xi32, #tpu.memory_space<vmem>> -> memref<64xi32, #tpu.memory_space<vmem>>
      %dma_wait3A_99 = arith.constant 0 : i32
      %dma_wait3A_100 = arith.constant 0 : i32
      %dma_wait3A_101 = tpu.memref_slice %arg4[%dma_wait3A_99, %dma_wait3A_100] : memref<10240x128xf32, #tpu.memory_space<hbm>> -> memref<10240x128xf32, #tpu.memory_space<hbm>>
      tpu.wait_indirect_dma semaphore(%arg18 : memref<!tpu.dma_semaphore, #tpu.memory_space<semaphore_mem>>) src(%dma_wait3A_101 : memref<10240x128xf32, #tpu.memory_space<hbm>>) dst(%arg13 : memref<64x128xf32, #tpu.memory_space<vmem>>)
      %dma_start3A_102 = arith.constant 0 : i32
      %dma_start3A_103 = arith.constant 0 : i32
      %dma_start3A_104 = tpu.memref_slice %arg16[%dma_start3A_102, %dma_start3A_103] : memref<10240x128xf32, #tpu.memory_space<vmem_shared>> -> memref<10240x128xf32, #tpu.memory_space<vmem_shared>>
      tpu.enqueue_indirect_dma source(%arg13 : memref<64x128xf32, #tpu.memory_space<vmem>>) target(%dma_start3A_104 : memref<10240x128xf32, #tpu.memory_space<vmem_shared>>) offsets(%arg9 : memref<64xi32, #tpu.memory_space<vmem>>) semaphore(%arg19 : memref<!tpu.dma_semaphore, #tpu.memory_space<semaphore_mem>>) {add = true}
      %dma_wait3A_105 = tpu.memref_slice %arg3[%add3A_63] : memref<327680xi32, #tpu.memory_space<hbm>> -> memref<64xi32, #tpu.memory_space<hbm>>
      %dma_wait3A_106 = tpu.memref_slice %arg3[%add3A_63] : memref<327680xi32, #tpu.memory_space<hbm>> -> memref<64xi32, #tpu.memory_space<hbm>>
      tpu.wait_dma2 semaphore(%arg17 : memref<!tpu.dma_semaphore, #tpu.memory_space<semaphore_mem>>) src(%dma_wait3A_106 : memref<64xi32, #tpu.memory_space<hbm>>) dst(%arg10 : memref<64xi32, #tpu.memory_space<vmem>>)
      %dma_wait3A_107 = tpu.memref_slice %arg7[%mul3A_67] : memref<10240xi32, #tpu.memory_space<vmem>> -> memref<64xi32, #tpu.memory_space<vmem>>
      %dma_wait3A_108 = arith.constant 0 : i32
      %dma_wait3A_109 = arith.constant 0 : i32
      %dma_wait3A_110 = tpu.memref_slice %arg4[%dma_wait3A_108, %dma_wait3A_109] : memref<10240x128xf32, #tpu.memory_space<hbm>> -> memref<10240x128xf32, #tpu.memory_space<hbm>>
      tpu.wait_indirect_dma semaphore(%arg18 : memref<!tpu.dma_semaphore, #tpu.memory_space<semaphore_mem>>) src(%dma_wait3A_110 : memref<10240x128xf32, #tpu.memory_space<hbm>>) dst(%arg14 : memref<64x128xf32, #tpu.memory_space<vmem>>)
      %dma_start3A_111 = arith.constant 0 : i32
      %dma_start3A_112 = arith.constant 0 : i32
      %dma_start3A_113 = tpu.memref_slice %arg16[%dma_start3A_111, %dma_start3A_112] : memref<10240x128xf32, #tpu.memory_space<vmem_shared>> -> memref<10240x128xf32, #tpu.memory_space<vmem_shared>>
      tpu.enqueue_indirect_dma source(%arg14 : memref<64x128xf32, #tpu.memory_space<vmem>>) target(%dma_start3A_113 : memref<10240x128xf32, #tpu.memory_space<vmem_shared>>) offsets(%arg10 : memref<64xi32, #tpu.memory_space<vmem>>) semaphore(%arg19 : memref<!tpu.dma_semaphore, #tpu.memory_space<semaphore_mem>>) {add = true}
      %dma_wait3A_114 = tpu.memref_slice %arg3[%add3A_78] : memref<327680xi32, #tpu.memory_space<hbm>> -> memref<64xi32, #tpu.memory_space<hbm>>
      %dma_wait3A_115 = tpu.memref_slice %arg3[%add3A_78] : memref<327680xi32, #tpu.memory_space<hbm>> -> memref<64xi32, #tpu.memory_space<hbm>>
      tpu.wait_dma2 semaphore(%arg17 : memref<!tpu.dma_semaphore, #tpu.memory_space<semaphore_mem>>) src(%dma_wait3A_115 : memref<64xi32, #tpu.memory_space<hbm>>) dst(%arg11 : memref<64xi32, #tpu.memory_space<vmem>>)
      %dma_wait3A_116 = tpu.memref_slice %arg7[%mul3A_82] : memref<10240xi32, #tpu.memory_space<vmem>> -> memref<64xi32, #tpu.memory_space<vmem>>
      %dma_wait3A_117 = arith.constant 0 : i32
      %dma_wait3A_118 = arith.constant 0 : i32
      %dma_wait3A_119 = tpu.memref_slice %arg4[%dma_wait3A_117, %dma_wait3A_118] : memref<10240x128xf32, #tpu.memory_space<hbm>> -> memref<10240x128xf32, #tpu.memory_space<hbm>>
      tpu.wait_indirect_dma semaphore(%arg18 : memref<!tpu.dma_semaphore, #tpu.memory_space<semaphore_mem>>) src(%dma_wait3A_119 : memref<10240x128xf32, #tpu.memory_space<hbm>>) dst(%arg15 : memref<64x128xf32, #tpu.memory_space<vmem>>)
      %dma_start3A_120 = arith.constant 0 : i32
      %dma_start3A_121 = arith.constant 0 : i32
      %dma_start3A_122 = tpu.memref_slice %arg16[%dma_start3A_120, %dma_start3A_121] : memref<10240x128xf32, #tpu.memory_space<vmem_shared>> -> memref<10240x128xf32, #tpu.memory_space<vmem_shared>>
      tpu.enqueue_indirect_dma source(%arg15 : memref<64x128xf32, #tpu.memory_space<vmem>>) target(%dma_start3A_122 : memref<10240x128xf32, #tpu.memory_space<vmem_shared>>) offsets(%arg11 : memref<64xi32, #tpu.memory_space<vmem>>) semaphore(%arg19 : memref<!tpu.dma_semaphore, #tpu.memory_space<semaphore_mem>>) {add = true}
    }
    %scan3A_8 = arith.constant 40 : i32
    %dma_wait3A = arith.constant 0 : i32
    %dma_wait3A_9 = arith.constant 0 : i32
    %dma_wait3A_10 = tpu.memref_slice %arg16[%dma_wait3A, %dma_wait3A_9] : memref<10240x128xf32, #tpu.memory_space<vmem_shared>> -> memref<10240x128xf32, #tpu.memory_space<vmem_shared>>
    tpu.wait_indirect_dma semaphore(%arg19 : memref<!tpu.dma_semaphore, #tpu.memory_space<semaphore_mem>>) src(%arg12 : memref<64x128xf32, #tpu.memory_space<vmem>>) dst(%dma_wait3A_10 : memref<10240x128xf32, #tpu.memory_space<vmem_shared>>)
    %dma_wait3A_11 = arith.constant 0 : i32
    %dma_wait3A_12 = arith.constant 0 : i32
    %dma_wait3A_13 = tpu.memref_slice %arg16[%dma_wait3A_11, %dma_wait3A_12] : memref<10240x128xf32, #tpu.memory_space<vmem_shared>> -> memref<10240x128xf32, #tpu.memory_space<vmem_shared>>
    tpu.wait_indirect_dma semaphore(%arg19 : memref<!tpu.dma_semaphore, #tpu.memory_space<semaphore_mem>>) src(%arg13 : memref<64x128xf32, #tpu.memory_space<vmem>>) dst(%dma_wait3A_13 : memref<10240x128xf32, #tpu.memory_space<vmem_shared>>)
    %dma_wait3A_14 = arith.constant 0 : i32
    %dma_wait3A_15 = arith.constant 0 : i32
    %dma_wait3A_16 = tpu.memref_slice %arg16[%dma_wait3A_14, %dma_wait3A_15] : memref<10240x128xf32, #tpu.memory_space<vmem_shared>> -> memref<10240x128xf32, #tpu.memory_space<vmem_shared>>
    tpu.wait_indirect_dma semaphore(%arg19 : memref<!tpu.dma_semaphore, #tpu.memory_space<semaphore_mem>>) src(%arg14 : memref<64x128xf32, #tpu.memory_space<vmem>>) dst(%dma_wait3A_16 : memref<10240x128xf32, #tpu.memory_space<vmem_shared>>)
    %dma_wait3A_17 = arith.constant 0 : i32
    %dma_wait3A_18 = arith.constant 0 : i32
    %dma_wait3A_19 = tpu.memref_slice %arg16[%dma_wait3A_17, %dma_wait3A_18] : memref<10240x128xf32, #tpu.memory_space<vmem_shared>> -> memref<10240x128xf32, #tpu.memory_space<vmem_shared>>
    tpu.wait_indirect_dma semaphore(%arg19 : memref<!tpu.dma_semaphore, #tpu.memory_space<semaphore_mem>>) src(%arg15 : memref<64x128xf32, #tpu.memory_space<vmem>>) dst(%dma_wait3A_19 : memref<10240x128xf32, #tpu.memory_space<vmem_shared>>)
    %barrier3A_20 = arith.constant 0 : index
    tpu.barrier barrier_id(%barrier3A_20)
    %mul3A_21 = arith.constant 640 : i32
    %mul3A_22 = arith.muli %arg1, %mul3A_21 : i32
    %mul3A_23 = arith.constant 640 : i32
    %mul3A_24 = arith.muli %arg1, %mul3A_23 : i32
    "tpu.region"() ({
      %run_scoped3A = tpu.sem_alloc : memref<!tpu.dma_semaphore, #tpu.memory_space<semaphore_mem>>
      %dma_start3A = arith.constant 0 : i32
      %dma_start3A_25 = tpu.memref_slice %arg6[%arg0, %mul3A_24, %dma_start3A] : memref<2x10240x128xf32, #tpu.memory_space<hbm>> -> memref<1x640x128xf32, #tpu.memory_space<hbm>>
      %dma_start3A_26 = tpu.memref_squeeze %dma_start3A_25 : memref<1x640x128xf32, #tpu.memory_space<hbm>> -> memref<640x128xf32, #tpu.memory_space<hbm>>
      %dma_start3A_27 = arith.constant 0 : i32
      %dma_start3A_28 = tpu.memref_slice %arg16[%mul3A_22, %dma_start3A_27] : memref<10240x128xf32, #tpu.memory_space<vmem_shared>> -> memref<640x128xf32, #tpu.memory_space<vmem_shared>>
      tpu.enqueue_dma source(%dma_start3A_28 : memref<640x128xf32, #tpu.memory_space<vmem_shared>>) target(%dma_start3A_26 : memref<640x128xf32, #tpu.memory_space<hbm>>) target_semaphore(%run_scoped3A : memref<!tpu.dma_semaphore, #tpu.memory_space<semaphore_mem>>)
      %dma_wait3A_29 = arith.constant 0 : i32
      %dma_wait3A_30 = tpu.memref_slice %arg6[%arg0, %mul3A_24, %dma_wait3A_29] : memref<2x10240x128xf32, #tpu.memory_space<hbm>> -> memref<1x640x128xf32, #tpu.memory_space<hbm>>
      %dma_wait3A_31 = tpu.memref_squeeze %dma_wait3A_30 : memref<1x640x128xf32, #tpu.memory_space<hbm>> -> memref<640x128xf32, #tpu.memory_space<hbm>>
      %dma_wait3A_32 = arith.constant 0 : i32
      %dma_wait3A_33 = tpu.memref_slice %arg16[%mul3A_22, %dma_wait3A_32] : memref<10240x128xf32, #tpu.memory_space<vmem_shared>> -> memref<640x128xf32, #tpu.memory_space<vmem_shared>>
      tpu.wait_dma2 semaphore(%run_scoped3A : memref<!tpu.dma_semaphore, #tpu.memory_space<semaphore_mem>>) src(%dma_wait3A_33 : memref<640x128xf32, #tpu.memory_space<vmem_shared>>) dst(%dma_wait3A_31 : memref<640x128xf32, #tpu.memory_space<hbm>>)
      tpu.yield
    }) : () -> ()
    return
  }
}

#map = affine_map<(d0, d1) -> (0)>
#map1 = affine_map<(d0, d1) -> (0, 0)>
#map2 = affine_map<(d0, d1) -> (0, 0, 0)>
module attributes {stable_mosaic.version = 14 : i64} {
  func.func @_agg(%arg0: i32, %arg1: i32, %arg2: memref<327680xi32, #tpu.memory_space<hbm>>, %arg3: memref<327680xi32, #tpu.memory_space<hbm>>, %arg4: memref<10240x128xf32, #tpu.memory_space<hbm>>, %arg5: memref<640x128xf32, #tpu.memory_space<hbm>>, %arg6: memref<2x10240x128xf32, #tpu.memory_space<hbm>>, %arg7: memref<10240xi32, #tpu.memory_space<vmem>>, %arg8: memref<64xi32, #tpu.memory_space<vmem>>, %arg9: memref<64xi32, #tpu.memory_space<vmem>>, %arg10: memref<64xi32, #tpu.memory_space<vmem>>, %arg11: memref<64xi32, #tpu.memory_space<vmem>>, %arg12: memref<64x128xf32, #tpu.memory_space<vmem>>, %arg13: memref<64x128xf32, #tpu.memory_space<vmem>>, %arg14: memref<64x128xf32, #tpu.memory_space<vmem>>, %arg15: memref<64x128xf32, #tpu.memory_space<vmem>>, %arg16: memref<10240x128xf32, #tpu.memory_space<vmem_shared>>, %arg17: memref<!tpu.dma_semaphore, #tpu.memory_space<semaphore_mem>>, %arg18: memref<!tpu.dma_semaphore, #tpu.memory_space<semaphore_mem>>, %arg19: memref<!tpu.dma_semaphore, #tpu.memory_space<semaphore_mem>>) attributes {dimension_semantics = [#tpu.dimension_semantics<core_parallel>, #tpu.dimension_semantics<subcore_parallel>], iteration_bounds = array<i64: 2, 16>, scalar_prefetch = 0 : i64, scratch_operands = 13 : i64, tpu.core_type = #tpu.core_type<sc_vector_subcore>, window_params = [{transform_indices = #map}, {transform_indices = #map}, {transform_indices = #map1}, {transform_indices = #map1}, {transform_indices = #map2}]} {
    %mul3A = arith.constant 16 : i32
    %mul3A_0 = arith.muli %arg0, %mul3A : i32
    %add3A = arith.addi %mul3A_0, %arg1 : i32
    %mul3A_1 = arith.constant 10240 : i32
    %mul3A_2 = arith.muli %add3A, %mul3A_1 : i32
    %mul3A_3 = arith.constant 640 : i32
    %mul3A_4 = arith.muli %arg1, %mul3A_3 : i32
    "tpu.region"() ({
      %run_scoped3A = tpu.sem_alloc : memref<!tpu.dma_semaphore, #tpu.memory_space<semaphore_mem>>
      %dma_start3A = arith.constant 0 : i32
      %dma_start3A_25 = tpu.memref_slice %arg16[%mul3A_4, %dma_start3A] : memref<10240x128xf32, #tpu.memory_space<vmem_shared>> -> memref<640x128xf32, #tpu.memory_space<vmem_shared>>
      tpu.enqueue_dma source(%arg5 : memref<640x128xf32, #tpu.memory_space<hbm>>) target(%dma_start3A_25 : memref<640x128xf32, #tpu.memory_space<vmem_shared>>) target_semaphore(%run_scoped3A : memref<!tpu.dma_semaphore, #tpu.memory_space<semaphore_mem>>)
      %dma_wait3A_26 = arith.constant 0 : i32
      %dma_wait3A_27 = tpu.memref_slice %arg16[%mul3A_4, %dma_wait3A_26] : memref<10240x128xf32, #tpu.memory_space<vmem_shared>> -> memref<640x128xf32, #tpu.memory_space<vmem_shared>>
      tpu.wait_dma2 semaphore(%run_scoped3A : memref<!tpu.dma_semaphore, #tpu.memory_space<semaphore_mem>>) src(%arg5 : memref<640x128xf32, #tpu.memory_space<hbm>>) dst(%dma_wait3A_27 : memref<640x128xf32, #tpu.memory_space<vmem_shared>>)
      tpu.yield
    }) : () -> ()
    "tpu.region"() ({
      %run_scoped3A = tpu.sem_alloc : memref<!tpu.dma_semaphore, #tpu.memory_space<semaphore_mem>>
      %dma_start3A = tpu.memref_slice %arg2[%mul3A_2] : memref<327680xi32, #tpu.memory_space<hbm>> -> memref<10240xi32, #tpu.memory_space<hbm>>
      %dma_start3A_25 = tpu.memref_slice %arg2[%mul3A_2] : memref<327680xi32, #tpu.memory_space<hbm>> -> memref<10240xi32, #tpu.memory_space<hbm>>
      tpu.enqueue_dma source(%dma_start3A_25 : memref<10240xi32, #tpu.memory_space<hbm>>) target(%arg7 : memref<10240xi32, #tpu.memory_space<vmem>>) target_semaphore(%run_scoped3A : memref<!tpu.dma_semaphore, #tpu.memory_space<semaphore_mem>>)
      %dma_wait3A_26 = tpu.memref_slice %arg2[%mul3A_2] : memref<327680xi32, #tpu.memory_space<hbm>> -> memref<10240xi32, #tpu.memory_space<hbm>>
      %dma_wait3A_27 = tpu.memref_slice %arg2[%mul3A_2] : memref<327680xi32, #tpu.memory_space<hbm>> -> memref<10240xi32, #tpu.memory_space<hbm>>
      tpu.wait_dma2 semaphore(%run_scoped3A : memref<!tpu.dma_semaphore, #tpu.memory_space<semaphore_mem>>) src(%dma_wait3A_27 : memref<10240xi32, #tpu.memory_space<hbm>>) dst(%arg7 : memref<10240xi32, #tpu.memory_space<vmem>>)
      tpu.yield
    }) : () -> ()
    %barrier3A = arith.constant 0 : index
    tpu.barrier barrier_id(%barrier3A)
    %scan3A = arith.constant 0 : i32
    %scan3A_5 = arith.constant 40 : i32
    %scan3A_6 = arith.addi %scan3A, %scan3A_5 : i32
    %scan3A_7 = arith.constant 1 : i32
    scf.for %scan3A_25 = %scan3A to %scan3A_6 step %scan3A_7  : i32 {
      %gt3A = arith.constant 0 : i32
      %gt3A_26 = arith.cmpi sgt, %scan3A_25, %gt3A : i32
      %convert_element_type3A = arith.extui %gt3A_26 : i1 to i32
      %cond3A = arith.constant 0 : i32
      %cond3A_27 = arith.cmpi ne, %convert_element_type3A, %cond3A : i32
      scf.if %cond3A_27 {
        %dma_wait3A_123 = arith.constant 0 : i32
        %dma_wait3A_124 = arith.constant 0 : i32
        %dma_wait3A_125 = tpu.memref_slice %arg16[%dma_wait3A_123, %dma_wait3A_124] : memref<10240x128xf32, #tpu.memory_space<vmem_shared>> -> memref<10240x128xf32, #tpu.memory_space<vmem_shared>>
        tpu.wait_indirect_dma semaphore(%arg19 : memref<!tpu.dma_semaphore, #tpu.memory_space<semaphore_mem>>) src(%arg12 : memref<64x128xf32, #tpu.memory_space<vmem>>) dst(%dma_wait3A_125 : memref<10240x128xf32, #tpu.memory_space<vmem_shared>>)
        %dma_wait3A_126 = arith.constant 0 : i32
        %dma_wait3A_127 = arith.constant 0 : i32
        %dma_wait3A_128 = tpu.memref_slice %arg16[%dma_wait3A_126, %dma_wait3A_127] : memref<10240x128xf32, #tpu.memory_space<vmem_shared>> -> memref<10240x128xf32, #tpu.memory_space<vmem_shared>>
        tpu.wait_indirect_dma semaphore(%arg19 : memref<!tpu.dma_semaphore, #tpu.memory_space<semaphore_mem>>) src(%arg13 : memref<64x128xf32, #tpu.memory_space<vmem>>) dst(%dma_wait3A_128 : memref<10240x128xf32, #tpu.memory_space<vmem_shared>>)
        %dma_wait3A_129 = arith.constant 0 : i32
        %dma_wait3A_130 = arith.constant 0 : i32
        %dma_wait3A_131 = tpu.memref_slice %arg16[%dma_wait3A_129, %dma_wait3A_130] : memref<10240x128xf32, #tpu.memory_space<vmem_shared>> -> memref<10240x128xf32, #tpu.memory_space<vmem_shared>>
        tpu.wait_indirect_dma semaphore(%arg19 : memref<!tpu.dma_semaphore, #tpu.memory_space<semaphore_mem>>) src(%arg14 : memref<64x128xf32, #tpu.memory_space<vmem>>) dst(%dma_wait3A_131 : memref<10240x128xf32, #tpu.memory_space<vmem_shared>>)
        %dma_wait3A_132 = arith.constant 0 : i32
        %dma_wait3A_133 = arith.constant 0 : i32
        %dma_wait3A_134 = tpu.memref_slice %arg16[%dma_wait3A_132, %dma_wait3A_133] : memref<10240x128xf32, #tpu.memory_space<vmem_shared>> -> memref<10240x128xf32, #tpu.memory_space<vmem_shared>>
        tpu.wait_indirect_dma semaphore(%arg19 : memref<!tpu.dma_semaphore, #tpu.memory_space<semaphore_mem>>) src(%arg15 : memref<64x128xf32, #tpu.memory_space<vmem>>) dst(%dma_wait3A_134 : memref<10240x128xf32, #tpu.memory_space<vmem_shared>>)
      } else {
      }
      %mul3A_28 = arith.constant 4 : i32
      %mul3A_29 = arith.muli %mul3A_28, %scan3A_25 : i32
      %add3A_30 = arith.constant 0 : i32
      %add3A_31 = arith.addi %mul3A_29, %add3A_30 : i32
      %mul3A_32 = arith.constant 64 : i32
      %mul3A_33 = arith.muli %add3A_31, %mul3A_32 : i32
      %add3A_34 = arith.addi %mul3A_2, %mul3A_33 : i32
      %dma_start3A = tpu.memref_slice %arg3[%add3A_34] : memref<327680xi32, #tpu.memory_space<hbm>> -> memref<64xi32, #tpu.memory_space<hbm>>
      %dma_start3A_35 = tpu.memref_slice %arg3[%add3A_34] : memref<327680xi32, #tpu.memory_space<hbm>> -> memref<64xi32, #tpu.memory_space<hbm>>
      tpu.enqueue_dma source(%dma_start3A_35 : memref<64xi32, #tpu.memory_space<hbm>>) target(%arg8 : memref<64xi32, #tpu.memory_space<vmem>>) target_semaphore(%arg17 : memref<!tpu.dma_semaphore, #tpu.memory_space<semaphore_mem>>)
      %mul3A_36 = arith.constant 64 : i32
      %mul3A_37 = arith.muli %add3A_31, %mul3A_36 : i32
      %dma_start3A_38 = tpu.memref_slice %arg7[%mul3A_37] : memref<10240xi32, #tpu.memory_space<vmem>> -> memref<64xi32, #tpu.memory_space<vmem>>
      %dma_start3A_39 = arith.constant 0 : i32
      %dma_start3A_40 = arith.constant 0 : i32
      %dma_start3A_41 = tpu.memref_slice %arg4[%dma_start3A_39, %dma_start3A_40] : memref<10240x128xf32, #tpu.memory_space<hbm>> -> memref<10240x128xf32, #tpu.memory_space<hbm>>
      tpu.enqueue_indirect_dma source(%dma_start3A_41 : memref<10240x128xf32, #tpu.memory_space<hbm>>) target(%arg12 : memref<64x128xf32, #tpu.memory_space<vmem>>) offsets(%dma_start3A_38 : memref<64xi32, #tpu.memory_space<vmem>>) semaphore(%arg18 : memref<!tpu.dma_semaphore, #tpu.memory_space<semaphore_mem>>)
      %mul3A_42 = arith.constant 4 : i32
      %mul3A_43 = arith.muli %mul3A_42, %scan3A_25 : i32
      %add3A_44 = arith.constant 1 : i32
      %add3A_45 = arith.addi %mul3A_43, %add3A_44 : i32
      %mul3A_46 = arith.constant 64 : i32
      %mul3A_47 = arith.muli %add3A_45, %mul3A_46 : i32
      %add3A_48 = arith.addi %mul3A_2, %mul3A_47 : i32
      %dma_start3A_49 = tpu.memref_slice %arg3[%add3A_48] : memref<327680xi32, #tpu.memory_space<hbm>> -> memref<64xi32, #tpu.memory_space<hbm>>
      %dma_start3A_50 = tpu.memref_slice %arg3[%add3A_48] : memref<327680xi32, #tpu.memory_space<hbm>> -> memref<64xi32, #tpu.memory_space<hbm>>
      tpu.enqueue_dma source(%dma_start3A_50 : memref<64xi32, #tpu.memory_space<hbm>>) target(%arg9 : memref<64xi32, #tpu.memory_space<vmem>>) target_semaphore(%arg17 : memref<!tpu.dma_semaphore, #tpu.memory_space<semaphore_mem>>)
      %mul3A_51 = arith.constant 64 : i32
      %mul3A_52 = arith.muli %add3A_45, %mul3A_51 : i32
      %dma_start3A_53 = tpu.memref_slice %arg7[%mul3A_52] : memref<10240xi32, #tpu.memory_space<vmem>> -> memref<64xi32, #tpu.memory_space<vmem>>
      %dma_start3A_54 = arith.constant 0 : i32
      %dma_start3A_55 = arith.constant 0 : i32
      %dma_start3A_56 = tpu.memref_slice %arg4[%dma_start3A_54, %dma_start3A_55] : memref<10240x128xf32, #tpu.memory_space<hbm>> -> memref<10240x128xf32, #tpu.memory_space<hbm>>
      tpu.enqueue_indirect_dma source(%dma_start3A_56 : memref<10240x128xf32, #tpu.memory_space<hbm>>) target(%arg13 : memref<64x128xf32, #tpu.memory_space<vmem>>) offsets(%dma_start3A_53 : memref<64xi32, #tpu.memory_space<vmem>>) semaphore(%arg18 : memref<!tpu.dma_semaphore, #tpu.memory_space<semaphore_mem>>)
      %mul3A_57 = arith.constant 4 : i32
      %mul3A_58 = arith.muli %mul3A_57, %scan3A_25 : i32
      %add3A_59 = arith.constant 2 : i32
      %add3A_60 = arith.addi %mul3A_58, %add3A_59 : i32
      %mul3A_61 = arith.constant 64 : i32
      %mul3A_62 = arith.muli %add3A_60, %mul3A_61 : i32
      %add3A_63 = arith.addi %mul3A_2, %mul3A_62 : i32
      %dma_start3A_64 = tpu.memref_slice %arg3[%add3A_63] : memref<327680xi32, #tpu.memory_space<hbm>> -> memref<64xi32, #tpu.memory_space<hbm>>
      %dma_start3A_65 = tpu.memref_slice %arg3[%add3A_63] : memref<327680xi32, #tpu.memory_space<hbm>> -> memref<64xi32, #tpu.memory_space<hbm>>
      tpu.enqueue_dma source(%dma_start3A_65 : memref<64xi32, #tpu.memory_space<hbm>>) target(%arg10 : memref<64xi32, #tpu.memory_space<vmem>>) target_semaphore(%arg17 : memref<!tpu.dma_semaphore, #tpu.memory_space<semaphore_mem>>)
      %mul3A_66 = arith.constant 64 : i32
      %mul3A_67 = arith.muli %add3A_60, %mul3A_66 : i32
      %dma_start3A_68 = tpu.memref_slice %arg7[%mul3A_67] : memref<10240xi32, #tpu.memory_space<vmem>> -> memref<64xi32, #tpu.memory_space<vmem>>
      %dma_start3A_69 = arith.constant 0 : i32
      %dma_start3A_70 = arith.constant 0 : i32
      %dma_start3A_71 = tpu.memref_slice %arg4[%dma_start3A_69, %dma_start3A_70] : memref<10240x128xf32, #tpu.memory_space<hbm>> -> memref<10240x128xf32, #tpu.memory_space<hbm>>
      tpu.enqueue_indirect_dma source(%dma_start3A_71 : memref<10240x128xf32, #tpu.memory_space<hbm>>) target(%arg14 : memref<64x128xf32, #tpu.memory_space<vmem>>) offsets(%dma_start3A_68 : memref<64xi32, #tpu.memory_space<vmem>>) semaphore(%arg18 : memref<!tpu.dma_semaphore, #tpu.memory_space<semaphore_mem>>)
      %mul3A_72 = arith.constant 4 : i32
      %mul3A_73 = arith.muli %mul3A_72, %scan3A_25 : i32
      %add3A_74 = arith.constant 3 : i32
      %add3A_75 = arith.addi %mul3A_73, %add3A_74 : i32
      %mul3A_76 = arith.constant 64 : i32
      %mul3A_77 = arith.muli %add3A_75, %mul3A_76 : i32
      %add3A_78 = arith.addi %mul3A_2, %mul3A_77 : i32
      %dma_start3A_79 = tpu.memref_slice %arg3[%add3A_78] : memref<327680xi32, #tpu.memory_space<hbm>> -> memref<64xi32, #tpu.memory_space<hbm>>
      %dma_start3A_80 = tpu.memref_slice %arg3[%add3A_78] : memref<327680xi32, #tpu.memory_space<hbm>> -> memref<64xi32, #tpu.memory_space<hbm>>
      tpu.enqueue_dma source(%dma_start3A_80 : memref<64xi32, #tpu.memory_space<hbm>>) target(%arg11 : memref<64xi32, #tpu.memory_space<vmem>>) target_semaphore(%arg17 : memref<!tpu.dma_semaphore, #tpu.memory_space<semaphore_mem>>)
      %mul3A_81 = arith.constant 64 : i32
      %mul3A_82 = arith.muli %add3A_75, %mul3A_81 : i32
      %dma_start3A_83 = tpu.memref_slice %arg7[%mul3A_82] : memref<10240xi32, #tpu.memory_space<vmem>> -> memref<64xi32, #tpu.memory_space<vmem>>
      %dma_start3A_84 = arith.constant 0 : i32
      %dma_start3A_85 = arith.constant 0 : i32
      %dma_start3A_86 = tpu.memref_slice %arg4[%dma_start3A_84, %dma_start3A_85] : memref<10240x128xf32, #tpu.memory_space<hbm>> -> memref<10240x128xf32, #tpu.memory_space<hbm>>
      tpu.enqueue_indirect_dma source(%dma_start3A_86 : memref<10240x128xf32, #tpu.memory_space<hbm>>) target(%arg15 : memref<64x128xf32, #tpu.memory_space<vmem>>) offsets(%dma_start3A_83 : memref<64xi32, #tpu.memory_space<vmem>>) semaphore(%arg18 : memref<!tpu.dma_semaphore, #tpu.memory_space<semaphore_mem>>)
      %dma_wait3A_87 = tpu.memref_slice %arg3[%add3A_34] : memref<327680xi32, #tpu.memory_space<hbm>> -> memref<64xi32, #tpu.memory_space<hbm>>
      %dma_wait3A_88 = tpu.memref_slice %arg3[%add3A_34] : memref<327680xi32, #tpu.memory_space<hbm>> -> memref<64xi32, #tpu.memory_space<hbm>>
      tpu.wait_dma2 semaphore(%arg17 : memref<!tpu.dma_semaphore, #tpu.memory_space<semaphore_mem>>) src(%dma_wait3A_88 : memref<64xi32, #tpu.memory_space<hbm>>) dst(%arg8 : memref<64xi32, #tpu.memory_space<vmem>>)
      %dma_wait3A_89 = tpu.memref_slice %arg7[%mul3A_37] : memref<10240xi32, #tpu.memory_space<vmem>> -> memref<64xi32, #tpu.memory_space<vmem>>
      %dma_wait3A_90 = arith.constant 0 : i32
      %dma_wait3A_91 = arith.constant 0 : i32
      %dma_wait3A_92 = tpu.memref_slice %arg4[%dma_wait3A_90, %dma_wait3A_91] : memref<10240x128xf32, #tpu.memory_space<hbm>> -> memref<10240x128xf32, #tpu.memory_space<hbm>>
      tpu.wait_indirect_dma semaphore(%arg18 : memref<!tpu.dma_semaphore, #tpu.memory_space<semaphore_mem>>) src(%dma_wait3A_92 : memref<10240x128xf32, #tpu.memory_space<hbm>>) dst(%arg12 : memref<64x128xf32, #tpu.memory_space<vmem>>)
      %dma_start3A_93 = arith.constant 0 : i32
      %dma_start3A_94 = arith.constant 0 : i32
      %dma_start3A_95 = tpu.memref_slice %arg16[%dma_start3A_93, %dma_start3A_94] : memref<10240x128xf32, #tpu.memory_space<vmem_shared>> -> memref<10240x128xf32, #tpu.memory_space<vmem_shared>>
      tpu.enqueue_indirect_dma source(%arg12 : memref<64x128xf32, #tpu.memory_space<vmem>>) target(%dma_start3A_95 : memref<10240x128xf32, #tpu.memory_space<vmem_shared>>) offsets(%arg8 : memref<64xi32, #tpu.memory_space<vmem>>) semaphore(%arg19 : memref<!tpu.dma_semaphore, #tpu.memory_space<semaphore_mem>>) {add = true}
      %dma_wait3A_96 = tpu.memref_slice %arg3[%add3A_48] : memref<327680xi32, #tpu.memory_space<hbm>> -> memref<64xi32, #tpu.memory_space<hbm>>
      %dma_wait3A_97 = tpu.memref_slice %arg3[%add3A_48] : memref<327680xi32, #tpu.memory_space<hbm>> -> memref<64xi32, #tpu.memory_space<hbm>>
      tpu.wait_dma2 semaphore(%arg17 : memref<!tpu.dma_semaphore, #tpu.memory_space<semaphore_mem>>) src(%dma_wait3A_97 : memref<64xi32, #tpu.memory_space<hbm>>) dst(%arg9 : memref<64xi32, #tpu.memory_space<vmem>>)
      %dma_wait3A_98 = tpu.memref_slice %arg7[%mul3A_52] : memref<10240xi32, #tpu.memory_space<vmem>> -> memref<64xi32, #tpu.memory_space<vmem>>
      %dma_wait3A_99 = arith.constant 0 : i32
      %dma_wait3A_100 = arith.constant 0 : i32
      %dma_wait3A_101 = tpu.memref_slice %arg4[%dma_wait3A_99, %dma_wait3A_100] : memref<10240x128xf32, #tpu.memory_space<hbm>> -> memref<10240x128xf32, #tpu.memory_space<hbm>>
      tpu.wait_indirect_dma semaphore(%arg18 : memref<!tpu.dma_semaphore, #tpu.memory_space<semaphore_mem>>) src(%dma_wait3A_101 : memref<10240x128xf32, #tpu.memory_space<hbm>>) dst(%arg13 : memref<64x128xf32, #tpu.memory_space<vmem>>)
      %dma_start3A_102 = arith.constant 0 : i32
      %dma_start3A_103 = arith.constant 0 : i32
      %dma_start3A_104 = tpu.memref_slice %arg16[%dma_start3A_102, %dma_start3A_103] : memref<10240x128xf32, #tpu.memory_space<vmem_shared>> -> memref<10240x128xf32, #tpu.memory_space<vmem_shared>>
      tpu.enqueue_indirect_dma source(%arg13 : memref<64x128xf32, #tpu.memory_space<vmem>>) target(%dma_start3A_104 : memref<10240x128xf32, #tpu.memory_space<vmem_shared>>) offsets(%arg9 : memref<64xi32, #tpu.memory_space<vmem>>) semaphore(%arg19 : memref<!tpu.dma_semaphore, #tpu.memory_space<semaphore_mem>>) {add = true}
      %dma_wait3A_105 = tpu.memref_slice %arg3[%add3A_63] : memref<327680xi32, #tpu.memory_space<hbm>> -> memref<64xi32, #tpu.memory_space<hbm>>
      %dma_wait3A_106 = tpu.memref_slice %arg3[%add3A_63] : memref<327680xi32, #tpu.memory_space<hbm>> -> memref<64xi32, #tpu.memory_space<hbm>>
      tpu.wait_dma2 semaphore(%arg17 : memref<!tpu.dma_semaphore, #tpu.memory_space<semaphore_mem>>) src(%dma_wait3A_106 : memref<64xi32, #tpu.memory_space<hbm>>) dst(%arg10 : memref<64xi32, #tpu.memory_space<vmem>>)
      %dma_wait3A_107 = tpu.memref_slice %arg7[%mul3A_67] : memref<10240xi32, #tpu.memory_space<vmem>> -> memref<64xi32, #tpu.memory_space<vmem>>
      %dma_wait3A_108 = arith.constant 0 : i32
      %dma_wait3A_109 = arith.constant 0 : i32
      %dma_wait3A_110 = tpu.memref_slice %arg4[%dma_wait3A_108, %dma_wait3A_109] : memref<10240x128xf32, #tpu.memory_space<hbm>> -> memref<10240x128xf32, #tpu.memory_space<hbm>>
      tpu.wait_indirect_dma semaphore(%arg18 : memref<!tpu.dma_semaphore, #tpu.memory_space<semaphore_mem>>) src(%dma_wait3A_110 : memref<10240x128xf32, #tpu.memory_space<hbm>>) dst(%arg14 : memref<64x128xf32, #tpu.memory_space<vmem>>)
      %dma_start3A_111 = arith.constant 0 : i32
      %dma_start3A_112 = arith.constant 0 : i32
      %dma_start3A_113 = tpu.memref_slice %arg16[%dma_start3A_111, %dma_start3A_112] : memref<10240x128xf32, #tpu.memory_space<vmem_shared>> -> memref<10240x128xf32, #tpu.memory_space<vmem_shared>>
      tpu.enqueue_indirect_dma source(%arg14 : memref<64x128xf32, #tpu.memory_space<vmem>>) target(%dma_start3A_113 : memref<10240x128xf32, #tpu.memory_space<vmem_shared>>) offsets(%arg10 : memref<64xi32, #tpu.memory_space<vmem>>) semaphore(%arg19 : memref<!tpu.dma_semaphore, #tpu.memory_space<semaphore_mem>>) {add = true}
      %dma_wait3A_114 = tpu.memref_slice %arg3[%add3A_78] : memref<327680xi32, #tpu.memory_space<hbm>> -> memref<64xi32, #tpu.memory_space<hbm>>
      %dma_wait3A_115 = tpu.memref_slice %arg3[%add3A_78] : memref<327680xi32, #tpu.memory_space<hbm>> -> memref<64xi32, #tpu.memory_space<hbm>>
      tpu.wait_dma2 semaphore(%arg17 : memref<!tpu.dma_semaphore, #tpu.memory_space<semaphore_mem>>) src(%dma_wait3A_115 : memref<64xi32, #tpu.memory_space<hbm>>) dst(%arg11 : memref<64xi32, #tpu.memory_space<vmem>>)
      %dma_wait3A_116 = tpu.memref_slice %arg7[%mul3A_82] : memref<10240xi32, #tpu.memory_space<vmem>> -> memref<64xi32, #tpu.memory_space<vmem>>
      %dma_wait3A_117 = arith.constant 0 : i32
      %dma_wait3A_118 = arith.constant 0 : i32
      %dma_wait3A_119 = tpu.memref_slice %arg4[%dma_wait3A_117, %dma_wait3A_118] : memref<10240x128xf32, #tpu.memory_space<hbm>> -> memref<10240x128xf32, #tpu.memory_space<hbm>>
      tpu.wait_indirect_dma semaphore(%arg18 : memref<!tpu.dma_semaphore, #tpu.memory_space<semaphore_mem>>) src(%dma_wait3A_119 : memref<10240x128xf32, #tpu.memory_space<hbm>>) dst(%arg15 : memref<64x128xf32, #tpu.memory_space<vmem>>)
      %dma_start3A_120 = arith.constant 0 : i32
      %dma_start3A_121 = arith.constant 0 : i32
      %dma_start3A_122 = tpu.memref_slice %arg16[%dma_start3A_120, %dma_start3A_121] : memref<10240x128xf32, #tpu.memory_space<vmem_shared>> -> memref<10240x128xf32, #tpu.memory_space<vmem_shared>>
      tpu.enqueue_indirect_dma source(%arg15 : memref<64x128xf32, #tpu.memory_space<vmem>>) target(%dma_start3A_122 : memref<10240x128xf32, #tpu.memory_space<vmem_shared>>) offsets(%arg11 : memref<64xi32, #tpu.memory_space<vmem>>) semaphore(%arg19 : memref<!tpu.dma_semaphore, #tpu.memory_space<semaphore_mem>>) {add = true}
    }
    %scan3A_8 = arith.constant 40 : i32
    %dma_wait3A = arith.constant 0 : i32
    %dma_wait3A_9 = arith.constant 0 : i32
    %dma_wait3A_10 = tpu.memref_slice %arg16[%dma_wait3A, %dma_wait3A_9] : memref<10240x128xf32, #tpu.memory_space<vmem_shared>> -> memref<10240x128xf32, #tpu.memory_space<vmem_shared>>
    tpu.wait_indirect_dma semaphore(%arg19 : memref<!tpu.dma_semaphore, #tpu.memory_space<semaphore_mem>>) src(%arg12 : memref<64x128xf32, #tpu.memory_space<vmem>>) dst(%dma_wait3A_10 : memref<10240x128xf32, #tpu.memory_space<vmem_shared>>)
    %dma_wait3A_11 = arith.constant 0 : i32
    %dma_wait3A_12 = arith.constant 0 : i32
    %dma_wait3A_13 = tpu.memref_slice %arg16[%dma_wait3A_11, %dma_wait3A_12] : memref<10240x128xf32, #tpu.memory_space<vmem_shared>> -> memref<10240x128xf32, #tpu.memory_space<vmem_shared>>
    tpu.wait_indirect_dma semaphore(%arg19 : memref<!tpu.dma_semaphore, #tpu.memory_space<semaphore_mem>>) src(%arg13 : memref<64x128xf32, #tpu.memory_space<vmem>>) dst(%dma_wait3A_13 : memref<10240x128xf32, #tpu.memory_space<vmem_shared>>)
    %dma_wait3A_14 = arith.constant 0 : i32
    %dma_wait3A_15 = arith.constant 0 : i32
    %dma_wait3A_16 = tpu.memref_slice %arg16[%dma_wait3A_14, %dma_wait3A_15] : memref<10240x128xf32, #tpu.memory_space<vmem_shared>> -> memref<10240x128xf32, #tpu.memory_space<vmem_shared>>
    tpu.wait_indirect_dma semaphore(%arg19 : memref<!tpu.dma_semaphore, #tpu.memory_space<semaphore_mem>>) src(%arg14 : memref<64x128xf32, #tpu.memory_space<vmem>>) dst(%dma_wait3A_16 : memref<10240x128xf32, #tpu.memory_space<vmem_shared>>)
    %dma_wait3A_17 = arith.constant 0 : i32
    %dma_wait3A_18 = arith.constant 0 : i32
    %dma_wait3A_19 = tpu.memref_slice %arg16[%dma_wait3A_17, %dma_wait3A_18] : memref<10240x128xf32, #tpu.memory_space<vmem_shared>> -> memref<10240x128xf32, #tpu.memory_space<vmem_shared>>
    tpu.wait_indirect_dma semaphore(%arg19 : memref<!tpu.dma_semaphore, #tpu.memory_space<semaphore_mem>>) src(%arg15 : memref<64x128xf32, #tpu.memory_space<vmem>>) dst(%dma_wait3A_19 : memref<10240x128xf32, #tpu.memory_space<vmem_shared>>)
    %barrier3A_20 = arith.constant 0 : index
    tpu.barrier barrier_id(%barrier3A_20)
    %mul3A_21 = arith.constant 640 : i32
    %mul3A_22 = arith.muli %arg1, %mul3A_21 : i32
    %mul3A_23 = arith.constant 640 : i32
    %mul3A_24 = arith.muli %arg1, %mul3A_23 : i32
    "tpu.region"() ({
      %run_scoped3A = tpu.sem_alloc : memref<!tpu.dma_semaphore, #tpu.memory_space<semaphore_mem>>
      %dma_start3A = arith.constant 0 : i32
      %dma_start3A_25 = tpu.memref_slice %arg6[%arg0, %mul3A_24, %dma_start3A] : memref<2x10240x128xf32, #tpu.memory_space<hbm>> -> memref<1x640x128xf32, #tpu.memory_space<hbm>>
      %dma_start3A_26 = tpu.memref_squeeze %dma_start3A_25 : memref<1x640x128xf32, #tpu.memory_space<hbm>> -> memref<640x128xf32, #tpu.memory_space<hbm>>
      %dma_start3A_27 = arith.constant 0 : i32
      %dma_start3A_28 = tpu.memref_slice %arg16[%mul3A_22, %dma_start3A_27] : memref<10240x128xf32, #tpu.memory_space<vmem_shared>> -> memref<640x128xf32, #tpu.memory_space<vmem_shared>>
      tpu.enqueue_dma source(%dma_start3A_28 : memref<640x128xf32, #tpu.memory_space<vmem_shared>>) target(%dma_start3A_26 : memref<640x128xf32, #tpu.memory_space<hbm>>) target_semaphore(%run_scoped3A : memref<!tpu.dma_semaphore, #tpu.memory_space<semaphore_mem>>)
      %dma_wait3A_29 = arith.constant 0 : i32
      %dma_wait3A_30 = tpu.memref_slice %arg6[%arg0, %mul3A_24, %dma_wait3A_29] : memref<2x10240x128xf32, #tpu.memory_space<hbm>> -> memref<1x640x128xf32, #tpu.memory_space<hbm>>
      %dma_wait3A_31 = tpu.memref_squeeze %dma_wait3A_30 : memref<1x640x128xf32, #tpu.memory_space<hbm>> -> memref<640x128xf32, #tpu.memory_space<hbm>>
      %dma_wait3A_32 = arith.constant 0 : i32
      %dma_wait3A_33 = tpu.memref_slice %arg16[%mul3A_22, %dma_wait3A_32] : memref<10240x128xf32, #tpu.memory_space<vmem_shared>> -> memref<640x128xf32, #tpu.memory_space<vmem_shared>>
      tpu.wait_dma2 semaphore(%run_scoped3A : memref<!tpu.dma_semaphore, #tpu.memory_space<semaphore_mem>>) src(%dma_wait3A_33 : memref<640x128xf32, #tpu.memory_space<vmem_shared>>) dst(%dma_wait3A_31 : memref<640x128xf32, #tpu.memory_space<hbm>>)
      tpu.yield
    }) : () -> ()
    return
  }
}

module attributes {stable_mosaic.version = 14 : i64} {
  func.func @_dinv_body(%arg0: memref<2x80x128xf32, #tpu.memory_space<vmem>>, %arg1: memref<80x128xf32, #tpu.memory_space<vmem>>) attributes {dimension_semantics = [], scalar_prefetch = 0 : i64, scratch_operands = 0 : i64, tpu.core_type = #tpu.core_type<tc>} {
    %get3A = arith.constant 0 : index
    %get3A_0 = arith.constant 0 : index
    %get3A_1 = arith.constant 0 : index
    %get3A_2 = vector.load %arg0[%get3A, %get3A_0, %get3A_1] : memref<2x80x128xf32, #tpu.memory_space<vmem>>, vector<1x80x128xf32>
    %get3A_3 = vector.shape_cast %get3A_2 : vector<1x80x128xf32> to vector<80x128xf32>
    %get3A_4 = arith.constant 1 : index
    %get3A_5 = arith.constant 0 : index
    %get3A_6 = arith.constant 0 : index
    %get3A_7 = vector.load %arg0[%get3A_4, %get3A_5, %get3A_6] : memref<2x80x128xf32, #tpu.memory_space<vmem>>, vector<1x80x128xf32>
    %get3A_8 = vector.shape_cast %get3A_7 : vector<1x80x128xf32> to vector<80x128xf32>
    %add3A = arith.addf %get3A_3, %get3A_8 : vector<80x128xf32>
    %iota3A = tpu.iota {dimensions = array<i32: 0>} : vector<80x128xi32>
    %iota3A_9 = tpu.iota {dimensions = array<i32: 1>} : vector<80x128xi32>
    %mul3A = arith.constant 128 : i32
    %mul3A_10 = vector.broadcast %mul3A : i32 to vector<80x128xi32>
    %mul3A_11 = arith.muli %iota3A, %mul3A_10 : vector<80x128xi32>
    %add3A_12 = arith.addi %mul3A_11, %iota3A_9 : vector<80x128xi32>
    %lt3A = arith.constant 10000 : i32
    %lt3A_13 = vector.broadcast %lt3A : i32 to vector<80x128xi32>
    %lt3A_14 = arith.cmpi slt, %add3A_12, %lt3A_13 : vector<80x128xi32>
    %add3A_15 = arith.constant 1.000000e+00 : f32
    %add3A_16 = vector.broadcast %add3A_15 : f32 to vector<80x128xf32>
    %add3A_17 = arith.addf %add3A, %add3A_16 : vector<80x128xf32>
    %rsqrt3A = math.rsqrt %add3A_17 : vector<80x128xf32>
    %jit3A = arith.constant 0.000000e+00 : f32
    %broadcast_in_dim3A = vector.broadcast %jit3A : f32 to vector<80x128xf32>
    %select_n3A = arith.select %lt3A_14, %rsqrt3A, %broadcast_in_dim3A : vector<80x128xi1>, vector<80x128xf32>
    %swap3A = arith.constant 0 : index
    %swap3A_18 = arith.constant 0 : index
    %swap3A_19 = vector.load %arg1[%swap3A, %swap3A_18] : memref<80x128xf32, #tpu.memory_space<vmem>>, vector<80x128xf32>
    tpu.vector_store %arg1[%swap3A, %swap3A_18], %select_n3A {strides = array<i32>} : memref<80x128xf32, #tpu.memory_space<vmem>>, vector<80x128xf32>,
    return
  }
}

module attributes {stable_mosaic.version = 14 : i64} {
  func.func @_mm_scale_body(%arg0: i32, %arg1: memref<1024x128xf32, #tpu.memory_space<vmem>>, %arg2: memref<128x128xf32, #tpu.memory_space<vmem>>, %arg3: memref<1024x1xf32, #tpu.memory_space<vmem>>, %arg4: memref<1024x128xf32, #tpu.memory_space<vmem>>) attributes {dimension_semantics = [#tpu.dimension_semantics<arbitrary>], iteration_bounds = array<i64: 10>, scalar_prefetch = 0 : i64, scratch_operands = 0 : i64, tpu.core_type = #tpu.core_type<tc>, window_params = [{transform_indices = @transform_0, window_bounds = array<i64: 1024, 128>}, {pipeline_mode = #tpu.pipeline_mode<synchronous>, transform_indices = @transform_1, window_bounds = array<i64: 128, 128>}, {transform_indices = @transform_2, window_bounds = array<i64: 1024, 1>}, {transform_indices = @transform_3, window_bounds = array<i64: 1024, 128>}]} {
    %get3A = arith.constant 0 : index
    %get3A_0 = arith.constant 0 : index
    %get3A_1 = vector.load %arg3[%get3A, %get3A_0] : memref<1024x1xf32, #tpu.memory_space<vmem>>, vector<1024x1xf32>
    %get3A_2 = arith.constant 0 : index
    %get3A_3 = arith.constant 0 : index
    %get3A_4 = vector.load %arg1[%get3A_2, %get3A_3] : memref<1024x128xf32, #tpu.memory_space<vmem>>, vector<1024x128xf32>
    %get3A_5 = arith.constant 0 : index
    %get3A_6 = arith.constant 0 : index
    %get3A_7 = vector.load %arg2[%get3A_5, %get3A_6] : memref<128x128xf32, #tpu.memory_space<vmem>>, vector<128x128xf32>
    %dot_general3A = arith.constant dense<0.000000e+00> : vector<1024x128xf32>
    %dot_general3A_8 = tpu.matmul %get3A_4, %get3A_7, %dot_general3A {dimension_numbers = #tpu.dot_dimension_numbers<[1], [0], [0], [1], [0, 0, 1, 1], [], []>, transpose_lhs_hint = false} : vector<1024x128xf32>, vector<128x128xf32>, vector<1024x128xf32> -> vector<1024x128xf32>
    %mul3A = vector.broadcast %get3A_1 : vector<1024x1xf32> to vector<1024x128xf32>
    %mul3A_9 = arith.mulf %mul3A, %dot_general3A_8 : vector<1024x128xf32>
    %swap3A = arith.constant 0 : index
    %swap3A_10 = arith.constant 0 : index
    %swap3A_11 = vector.load %arg4[%swap3A, %swap3A_10] : memref<1024x128xf32, #tpu.memory_space<vmem>>, vector<1024x128xf32>
    tpu.vector_store %arg4[%swap3A, %swap3A_10], %mul3A_9 {strides = array<i32>} : memref<1024x128xf32, #tpu.memory_space<vmem>>, vector<1024x128xf32>,
    return
  }
  func.func @transform_0(%arg0: i32) -> (i32, i32) {
    %c0_i32 = arith.constant 0 : i32
    %c0_i32_0 = arith.constant 0 : i32
    return %arg0, %c0_i32 : i32, i32
  }
  func.func @transform_1(%arg0: i32) -> (i32, i32) {
    %c0_i32 = arith.constant 0 : i32
    %c0_i32_0 = arith.constant 0 : i32
    %c0_i32_1 = arith.constant 0 : i32
    return %c0_i32, %c0_i32_0 : i32, i32
  }
  func.func @transform_2(%arg0: i32) -> (i32, i32) {
    %c0_i32 = arith.constant 0 : i32
    %c0_i32_0 = arith.constant 0 : i32
    return %arg0, %c0_i32 : i32, i32
  }
  func.func @transform_3(%arg0: i32) -> (i32, i32) {
    %c0_i32 = arith.constant 0 : i32
    %c0_i32_0 = arith.constant 0 : i32
    return %arg0, %c0_i32 : i32, i32
  }
}

module attributes {stable_mosaic.version = 14 : i64} {
  func.func @_combine_mm_body(%arg0: i32, %arg1: memref<2x1024x128xf32, #tpu.memory_space<vmem>>, %arg2: memref<1024x128xf32, #tpu.memory_space<vmem>>, %arg3: memref<1024x1xf32, #tpu.memory_space<vmem>>, %arg4: memref<1x128xf32, #tpu.memory_space<vmem>>, %arg5: memref<128x128xf32, #tpu.memory_space<vmem>>, %arg6: memref<1024x128xf32, #tpu.memory_space<vmem>>) attributes {dimension_semantics = [#tpu.dimension_semantics<arbitrary>], iteration_bounds = array<i64: 10>, scalar_prefetch = 0 : i64, scratch_operands = 0 : i64, tpu.core_type = #tpu.core_type<tc>, window_params = [{transform_indices = @transform_0, window_bounds = array<i64: 2, 1024, 128>}, {transform_indices = @transform_1, window_bounds = array<i64: 1024, 128>}, {transform_indices = @transform_2, window_bounds = array<i64: 1024, 1>}, {pipeline_mode = #tpu.pipeline_mode<synchronous>, transform_indices = @transform_3, window_bounds = array<i64: 1, 128>}, {pipeline_mode = #tpu.pipeline_mode<synchronous>, transform_indices = @transform_4, window_bounds = array<i64: 128, 128>}, {transform_indices = @transform_5, window_bounds = array<i64: 1024, 128>}]} {
    %get3A = arith.constant 0 : index
    %get3A_0 = arith.constant 0 : index
    %get3A_1 = arith.constant 0 : index
    %get3A_2 = vector.load %arg1[%get3A, %get3A_0, %get3A_1] : memref<2x1024x128xf32, #tpu.memory_space<vmem>>, vector<1x1024x128xf32>
    %get3A_3 = vector.shape_cast %get3A_2 : vector<1x1024x128xf32> to vector<1024x128xf32>
    %get3A_4 = arith.constant 1 : index
    %get3A_5 = arith.constant 0 : index
    %get3A_6 = arith.constant 0 : index
    %get3A_7 = vector.load %arg1[%get3A_4, %get3A_5, %get3A_6] : memref<2x1024x128xf32, #tpu.memory_space<vmem>>, vector<1x1024x128xf32>
    %get3A_8 = vector.shape_cast %get3A_7 : vector<1x1024x128xf32> to vector<1024x128xf32>
    %add3A = arith.addf %get3A_3, %get3A_8 : vector<1024x128xf32>
    %get3A_9 = arith.constant 0 : index
    %get3A_10 = arith.constant 0 : index
    %get3A_11 = vector.load %arg2[%get3A_9, %get3A_10] : memref<1024x128xf32, #tpu.memory_space<vmem>>, vector<1024x128xf32>
    %add3A_12 = arith.addf %add3A, %get3A_11 : vector<1024x128xf32>
    %get3A_13 = arith.constant 0 : index
    %get3A_14 = arith.constant 0 : index
    %get3A_15 = vector.load %arg3[%get3A_13, %get3A_14] : memref<1024x1xf32, #tpu.memory_space<vmem>>, vector<1024x1xf32>
    %mul3A = vector.broadcast %get3A_15 : vector<1024x1xf32> to vector<1024x128xf32>
    %mul3A_16 = arith.mulf %mul3A, %add3A_12 : vector<1024x128xf32>
    %get3A_17 = arith.constant 0 : index
    %get3A_18 = arith.constant 0 : index
    %get3A_19 = vector.load %arg4[%get3A_17, %get3A_18] : memref<1x128xf32, #tpu.memory_space<vmem>>, vector<1x128xf32>
    %add3A_20 = vector.broadcast %get3A_19 : vector<1x128xf32> to vector<1024x128xf32>
    %add3A_21 = arith.addf %mul3A_16, %add3A_20 : vector<1024x128xf32>
    %max3A = arith.constant 0.000000e+00 : f32
    %max3A_22 = vector.broadcast %max3A : f32 to vector<1024x128xf32>
    %max3A_23 = arith.maximumf %add3A_21, %max3A_22 : vector<1024x128xf32>
    %get3A_24 = arith.constant 0 : index
    %get3A_25 = arith.constant 0 : index
    %get3A_26 = vector.load %arg3[%get3A_24, %get3A_25] : memref<1024x1xf32, #tpu.memory_space<vmem>>, vector<1024x1xf32>
    %get3A_27 = arith.constant 0 : index
    %get3A_28 = arith.constant 0 : index
    %get3A_29 = vector.load %arg5[%get3A_27, %get3A_28] : memref<128x128xf32, #tpu.memory_space<vmem>>, vector<128x128xf32>
    %dot_general3A = arith.constant dense<0.000000e+00> : vector<1024x128xf32>
    %dot_general3A_30 = tpu.matmul %max3A_23, %get3A_29, %dot_general3A {dimension_numbers = #tpu.dot_dimension_numbers<[1], [0], [0], [1], [0, 0, 1, 1], [], []>, transpose_lhs_hint = false} : vector<1024x128xf32>, vector<128x128xf32>, vector<1024x128xf32> -> vector<1024x128xf32>
    %mul3A_31 = vector.broadcast %get3A_26 : vector<1024x1xf32> to vector<1024x128xf32>
    %mul3A_32 = arith.mulf %mul3A_31, %dot_general3A_30 : vector<1024x128xf32>
    %swap3A = arith.constant 0 : index
    %swap3A_33 = arith.constant 0 : index
    %swap3A_34 = vector.load %arg6[%swap3A, %swap3A_33] : memref<1024x128xf32, #tpu.memory_space<vmem>>, vector<1024x128xf32>
    tpu.vector_store %arg6[%swap3A, %swap3A_33], %mul3A_32 {strides = array<i32>} : memref<1024x128xf32, #tpu.memory_space<vmem>>, vector<1024x128xf32>,
    return
  }
  func.func @transform_0(%arg0: i32) -> (i32, i32, i32) {
    %c0_i32 = arith.constant 0 : i32
    %c0_i32_0 = arith.constant 0 : i32
    %c0_i32_1 = arith.constant 0 : i32
    return %c0_i32, %arg0, %c0_i32_0 : i32, i32, i32
  }
  func.func @transform_1(%arg0: i32) -> (i32, i32) {
    %c0_i32 = arith.constant 0 : i32
    %c0_i32_0 = arith.constant 0 : i32
    return %arg0, %c0_i32 : i32, i32
  }
  func.func @transform_2(%arg0: i32) -> (i32, i32) {
    %c0_i32 = arith.constant 0 : i32
    %c0_i32_0 = arith.constant 0 : i32
    return %arg0, %c0_i32 : i32, i32
  }
  func.func @transform_3(%arg0: i32) -> (i32, i32) {
    %c0_i32 = arith.constant 0 : i32
    %c0_i32_0 = arith.constant 0 : i32
    %c0_i32_1 = arith.constant 0 : i32
    return %c0_i32, %c0_i32_0 : i32, i32
  }
  func.func @transform_4(%arg0: i32) -> (i32, i32) {
    %c0_i32 = arith.constant 0 : i32
    %c0_i32_0 = arith.constant 0 : i32
    %c0_i32_1 = arith.constant 0 : i32
    return %c0_i32, %c0_i32_0 : i32, i32
  }
  func.func @transform_5(%arg0: i32) -> (i32, i32) {
    %c0_i32 = arith.constant 0 : i32
    %c0_i32_0 = arith.constant 0 : i32
    return %arg0, %c0_i32 : i32, i32
  }
}

module attributes {stable_mosaic.version = 14 : i64} {
  func.func @_final_body(%arg0: i32, %arg1: memref<2x1024x128xf32, #tpu.memory_space<vmem>>, %arg2: memref<1024x128xf32, #tpu.memory_space<vmem>>, %arg3: memref<1024x1xf32, #tpu.memory_space<vmem>>, %arg4: memref<1x128xf32, #tpu.memory_space<vmem>>, %arg5: memref<2x1024x1xf32, #tpu.memory_space<vmem>>, %arg6: memref<128x64xf32, #tpu.memory_space<vmem>>, %arg7: memref<1x64xf32, #tpu.memory_space<vmem>>, %arg8: memref<1x64xf32, #tpu.memory_space<vmem>>) attributes {dimension_semantics = [#tpu.dimension_semantics<arbitrary>], iteration_bounds = array<i64: 10>, scalar_prefetch = 0 : i64, scratch_operands = 0 : i64, tpu.core_type = #tpu.core_type<tc>, window_params = [{transform_indices = @transform_0, window_bounds = array<i64: 2, 1024, 128>}, {transform_indices = @transform_1, window_bounds = array<i64: 1024, 128>}, {transform_indices = @transform_2, window_bounds = array<i64: 1024, 1>}, {pipeline_mode = #tpu.pipeline_mode<synchronous>, transform_indices = @transform_3, window_bounds = array<i64: 1, 128>}, {transform_indices = @transform_4, window_bounds = array<i64: 2, 1024, 1>}, {pipeline_mode = #tpu.pipeline_mode<synchronous>, transform_indices = @transform_5, window_bounds = array<i64: 128, 64>}, {pipeline_mode = #tpu.pipeline_mode<synchronous>, transform_indices = @transform_6, window_bounds = array<i64: 1, 64>}, {pipeline_mode = #tpu.pipeline_mode<synchronous>, transform_indices = @transform_7, window_bounds = array<i64: 1, 64>}]} {
    %get3A = arith.constant 0 : index
    %get3A_0 = arith.constant 0 : index
    %get3A_1 = arith.constant 0 : index
    %get3A_2 = vector.load %arg1[%get3A, %get3A_0, %get3A_1] : memref<2x1024x128xf32, #tpu.memory_space<vmem>>, vector<1x1024x128xf32>
    %get3A_3 = vector.shape_cast %get3A_2 : vector<1x1024x128xf32> to vector<1024x128xf32>
    %get3A_4 = arith.constant 1 : index
    %get3A_5 = arith.constant 0 : index
    %get3A_6 = arith.constant 0 : index
    %get3A_7 = vector.load %arg1[%get3A_4, %get3A_5, %get3A_6] : memref<2x1024x128xf32, #tpu.memory_space<vmem>>, vector<1x1024x128xf32>
    %get3A_8 = vector.shape_cast %get3A_7 : vector<1x1024x128xf32> to vector<1024x128xf32>
    %add3A = arith.addf %get3A_3, %get3A_8 : vector<1024x128xf32>
    %get3A_9 = arith.constant 0 : index
    %get3A_10 = arith.constant 0 : index
    %get3A_11 = vector.load %arg2[%get3A_9, %get3A_10] : memref<1024x128xf32, #tpu.memory_space<vmem>>, vector<1024x128xf32>
    %add3A_12 = arith.addf %add3A, %get3A_11 : vector<1024x128xf32>
    %get3A_13 = arith.constant 0 : index
    %get3A_14 = arith.constant 0 : index
    %get3A_15 = vector.load %arg3[%get3A_13, %get3A_14] : memref<1024x1xf32, #tpu.memory_space<vmem>>, vector<1024x1xf32>
    %mul3A = vector.broadcast %get3A_15 : vector<1024x1xf32> to vector<1024x128xf32>
    %mul3A_16 = arith.mulf %mul3A, %add3A_12 : vector<1024x128xf32>
    %get3A_17 = arith.constant 0 : index
    %get3A_18 = arith.constant 0 : index
    %get3A_19 = vector.load %arg4[%get3A_17, %get3A_18] : memref<1x128xf32, #tpu.memory_space<vmem>>, vector<1x128xf32>
    %add3A_20 = vector.broadcast %get3A_19 : vector<1x128xf32> to vector<1024x128xf32>
    %add3A_21 = arith.addf %mul3A_16, %add3A_20 : vector<1024x128xf32>
    %max3A = arith.constant 0.000000e+00 : f32
    %max3A_22 = vector.broadcast %max3A : f32 to vector<1024x128xf32>
    %max3A_23 = arith.maximumf %add3A_21, %max3A_22 : vector<1024x128xf32>
    %get3A_24 = arith.constant 0 : index
    %get3A_25 = arith.constant 0 : index
    %get3A_26 = vector.load %arg3[%get3A_24, %get3A_25] : memref<1024x1xf32, #tpu.memory_space<vmem>>, vector<1024x1xf32>
    %get3A_27 = arith.constant 0 : index
    %get3A_28 = arith.constant 0 : index
    %get3A_29 = arith.constant 0 : index
    %get3A_30 = vector.load %arg5[%get3A_27, %get3A_28, %get3A_29] : memref<2x1024x1xf32, #tpu.memory_space<vmem>>, vector<1x1024x1xf32>
    %get3A_31 = vector.shape_cast %get3A_30 : vector<1x1024x1xf32> to vector<1024x1xf32>
    %get3A_32 = arith.constant 1 : index
    %get3A_33 = arith.constant 0 : index
    %get3A_34 = arith.constant 0 : index
    %get3A_35 = vector.load %arg5[%get3A_32, %get3A_33, %get3A_34] : memref<2x1024x1xf32, #tpu.memory_space<vmem>>, vector<1x1024x1xf32>
    %get3A_36 = vector.shape_cast %get3A_35 : vector<1x1024x1xf32> to vector<1024x1xf32>
    %add3A_37 = arith.addf %get3A_31, %get3A_36 : vector<1024x1xf32>
    %get3A_38 = arith.constant 0 : index
    %get3A_39 = arith.constant 0 : index
    %get3A_40 = vector.load %arg3[%get3A_38, %get3A_39] : memref<1024x1xf32, #tpu.memory_space<vmem>>, vector<1024x1xf32>
    %add3A_41 = arith.addf %add3A_37, %get3A_40 : vector<1024x1xf32>
    %mul3A_42 = arith.mulf %get3A_26, %add3A_41 : vector<1024x1xf32>
    %mul3A_43 = vector.broadcast %mul3A_42 : vector<1024x1xf32> to vector<1024x128xf32>
    %mul3A_44 = arith.mulf %mul3A_43, %max3A_23 : vector<1024x128xf32>
    %reduce_sum3A = arith.constant dense<0.000000e+00> : vector<128xf32>
    %reduce_sum3A_45 = vector.multi_reduction <add>, %mul3A_44, %reduce_sum3A [0] : vector<1024x128xf32> to vector<128xf32>
    %broadcast_in_dim3A = vector.shape_cast %reduce_sum3A_45 : vector<128xf32> to vector<1x128xf32>
    %get3A_46 = arith.constant 0 : index
    %get3A_47 = arith.constant 0 : index
    %get3A_48 = vector.load %arg6[%get3A_46, %get3A_47] : memref<128x64xf32, #tpu.memory_space<vmem>>, vector<128x64xf32>
    %dot_general3A = arith.constant dense<0.000000e+00> : vector<1x64xf32>
    %dot_general3A_49 = tpu.matmul %broadcast_in_dim3A, %get3A_48, %dot_general3A {dimension_numbers = #tpu.dot_dimension_numbers<[1], [0], [0], [1], [0, 0, 1, 1], [], []>, transpose_lhs_hint = false} : vector<1x128xf32>, vector<128x64xf32>, vector<1x64xf32> -> vector<1x64xf32>
    %mul3A_50 = arith.constant 9.99999974E-5 : f32
    %mul3A_51 = vector.broadcast %mul3A_50 : f32 to vector<1x64xf32>
    %mul3A_52 = arith.mulf %dot_general3A_49, %mul3A_51 : vector<1x64xf32>
    %eq3A = arith.constant 0 : i32
    %eq3A_53 = arith.cmpi eq, %arg0, %eq3A : i32
    %convert_element_type3A = arith.extui %eq3A_53 : i1 to i32
    %cond3A = arith.constant 0 : i32
    %cond3A_54 = arith.cmpi ne, %convert_element_type3A, %cond3A : i32
    scf.if %cond3A_54 {
      %get3A_61 = arith.constant 0 : index
      %get3A_62 = arith.constant 0 : index
      %get3A_63 = vector.load %arg7[%get3A_61, %get3A_62] : memref<1x64xf32, #tpu.memory_space<vmem>>, vector<1x64xf32>
      %swap3A_64 = arith.constant 0 : index
      %swap3A_65 = arith.constant 0 : index
      %swap3A_66 = vector.load %arg8[%swap3A_64, %swap3A_65] : memref<1x64xf32, #tpu.memory_space<vmem>>, vector<1x64xf32>
      tpu.vector_store %arg8[%swap3A_64, %swap3A_65], %get3A_63 {strides = array<i32>} : memref<1x64xf32, #tpu.memory_space<vmem>>, vector<1x64xf32>,
    } else {
    }
    %get3A_55 = arith.constant 0 : index
    %get3A_56 = arith.constant 0 : index
    %get3A_57 = vector.load %arg8[%get3A_55, %get3A_56] : memref<1x64xf32, #tpu.memory_space<vmem>>, vector<1x64xf32>
    %add3A_58 = arith.addf %get3A_57, %mul3A_52 : vector<1x64xf32>
    %swap3A = arith.constant 0 : index
    %swap3A_59 = arith.constant 0 : index
    %swap3A_60 = vector.load %arg8[%swap3A, %swap3A_59] : memref<1x64xf32, #tpu.memory_space<vmem>>, vector<1x64xf32>
    tpu.vector_store %arg8[%swap3A, %swap3A_59], %add3A_58 {strides = array<i32>} : memref<1x64xf32, #tpu.memory_space<vmem>>, vector<1x64xf32>,
    return
  }
  func.func @transform_0(%arg0: i32) -> (i32, i32, i32) {
    %c0_i32 = arith.constant 0 : i32
    %c0_i32_0 = arith.constant 0 : i32
    %c0_i32_1 = arith.constant 0 : i32
    return %c0_i32, %arg0, %c0_i32_0 : i32, i32, i32
  }
  func.func @transform_1(%arg0: i32) -> (i32, i32) {
    %c0_i32 = arith.constant 0 : i32
    %c0_i32_0 = arith.constant 0 : i32
    return %arg0, %c0_i32 : i32, i32
  }
  func.func @transform_2(%arg0: i32) -> (i32, i32) {
    %c0_i32 = arith.constant 0 : i32
    %c0_i32_0 = arith.constant 0 : i32
    return %arg0, %c0_i32 : i32, i32
  }
  func.func @transform_3(%arg0: i32) -> (i32, i32) {
    %c0_i32 = arith.constant 0 : i32
    %c0_i32_0 = arith.constant 0 : i32
    %c0_i32_1 = arith.constant 0 : i32
    return %c0_i32, %c0_i32_0 : i32, i32
  }
  func.func @transform_4(%arg0: i32) -> (i32, i32, i32) {
    %c0_i32 = arith.constant 0 : i32
    %c0_i32_0 = arith.constant 0 : i32
    %c0_i32_1 = arith.constant 0 : i32
    return %c0_i32, %arg0, %c0_i32_0 : i32, i32, i32
  }
  func.func @transform_5(%arg0: i32) -> (i32, i32) {
    %c0_i32 = arith.constant 0 : i32
    %c0_i32_0 = arith.constant 0 : i32
    %c0_i32_1 = arith.constant 0 : i32
    return %c0_i32, %c0_i32_0 : i32, i32
  }
  func.func @transform_6(%arg0: i32) -> (i32, i32) {
    %c0_i32 = arith.constant 0 : i32
    %c0_i32_0 = arith.constant 0 : i32
    %c0_i32_1 = arith.constant 0 : i32
    return %c0_i32, %c0_i32_0 : i32, i32
  }
  func.func @transform_7(%arg0: i32) -> (i32, i32) {
    %c0_i32 = arith.constant 0 : i32
    %c0_i32_0 = arith.constant 0 : i32
    %c0_i32_1 = arith.constant 0 : i32
    return %c0_i32, %c0_i32_0 : i32, i32
  }
}

</mosaic_0001>

<sc_bundles>
// kernel: kernel.10.cloned.1.call-start
scs
__scs_entry_jumppad:
0x0: {  	(pc) =	sbr.rel $0x88, $3  }
0x1: {  	(tag) =	ssettag $0x0;
	lr =	simm.s32 $0x1  }
0x2: {  	[smem:$0x3F99] =	sst lr;
	_ =	strace $0xD0000000  }
0x3: {  	_ = 	snop  }
0x4: {  	_ = 	snop  }
0x5: {  	_ = 	snop  }
0x6: {  	_ = 	snop  }
0x7: {  	_ = 	snop  }
__scs_overlays_trampoline_lowered:
0x8: {  	[smem:$0x3FA8] =	sst s0  }
0x9: {  	[smem:$0x3FA9] =	sst s1  }
0xa: {  	[smem:$0x3FAA] =	sst s2  }
0xb: {  	[smem:$0x3FAB] =	sst s3  }
0xc: {  	[smem:$0x3FAC] =	sst s4  }
0xd: {  	[smem:$0x3FAD] =	sst s5  }
0xe: {  	[smem:$0x3FAE] =	sst s6  }
0xf: {  	[smem:$0x3FAF] =	sst s7  }
0x10: {  	[smem:$0x3FB0] =	sst s8  }
0x11: {  	[smem:$0x3FB1] =	sst s9;
	s0 =	simm.s32 @!p0 $0x0  }
0x12: {  	s1 =	sld [smem:$0x3F97];
	s0 =	simm.s32 @p0 $0x1  }
0x13: {  	[smem:$0x3FB2] =	sst s0;
	s0 =	simm.s32 @!p1 $0x0  }
0x14: {  	s2 =	sld [smem:$0x3F96];
	s0 =	simm.s32 @p1 $0x1  }
0x15: {  	[smem:$0x3FB3] =	sst s0;
	s0 =	simm.s32 @!p2 $0x0  }
0x16: {  	s3 =	sld [smem:$0x3FDB];
	s0 =	simm.s32 @p2 $0x1  }
0x17: {  	s4 =	simm.s32 $0x1BF5;
	[smem:$0x3FB5] =	sst s0  }
0x18: {  	s0 =	sld [smem:$0x3F98];
	_ =	swait.ge [sflag:s4], $0x0  }
0x19: {  	s7 =	sld [smem:$0x3F99]  }
0x1a: {  	s8 =	sadd.s32 $0xFFFFE003, lr  }
0x1b: {  	s9 =	sadd.s32 $0xFFFFFEF7, lr;
	s5 =	simm.s32 $0xFFFFFFFF;
	p2 =	slt.u32 s8, $0xFFFFF086  }
0x1c: {  	p1 =	slt.u32 s9, $0xF7A;
	s5 =	simm.s32 @!p2 $0x0  }
0x1d: {  	s5 =	simm.s32 @p1 $0x1;
	p0 =	seq.s32 s7, s2  }
0x1e: {  	s7 =	smul.u32 @!p0 $0xF7A, s2;
	p2 =	seq.s32 @!p0 s5, $0x0  }
0x1f: {  	s9 =	smul.u32 $0xF7A, s1;
	s8 =	simm.s32 @!p0 $0x1BF5;
	p2 =	por !p2, p0  }
0x20: {  	[sflag:s8] =	ssyncset.s32 @!p0 $0xFFFFF086;
	s6 =	sadd.s32 @!p0 s3, s7;
	s7 =	simm.s32 @!p0 $0x108  }
0x21: {  	s3 =	sadd.s32 s3, s9;
	s6 =	sadd.s32 @!p0 $0x88, s6;
	s7 =	simm.s32 @p2 $0x1082  }
0x22: {  	[simem:s7], [sflag:s8] =	dma.local @!p0 [hbm:s6], $0xF7A  }
0x23: {  	s9 =	sor.u32 $0xD0000000, s2;
	s6 =	simm.s32 $0x108;
	_ =	swait.ge @!p0 [sflag:s8], $0x0  }
0x24: {  	s3 =	sadd.s32 $0x88, s3;
	s6 =	simm.s32 @!p1 $0x1082;
	[sflag:s4] =	ssyncset.s32 $0xFFFFF086  }
0x25: {  	[simem:s6], [sflag:s4] =	dma.local [hbm:s3], $0xF7A  }
0x26: {  	[smem:$0x3F99] =	sst s1;
	(tag) =	ssettag s2;
	_ =	strace s9  }
0x27: {  	s1 =	sld [smem:$0x3FA9]  }
0x28: {  	s2 =	sld [smem:$0x3FAA]  }
0x29: {  	s4 =	sld [smem:$0x3FAC]  }
0x2a: {  	p0 =	seq.s32 s5, $0x0;
	s5 =	sld [smem:$0x3FAD]  }
0x2b: {  	s6 =	sld [smem:$0x3FAE]  }
0x2c: {  	s7 =	sld [smem:$0x3FAF]  }
0x2d: {  	s3 =	simm.s32 $0x108;
	s8 =	sld [smem:$0x3FB0]  }
0x2e: {  	s3 =	simm.s32 @!p0 $0x1082;
	s9 =	sld [smem:$0x3FB1]  }
0x2f: {  	lr =	sadd.s32 s0, s3;
	s0 =	sld [smem:$0x3FA8]  }
0x30: {  	s3 =	sld [smem:$0x3FAB]  }
0x31: {  	[smem:$0x3FB4] =	sst s10  }
0x32: {  	s10 =	sld [smem:$0x3FB2];
	_ =	sdelay $0x3  }
0x33: {  	p0 =	seq.s32 s10, $0x1;
	s10 =	sld [smem:$0x3FB4];
	_ =	sdelay $0x3  }
0x34: {  	[smem:$0x3FB4] =	sst s10  }
0x35: {  	s10 =	sld [smem:$0x3FB3];
	_ =	sdelay $0x3  }
0x36: {  	p1 =	seq.s32 s10, $0x1;
	s10 =	sld [smem:$0x3FB4];
	_ =	sdelay $0x3  }
0x37: {  	[smem:$0x3FB4] =	sst s10  }
0x38: {  	s10 =	sld [smem:$0x3FB5]  }
0x39: {  	_ = 	snop;
	(pc) =	sbr.ind lr, $3  }
0x3a: {  	_ = 	snop  }
0x3b: {  	_ = 	snop  }
0x3c: {  	p2 =	seq.s32 s10, $0x1;
	s10 =	sld [smem:$0x3FB4]  }
0x3d: {  	_ =	shalt  }
0x3e: {  	_ =	shalt  }
0x3f: {  	_ =	shalt  }
0x40: {  	_ =	shalt  }
0x41: {  	_ =	shalt  }
0x42: {  	_ =	shalt  }
0x43: {  	_ =	shalt  }
0x44: {  	_ =	shalt  }
0x45: {  	_ =	shalt  }
0x46: {  	_ =	shalt  }
0x47: {  	_ =	shalt  }
0x48: {  	_ =	shalt  }
0x49: {  	_ =	shalt  }
0x4a: {  	_ =	shalt  }
0x4b: {  	_ =	shalt  }
0x4c: {  	_ =	shalt  }
0x4d: {  	_ =	shalt  }
0x4e: {  	_ =	shalt  }
0x4f: {  	_ =	shalt  }
0x50: {  	_ =	shalt  }
0x51: {  	_ =	shalt  }
0x52: {  	_ =	shalt  }
0x53: {  	_ =	shalt  }
0x54: {  	_ =	shalt  }
0x55: {  	_ =	shalt  }
0x56: {  	_ =	shalt  }
0x57: {  	_ =	shalt  }
0x58: {  	_ =	shalt  }
0x59: {  	_ =	shalt  }
0x5a: {  	_ =	shalt  }
0x5b: {  	_ =	shalt  }
0x5c: {  	_ =	shalt  }
0x5d: {  	_ =	shalt  }
0x5e: {  	_ =	shalt  }
0x5f: {  	_ =	shalt  }
0x60: {  	_ =	shalt  }
0x61: {  	_ =	shalt  }
0x62: {  	_ =	shalt  }
0x63: {  	_ =	shalt  }
0x64: {  	_ =	shalt  }
0x65: {  	_ =	shalt  }
0x66: {  	_ =	shalt  }
0x67: {  	_ =	shalt  }
0x68: {  	_ =	shalt  }
0x69: {  	_ =	shalt  }
0x6a: {  	_ =	shalt  }
0x6b: {  	_ =	shalt  }
0x6c: {  	_ =	shalt  }
0x6d: {  	_ =	shalt  }
0x6e: {  	_ =	shalt  }
0x6f: {  	_ =	shalt  }
0x70: {  	_ =	shalt  }
0x71: {  	_ =	shalt  }
0x72: {  	_ =	shalt  }
0x73: {  	_ =	shalt  }
0x74: {  	_ =	shalt  }
0x75: {  	_ =	shalt  }
0x76: {  	_ =	shalt  }
0x77: {  	_ =	shalt  }
0x78: {  	_ =	shalt  }
0x79: {  	_ =	shalt  }
0x7a: {  	_ =	shalt  }
0x7b: {  	_ =	shalt  }
0x7c: {  	_ =	shalt  }
0x7d: {  	_ =	shalt  }
0x7e: {  	_ =	shalt  }
0x7f: {  	_ =	shalt  }
0x80: {  	_ =	shalt  }
0x81: {  	_ =	shalt  }
0x82: {  	_ =	shalt  }
0x83: {  	_ =	shalt  }
0x84: {  	_ =	shalt  }
0x85: {  	_ =	shalt  }
0x86: {  	_ =	shalt  }
0x87: {  	_ =	shalt  }
.Lfunc_end0:
.L_simem_size_0:
called_computation_lowered:
.L_overlay_start_0:
0x88: {  	s2 =	sld [smem:$0x3FD9]  }
0x89: {  	s3 =	sld [smem:$0x3FFE];
	_ =	sdelay $0x1  }
0x8a: {  	s1 =	srdreg.scid  }
0x8b: {  	s0 =	sand.u32 $0x1, s1  }
0x8c: {  	s16 =	sshll.u32 s0, $0xA;
	s2 =	sadd.s32 s3, s2  }
0x8d: {  	s2 =	sadd.s32 s2, s16  }
0x8e: {  	[smem:$0x3FC0] =	sst s2  }
0x8f: {  	_ = 	snop  }
0x90: {  	(tm) =	ssettm $0x1  }
0x91: {  	s17 =	sld [smem:$0x3FFB];
	_ =	sdelay $0x3  }
0x92: {  	_ =	strace s17  }
0x93: {  	s2 =	sld [smem:$0x3FFC];
	_ =	sdelay $0x3  }
0x94: {  	_ =	strace s2  }
0x95: {  	s2 =	sld [smem:$0x3FFD];
	_ =	sdelay $0x3  }
0x96: {  	_ =	strace s2  }
0x97: {  	_ =	strace $0x8FFFFFFF  }
0x98: {  	s18 =	sld [smem:$0x3FDB];
	_ =	sdelay $0x1  }
0x99: {  	s19 =	simm.s32 $_scs_section_size  }
0x9a: {  	s4 =	simm.s32 $_size__tile_overlayer_lowered;
	s5 =	simm.s32 $_tile_overlayer_lowered  }
0x9b: {  	s22 =	simm.s32 $0x1BFF;
	s21 =	sshll.u32 s5, $0x1;
	s2 =	sadd.s32 s19, s18  }
0x9c: {  	s6 =	simm.s32 $0x0;
	s20 =	sshll.u32 s4, $0x1;
	s4 =	sadd.s32 s21, s2  }
0x9d: {  	[timem:s6], [sflag:s22] =	dma.local [hbm:s4], s20  }
0x9e: {  	_ =	swait.ge [sflag:s22], s20  }
0x9f: {  	s3 =	ssub.s32 $0x0, s20;
	[sflag:s22] =	ssyncset.done $0x0  }
0xa0: {  	[sflag:s22] =	ssyncadd.s32 s3;
	_ =	sdelay $0x1  }
0xa1: {  	s23 =	simm.s32 $0x1B8B  }
0xa2: {  	_ =	swait.ge [sflag:s23], $0x1  }
0xa3: {  	[sflag:s23] =	ssyncset.done $0x0  }
0xa4: {  	s25 =	simm.s32 $0x1B8E;
	s24 =	sld [smem:$0x3FFE];
	[sflag:s23] =	ssyncadd.s32 $0xFFFFFFFF  }
0xa5: {  	s26 =	simm.s32 $execute0_lowered;
	[smem:$0x3FD2] =	sst s25  }
0xa6: {  	s4 =	sshll.u32 s26, $0x1;
	_ =	strace $0x80000046;
	[dreg:$0x1] =	wrdreg $0xFFFFFFFF  }
0xa7: {  	s28 =	simm.s32 $_size_execute0_lowered;
	s2 =	sadd.s32 s2, s4;
	[dreg:$0x0] =	wrdreg $0x0  }
0xa8: {  	s4 =	sshll.u32 s28, $0x1;
	[dreg:$0x2] =	wrdreg s2  }
0xa9: {  	[dreg:$0x3] =	wrdreg s4  }
0xaa: {  	[dreg:$0x4] =	wrdreg $0xC0  }
0xab: {  	_ =	task [dreg:s6], $0x5FFFF  }
0xac: {  	[dreg:$0x1] =	wrdreg $0xFFFFFFFF  }
0xad: {  	[dreg:$0x0] =	wrdreg $0x60  }
0xae: {  	[dreg:$0x2] =	wrdreg s24  }
0xaf: {  	[dreg:$0x3] =	wrdreg $0x7A800  }
0xb0: {  	[dreg:$0x4] =	wrdreg $0x9  }
0xb1: {  	_ =	task.clear_ibuf [dreg:s6], $0x5FFFF;
	_ =	strace $0x90000046  }
0xb2: {  	s29 =	simm.s32 $0x9;
	_ =	strace $0x80000048  }
0xb3: {  	_ =	swait.ge [sflag:s29], $0x1  }
0xb4: {  	[sflag:s29] =	ssyncadd.s32 $0xFFFFFFFF  }
0xb5: {  	_ =	strace $0x90000048  }
0xb6: {  	_ =	sfence  }
0xb7: {  	s30 =	sld [smem:$0x0];
	_ =	sdelay $0x2  }
0xb8: {  	s31 =	sshll.u32 s1, $0xD;
	s1 =	sshrl.u32 s1, $0x2  }
0xb9: {  	s3 =	sand.u32 $0x4000, s31;
	s1 =	sadd.s32 s1, s30  }
0xba: {  	s0 =	sor.u32 s3, s0;
	s1 =	sshll.u32 s1, $0x11  }
0xbb: {  	s0 =	sor.u32 s1, s0  }
0xbc: {  	s0 =	sadd.s32 $0x8F2B, s0  }
0xbd: {  	[sflag:s0] =	ssyncadd.remote.s32 $0x1  }
0xbe: {  	_ =	sfence.sel $0xFFFF  }
0xbf: {  	[dreg:$0x0] =	wrdreg $0xFFFFFFFF;
	(pc) =	sbr.abs _section_cstart, $3  }
0xc0: {  	[dreg:$0x1] =	wrdreg $0xFFFFFFFF  }
0xc1: {  	_ =	task.clear_ibuf [dreg:s6], $0x2FFFF;
	_ =	strace $0x9FFFFFFF  }
0xc2: {  	(tm) =	ssettm $0x7FFFFFFF  }
0xc3: {  	_ =	shalt  }
tec
execute0_lowered:
.L_overlay_start_1:
0x0: {  	(tag) =	ssettag $0x1  }
0x1: {  	s0 =	rddreg [dreg:$0x0]  }
0x2: {  	s1 =	rddreg [dreg:$0x1]  }
0x3: {  	s2 =	srdreg.scid;
	s7 =	stileid.u32;
	s23 =	simm.s32 $0x1  }
0x4: {  	s24 =	simm.s32 $0x2800;
	s25 =	simm.s32 $0x0;
	s3 =	sand.u32 $0x1, s2  }
0x5: {  	s2 =	simm.s32 $0x0;
	s5 =	smul.u32 $0x280, s7;
	s4 =	sshll.u32 s3, $0x4  }
0x6: {  	[smem:$0x7FF] =	sst s2;
	s6 =	smul.u32 $0x2800, s3;
	s3 =	ssub.s32 $0x2, s3  }
0x7: {  	s4 =	sor.u32 s7, s4;
	_ =	strace $0x80000047;
	s7 =	smul.u32 $0xA000, s7  }
0x8: {  	s8 =	sshrl.u32 s3, $0x1;
	s4 =	smul.u32 $0x500, s4;
	s6 =	sadd.s32 s5, s6  }
0x9: {  	s22 =	ssub.s32 s3, s8;
	s5 =	sadd.s32 s5, s1;
	s6 =	sshrl.u32 s6, $0x3  }
0xa: {  	s31 =	sshrl.u32 s7, $0x2;
	s7 =	sadd.s32 $0x5000, s5;
	s8 =	sadd.s32 $0x7800, s5  }
0xb: {  	s9 =	sadd.s32 $0xA000, s5;
	s10 =	sadd.s32 $0xC800, s5;
	s11 =	sadd.s32 $0xF000, s5  }
0xc: {  	s12 =	sadd.s32 $0x11800, s5;
	s13 =	sadd.s32 $0x14000, s5;
	s14 =	sadd.s32 $0x16800, s5  }
0xd: {  	s15 =	sadd.s32 $0x19000, s5;
	s16 =	sadd.s32 $0x1B800, s5;
	s17 =	sadd.s32 $0x1E000, s5  }
0xe: {  	s18 =	sadd.s32 $0x20800, s5;
	s19 =	sadd.s32 $0x23000, s5;
	s20 =	sadd.s32 $0x25800, s5  }
0xf: {  	s22 =	smax.u32 s22, $0x1;
	s4 =	sadd.s32 s4, s0;
	s0 =	sadd.s32 s6, s0  }
0x10: {  	s6 =	sadd.s32 $0x2800, s5;
	s3 =	sadd.s32 $0x2C00, s4;
	s4 =	sadd.s32 s31, s1  }
0x11: {  	v0 =	vimm.f32 $0.0e+00;
	v1 =	vimm.f32 $1.000000000e+00;
	s21 =	sadd.s32 $0xCC00, s0;
	s0 =	simm.s32 $0x7580;
	s1 =	simm.s32 $0x7800  }
.LBB2_1:
0x12: {  	[tilespmem:s2], [sflag:$0x1] =	stream.linear.gather [hbm4b:s3+s2], $0x2800, $0x38;
	[tilespmem:$0xA280] =	vst v63  }
0x13: {  	_ =	swait.ge [sflag:s23], $0x2800  }
0x14: {  	[sflag:s23] =	ssyncset.done $0x0  }
0x15: {  	s26 =	simm.s32 $0x0;
	[sflag:s23] =	ssyncadd.s32 $0xFFFFD800  }
.LBB2_2:
0x16: {  	p0 =	sne.s32 s26, $0x9FC0  }
.Ltmp0:
0x17: {  	_ = 	snop;
	(pc) =	sbr.rel @p0 .LBB2_2-.Ltmp0, $3  }
0x18: {  	_ =	sdelay $0x1  }
0x19: {  	s28 =	sshra.s32 s26, $0x2  }
0x1a: {  	s26 =	sadd.s32 $0x40, s26;
	[tilespmem:s28+$0x2800] =	vst v0  }
0x1b: {  	s28 =	simm.s32 $0x0;
	s26 =	simm.s32 $0x40  }
.LBB2_4:
0x1c: {  	p0 =	sne.s32 s26, $0x9FC0;
	v2 =	vld [tilespmem:s28+$0x0];
	_ =	sdelay $0x3  }
.Ltmp1:
0x1d: {  	(pc) =	sbr.rel @p0 .LBB2_4-.Ltmp1, $2  }
0x1e: {  	_ =	sdelay $0x2  }
0x1f: {  	s28 =	sshra.s32 s26, $0x2;
	s26 =	sadd.s32 $0x40, s26;
	[tilespmem:v2+s24+$0x0] =	vst.idx.add.f32.msk $0xffff, v1  }
0x20: {  	v2 =	vld [tilespmem:s28+$0x0];
	_ =	sdelay $0x7  }
0x21: {  	[tilespmem:v2+s24+$0x0] =	vst.idx.add.f32.msk $0xffff, v1  }
0x22: {  	[spmem:s4] =	stream.linear.scatter [tilespmem:s24], [sflag:$0x1], $0x2800, $0x38;
	[tilespmem:$0xA280] =	vst v63  }
0x23: {  	_ =	swait.ge [sflag:s23], $0x2800  }
0x24: {  	[sflag:s23] =	ssyncset.done $0x0  }
0x25: {  	[sflag:s23] =	ssyncadd.s32 $0xFFFFD800  }
0x26: {  	s26 =	simm.s32 $0x5000;
	[bflag:$0x0] =	sbarrier.arrive $0xFFFF  }
0x27: {  	[tilespmem:s26], [sflag:$0x1] =	stream.linear.gather [spmem:s5], $0x280, $0x38;
	[tilespmem:$0xA280] =	vst v63  }
0x28: {  	_ =	swait.ge [sflag:s23], $0x280  }
0x29: {  	[sflag:s23] =	ssyncset.done $0x0  }
0x2a: {  	s28 =	simm.s32 $0x5280;
	[sflag:s23] =	ssyncadd.s32 $0xFFFFFD80  }
0x2b: {  	[tilespmem:s28], [sflag:$0x1] =	stream.linear.gather [spmem:s6], $0x280, $0x38;
	[tilespmem:$0xA280] =	vst v63  }
0x2c: {  	_ =	swait.ge [sflag:s23], $0x280  }
0x2d: {  	[sflag:s23] =	ssyncset.done $0x0  }
0x2e: {  	s28 =	simm.s32 $0x5500;
	[sflag:s23] =	ssyncadd.s32 $0xFFFFFD80  }
0x2f: {  	[tilespmem:s28], [sflag:$0x1] =	stream.linear.gather [spmem:s7], $0x280, $0x38;
	[tilespmem:$0xA280] =	vst v63  }
0x30: {  	_ =	swait.ge [sflag:s23], $0x280  }
0x31: {  	[sflag:s23] =	ssyncset.done $0x0  }
0x32: {  	s28 =	simm.s32 $0x5780;
	[sflag:s23] =	ssyncadd.s32 $0xFFFFFD80  }
0x33: {  	[tilespmem:s28], [sflag:$0x1] =	stream.linear.gather [spmem:s8], $0x280, $0x38;
	[tilespmem:$0xA280] =	vst v63  }
0x34: {  	_ =	swait.ge [sflag:s23], $0x280  }
0x35: {  	[sflag:s23] =	ssyncset.done $0x0  }
0x36: {  	s28 =	simm.s32 $0x5A00;
	[sflag:s23] =	ssyncadd.s32 $0xFFFFFD80  }
0x37: {  	[tilespmem:s28], [sflag:$0x1] =	stream.linear.gather [spmem:s9], $0x280, $0x38;
	[tilespmem:$0xA280] =	vst v63  }
0x38: {  	_ =	swait.ge [sflag:s23], $0x280  }
0x39: {  	[sflag:s23] =	ssyncset.done $0x0  }
0x3a: {  	s28 =	simm.s32 $0x5C80;
	[sflag:s23] =	ssyncadd.s32 $0xFFFFFD80  }
0x3b: {  	[tilespmem:s28], [sflag:$0x1] =	stream.linear.gather [spmem:s10], $0x280, $0x38;
	[tilespmem:$0xA280] =	vst v63  }
0x3c: {  	_ =	swait.ge [sflag:s23], $0x280  }
0x3d: {  	[sflag:s23] =	ssyncset.done $0x0  }
0x3e: {  	s28 =	simm.s32 $0x5F00;
	[sflag:s23] =	ssyncadd.s32 $0xFFFFFD80  }
0x3f: {  	[tilespmem:s28], [sflag:$0x1] =	stream.linear.gather [spmem:s11], $0x280, $0x38;
	[tilespmem:$0xA280] =	vst v63  }
0x40: {  	_ =	swait.ge [sflag:s23], $0x280  }
0x41: {  	[sflag:s23] =	ssyncset.done $0x0  }
0x42: {  	s28 =	simm.s32 $0x6180;
	[sflag:s23] =	ssyncadd.s32 $0xFFFFFD80  }
0x43: {  	[tilespmem:s28], [sflag:$0x1] =	stream.linear.gather [spmem:s12], $0x280, $0x38;
	[tilespmem:$0xA280] =	vst v63  }
0x44: {  	_ =	swait.ge [sflag:s23], $0x280  }
0x45: {  	[sflag:s23] =	ssyncset.done $0x0  }
0x46: {  	s28 =	simm.s32 $0x6400;
	[sflag:s23] =	ssyncadd.s32 $0xFFFFFD80  }
0x47: {  	[tilespmem:s28], [sflag:$0x1] =	stream.linear.gather [spmem:s13], $0x280, $0x38;
	[tilespmem:$0xA280] =	vst v63  }
0x48: {  	_ =	swait.ge [sflag:s23], $0x280  }
0x49: {  	[sflag:s23] =	ssyncset.done $0x0  }
0x4a: {  	s28 =	simm.s32 $0x6680;
	[sflag:s23] =	ssyncadd.s32 $0xFFFFFD80  }
0x4b: {  	[tilespmem:s28], [sflag:$0x1] =	stream.linear.gather [spmem:s14], $0x280, $0x38;
	[tilespmem:$0xA280] =	vst v63  }
0x4c: {  	_ =	swait.ge [sflag:s23], $0x280  }
0x4d: {  	[sflag:s23] =	ssyncset.done $0x0  }
0x4e: {  	s28 =	simm.s32 $0x6900;
	[sflag:s23] =	ssyncadd.s32 $0xFFFFFD80  }
0x4f: {  	[tilespmem:s28], [sflag:$0x1] =	stream.linear.gather [spmem:s15], $0x280, $0x38;
	[tilespmem:$0xA280] =	vst v63  }
0x50: {  	_ =	swait.ge [sflag:s23], $0x280  }
0x51: {  	[sflag:s23] =	ssyncset.done $0x0  }
0x52: {  	s28 =	simm.s32 $0x6B80;
	[sflag:s23] =	ssyncadd.s32 $0xFFFFFD80  }
0x53: {  	[tilespmem:s28], [sflag:$0x1] =	stream.linear.gather [spmem:s16], $0x280, $0x38;
	[tilespmem:$0xA280] =	vst v63  }
0x54: {  	_ =	swait.ge [sflag:s23], $0x280  }
0x55: {  	[sflag:s23] =	ssyncset.done $0x0  }
0x56: {  	s28 =	simm.s32 $0x6E00;
	[sflag:s23] =	ssyncadd.s32 $0xFFFFFD80  }
0x57: {  	[tilespmem:s28], [sflag:$0x1] =	stream.linear.gather [spmem:s17], $0x280, $0x38;
	[tilespmem:$0xA280] =	vst v63  }
0x58: {  	_ =	swait.ge [sflag:s23], $0x280  }
0x59: {  	[sflag:s23] =	ssyncset.done $0x0  }
0x5a: {  	s28 =	simm.s32 $0x7080;
	[sflag:s23] =	ssyncadd.s32 $0xFFFFFD80  }
0x5b: {  	[tilespmem:s28], [sflag:$0x1] =	stream.linear.gather [spmem:s18], $0x280, $0x38;
	[tilespmem:$0xA280] =	vst v63  }
0x5c: {  	_ =	swait.ge [sflag:s23], $0x280  }
0x5d: {  	[sflag:s23] =	ssyncset.done $0x0  }
0x5e: {  	s28 =	simm.s32 $0x7300;
	[sflag:s23] =	ssyncadd.s32 $0xFFFFFD80  }
0x5f: {  	[tilespmem:s28], [sflag:$0x1] =	stream.linear.gather [spmem:s19], $0x280, $0x38;
	[tilespmem:$0xA280] =	vst v63  }
0x60: {  	_ =	swait.ge [sflag:s23], $0x280  }
0x61: {  	[sflag:s23] =	ssyncset.done $0x0  }
0x62: {  	[sflag:s23] =	ssyncadd.s32 $0xFFFFFD80  }
0x63: {  	[tilespmem:s0], [sflag:$0x1] =	stream.linear.gather [spmem:s20], $0x280, $0x38;
	[tilespmem:$0xA280] =	vst v63  }
0x64: {  	_ =	swait.ge [sflag:s23], $0x280  }
0x65: {  	[sflag:s23] =	ssyncset.done $0x0  }
0x66: {  	[sflag:s23] =	ssyncadd.s32 $0xFFFFFD80  }
0x67: {  	s28 =	simm.s32 $0x0;
	v2 =	vld [tilespmem:s26+$0x0]  }
0x68: {  	s31 =	sand.u32 $0x3F0, s28  }
0x69: {  	v3 =	vld [tilespmem:s31+$0x5280];
	_ =	sdelay $0x1  }
0x6a: {  	v4 =	vld [tilespmem:s31+$0x5500]  }
0x6b: {  	v2 =	vadd.f32 $0.0e+00, v2  }
0x6c: {  	v5 =	vld [tilespmem:s31+$0x5780]  }
0x6d: {  	v2 =	vadd.f32 v3, v2  }
0x6e: {  	v3 =	vld [tilespmem:s31+$0x5A00]  }
0x6f: {  	v2 =	vadd.f32 v4, v2  }
0x70: {  	v56 =	vld [tilespmem:s31+$0x5C80]  }
0x71: {  	v2 =	vadd.f32 v5, v2  }
0x72: {  	v57 =	vld [tilespmem:s31+$0x5F00]  }
0x73: {  	v2 =	vadd.f32 v3, v2  }
0x74: {  	v3 =	vld [tilespmem:s31+$0x6180]  }
0x75: {  	v2 =	vadd.f32 v56, v2  }
0x76: {  	v58 =	vld [tilespmem:s31+$0x6400]  }
0x77: {  	v2 =	vadd.f32 v57, v2  }
0x78: {  	v59 =	vld [tilespmem:s31+$0x6680]  }
0x79: {  	v2 =	vadd.f32 v3, v2  }
0x7a: {  	v3 =	vld [tilespmem:s31+$0x6900]  }
0x7b: {  	v2 =	vadd.f32 v58, v2  }
0x7c: {  	v60 =	vld [tilespmem:s31+$0x6B80]  }
0x7d: {  	v2 =	vadd.f32 v59, v2  }
0x7e: {  	v61 =	vld [tilespmem:s31+$0x6E00]  }
0x7f: {  	v2 =	vadd.f32 v3, v2  }
0x80: {  	v3 =	vld [tilespmem:s31+$0x7080]  }
0x81: {  	v2 =	vadd.f32 v60, v2  }
0x82: {  	v62 =	vld [tilespmem:s31+$0x7300]  }
0x83: {  	v2 =	vadd.f32 v61, v2  }
0x84: {  	v63 =	vld [tilespmem:s31+$0x7580]  }
0x85: {  	v2 =	vadd.f32 v3, v2;
	_ =	sdelay $0x1  }
0x86: {  	v2 =	vadd.f32 v62, v2;
	_ =	sdelay $0x1  }
0x87: {  	v2 =	vadd.f32 v63, v2  }
0x88: {  	s26 =	simm.s32 $0x7800  }
0x89: {  	s28 =	simm.s32 $0x5010;
	[tilespmem:s26+$0x0] =	vst v2  }
0x8a: {  	s29 =	simm.s32 $0x10;
	s30 =	simm.s32 $0x20;
	v2 =	vld [tilespmem:s28+$0x0]  }
.LBB2_6:
0x8b: {  	p0 =	sne.s32 s30, $0x270;
	s31 =	sand.u32 $0x3F0, s29;
	s29 =	smov.u32 s30  }
0x8c: {  	v3 =	vld [tilespmem:s31+$0x5280];
	_ =	sdelay $0x1  }
0x8d: {  	v4 =	vld [tilespmem:s31+$0x5500]  }
0x8e: {  	v2 =	vadd.f32 $0.0e+00, v2  }
0x8f: {  	v5 =	vld [tilespmem:s31+$0x5780]  }
0x90: {  	v2 =	vadd.f32 v3, v2  }
0x91: {  	v3 =	vld [tilespmem:s31+$0x5A00]  }
0x92: {  	v2 =	vadd.f32 v4, v2  }
0x93: {  	v4 =	vld [tilespmem:s31+$0x5C80]  }
0x94: {  	v2 =	vadd.f32 v5, v2  }
0x95: {  	v5 =	vld [tilespmem:s31+$0x5F00]  }
0x96: {  	v2 =	vadd.f32 v3, v2  }
0x97: {  	v3 =	vld [tilespmem:s31+$0x6180]  }
0x98: {  	v2 =	vadd.f32 v4, v2  }
0x99: {  	v4 =	vld [tilespmem:s31+$0x6400]  }
0x9a: {  	v2 =	vadd.f32 v5, v2  }
0x9b: {  	v5 =	vld [tilespmem:s31+$0x6680]  }
0x9c: {  	v2 =	vadd.f32 v3, v2  }
0x9d: {  	v3 =	vld [tilespmem:s31+$0x6900]  }
0x9e: {  	v2 =	vadd.f32 v4, v2  }
0x9f: {  	v4 =	vld [tilespmem:s31+$0x6B80]  }
0xa0: {  	v2 =	vadd.f32 v5, v2  }
0xa1: {  	v5 =	vld [tilespmem:s31+$0x6E00]  }
0xa2: {  	v2 =	vadd.f32 v3, v2  }
0xa3: {  	v3 =	vld [tilespmem:s31+$0x7080]  }
0xa4: {  	v2 =	vadd.f32 v4, v2  }
0xa5: {  	v4 =	vld [tilespmem:s31+$0x7300]  }
0xa6: {  	v2 =	vadd.f32 v5, v2  }
0xa7: {  	v5 =	vld [tilespmem:s31+$0x7580]  }
0xa8: {  	v2 =	vadd.f32 v3, v2;
	_ =	sdelay $0x1  }
0xa9: {  	v2 =	vadd.f32 v4, v2  }
.Ltmp2:
0xaa: {  	(pc) =	sbr.rel @p0 .LBB2_6-.Ltmp2, $4  }
0xab: {  	v2 =	vadd.f32 v5, v2  }
0xac: {  	s26 =	sadd.s32 $0x10, s26  }
0xad: {  	s28 =	sadd.s32 $0x10, s28;
	[tilespmem:s26+$0x0] =	vst v2  }
0xae: {  	s30 =	sadd.s32 $0x10, s30;
	v2 =	vld [tilespmem:s28+$0x0]  }
0xaf: {  	s28 =	sand.u32 $0x3F0, s29  }
0xb0: {  	v3 =	vld [tilespmem:s28+$0x5280];
	_ =	sdelay $0x1  }
0xb1: {  	v4 =	vld [tilespmem:s28+$0x5500]  }
0xb2: {  	v2 =	vadd.f32 $0.0e+00, v2  }
0xb3: {  	v5 =	vld [tilespmem:s28+$0x5780]  }
0xb4: {  	v2 =	vadd.f32 v3, v2  }
0xb5: {  	v3 =	vld [tilespmem:s28+$0x5A00]  }
0xb6: {  	v2 =	vadd.f32 v4, v2  }
0xb7: {  	v56 =	vld [tilespmem:s28+$0x5C80]  }
0xb8: {  	v2 =	vadd.f32 v5, v2  }
0xb9: {  	v57 =	vld [tilespmem:s28+$0x5F00]  }
0xba: {  	v2 =	vadd.f32 v3, v2  }
0xbb: {  	v3 =	vld [tilespmem:s28+$0x6180]  }
0xbc: {  	v2 =	vadd.f32 v56, v2  }
0xbd: {  	v58 =	vld [tilespmem:s28+$0x6400]  }
0xbe: {  	v2 =	vadd.f32 v57, v2  }
0xbf: {  	v59 =	vld [tilespmem:s28+$0x6680]  }
0xc0: {  	v2 =	vadd.f32 v3, v2  }
0xc1: {  	v3 =	vld [tilespmem:s28+$0x6900]  }
0xc2: {  	v2 =	vadd.f32 v58, v2  }
0xc3: {  	v60 =	vld [tilespmem:s28+$0x6B80]  }
0xc4: {  	v2 =	vadd.f32 v59, v2  }
0xc5: {  	v61 =	vld [tilespmem:s28+$0x6E00]  }
0xc6: {  	v2 =	vadd.f32 v3, v2  }
0xc7: {  	v3 =	vld [tilespmem:s28+$0x7080]  }
0xc8: {  	v2 =	vadd.f32 v60, v2  }
0xc9: {  	v62 =	vld [tilespmem:s28+$0x7300]  }
0xca: {  	v2 =	vadd.f32 v61, v2  }
0xcb: {  	v63 =	vld [tilespmem:s28+$0x7580]  }
0xcc: {  	v2 =	vadd.f32 v3, v2;
	_ =	sdelay $0x1  }
0xcd: {  	v2 =	vadd.f32 v62, v2;
	_ =	sdelay $0x1  }
0xce: {  	s25 =	sadd.s32 $0x1, s25;
	v2 =	vadd.f32 v63, v2  }
0xcf: {  	s26 =	sadd.s32 $0x10, s26;
	p0 =	sne.s32 s25, s22  }
.Ltmp3:
0xd0: {  	[tilespmem:s26+$0x0] =	vst v2;
	(pc) =	sbr.rel @p0 .LBB2_1-.Ltmp3, $4  }
0xd1: {  	[hbm4b:s21+s2] =	stream.linear.scatter [tilespmem:s1], [sflag:$0x1], $0x280, $0x38;
	[tilespmem:$0xA280] =	vst v63  }
0xd2: {  	_ =	swait.ge [sflag:s23], $0x280  }
0xd3: {  	[sflag:s23] =	ssyncset.done $0x0  }
0xd4: {  	[sflag:s23] =	ssyncadd.s32 $0xFFFFFD80  }
0xd5: {  	_ =	sfence.sel $0x180000  }
0xd6: {  	[bflag:$0x0] =	sbarrier.arrive $0xFFFF  }
0xd7: {  	_ =	strace $0x90000047  }
0xd8: {  	s0 =	stileid.u32;
	[bflag:$0x2] =	sbarrier.arrive $0xFFFF  }
0xd9: {  	p0 =	sne.s32 s0, $0x0;
	s0 =	rddreg [dreg:$0x2]  }
0xda: {  	s0 =	sadd.s32 @!p0 $0x100000, s0  }
0xdb: {  	[sflag:s0] =	ssyncadd.tile.s32 @!p0 $0x1;
	_ =	shalt  }
.Lfunc_end2:
_tile_overlayer_lowered:
.L_overlay_start_2:
0xdc: {  	(tag) =	ssettag $0x2  }
0xdd: {  	s0 =	rddreg [dreg:$0x0];
	s2 =	stileid.u32  }
0xde: {  	s1 =	rddreg [dreg:$0x1];
	p0 =	sne.s32 s2, $0x0  }
0xdf: {  	s3 =	rddreg [dreg:$0x2];
	[bflag:$0x3] =	sbarrier.arrive $0xFFFF;
	s2 =	simm.s32 @!p0 $0x1C01  }
0xe0: {  	[timem:s3], [sflag:s2] =	dma.local @!p0 [hbm:s0], s1  }
0xe1: {  	s0 =	simm.s32 @!p0 $0x1  }
0xe2: {  	_ =	swait.ge @!p0 [sflag:s0], s1  }
0xe3: {  	s1 =	ssub.s32 @!p0 $0x0, s1;
	[sflag:s0] =	ssyncset.done @!p0 $0x0  }
0xe4: {  	[sflag:s0] =	ssyncadd.s32 @!p0 s1  }
0xe5: {  	[bflag:$0x3] =	sbarrier.arrive $0xFFFF  }
0xe6: {  	_ =	shalt  }

// kernel: kernel.13.cloned.1.call-start
scs
__scs_entry_jumppad:
0x0: {  	(pc) =	sbr.rel $0x88, $3  }
0x1: {  	(tag) =	ssettag $0x0;
	lr =	simm.s32 $0x1  }
0x2: {  	[smem:$0x3F99] =	sst lr;
	_ =	strace $0xD0000000  }
0x3: {  	_ = 	snop  }
0x4: {  	_ = 	snop  }
0x5: {  	_ = 	snop  }
0x6: {  	_ = 	snop  }
0x7: {  	_ = 	snop  }
__scs_overlays_trampoline_lowered:
0x8: {  	[smem:$0x3FA8] =	sst s0  }
0x9: {  	[smem:$0x3FA9] =	sst s1  }
0xa: {  	[smem:$0x3FAA] =	sst s2  }
0xb: {  	[smem:$0x3FAB] =	sst s3  }
0xc: {  	[smem:$0x3FAC] =	sst s4  }
0xd: {  	[smem:$0x3FAD] =	sst s5  }
0xe: {  	[smem:$0x3FAE] =	sst s6  }
0xf: {  	[smem:$0x3FAF] =	sst s7  }
0x10: {  	[smem:$0x3FB0] =	sst s8  }
0x11: {  	[smem:$0x3FB1] =	sst s9;
	s0 =	simm.s32 @!p0 $0x0  }
0x12: {  	s1 =	sld [smem:$0x3F97];
	s0 =	simm.s32 @p0 $0x1  }
0x13: {  	[smem:$0x3FB2] =	sst s0;
	s0 =	simm.s32 @!p1 $0x0  }
0x14: {  	s2 =	sld [smem:$0x3F96];
	s0 =	simm.s32 @p1 $0x1  }
0x15: {  	[smem:$0x3FB3] =	sst s0;
	s0 =	simm.s32 @!p2 $0x0  }
0x16: {  	s3 =	sld [smem:$0x3FDB];
	s0 =	simm.s32 @p2 $0x1  }
0x17: {  	s4 =	simm.s32 $0x1BF5;
	[smem:$0x3FB5] =	sst s0  }
0x18: {  	s0 =	sld [smem:$0x3F98];
	_ =	swait.ge [sflag:s4], $0x0  }
0x19: {  	s7 =	sld [smem:$0x3F99]  }
0x1a: {  	s8 =	sadd.s32 $0xFFFFE003, lr  }
0x1b: {  	s9 =	sadd.s32 $0xFFFFFEF7, lr;
	s5 =	simm.s32 $0xFFFFFFFF;
	p2 =	slt.u32 s8, $0xFFFFF086  }
0x1c: {  	p1 =	slt.u32 s9, $0xF7A;
	s5 =	simm.s32 @!p2 $0x0  }
0x1d: {  	s5 =	simm.s32 @p1 $0x1;
	p0 =	seq.s32 s7, s2  }
0x1e: {  	s7 =	smul.u32 @!p0 $0xF7A, s2;
	p2 =	seq.s32 @!p0 s5, $0x0  }
0x1f: {  	s9 =	smul.u32 $0xF7A, s1;
	s8 =	simm.s32 @!p0 $0x1BF5;
	p2 =	por !p2, p0  }
0x20: {  	[sflag:s8] =	ssyncset.s32 @!p0 $0xFFFFF086;
	s6 =	sadd.s32 @!p0 s3, s7;
	s7 =	simm.s32 @!p0 $0x108  }
0x21: {  	s3 =	sadd.s32 s3, s9;
	s6 =	sadd.s32 @!p0 $0x88, s6;
	s7 =	simm.s32 @p2 $0x1082  }
0x22: {  	[simem:s7], [sflag:s8] =	dma.local @!p0 [hbm:s6], $0xF7A  }
0x23: {  	s9 =	sor.u32 $0xD0000000, s2;
	s6 =	simm.s32 $0x108;
	_ =	swait.ge @!p0 [sflag:s8], $0x0  }
0x24: {  	s3 =	sadd.s32 $0x88, s3;
	s6 =	simm.s32 @!p1 $0x1082;
	[sflag:s4] =	ssyncset.s32 $0xFFFFF086  }
0x25: {  	[simem:s6], [sflag:s4] =	dma.local [hbm:s3], $0xF7A  }
0x26: {  	[smem:$0x3F99] =	sst s1;
	(tag) =	ssettag s2;
	_ =	strace s9  }
0x27: {  	s1 =	sld [smem:$0x3FA9]  }
0x28: {  	s2 =	sld [smem:$0x3FAA]  }
0x29: {  	s4 =	sld [smem:$0x3FAC]  }
0x2a: {  	p0 =	seq.s32 s5, $0x0;
	s5 =	sld [smem:$0x3FAD]  }
0x2b: {  	s6 =	sld [smem:$0x3FAE]  }
0x2c: {  	s7 =	sld [smem:$0x3FAF]  }
0x2d: {  	s3 =	simm.s32 $0x108;
	s8 =	sld [smem:$0x3FB0]  }
0x2e: {  	s3 =	simm.s32 @!p0 $0x1082;
	s9 =	sld [smem:$0x3FB1]  }
0x2f: {  	lr =	sadd.s32 s0, s3;
	s0 =	sld [smem:$0x3FA8]  }
0x30: {  	s3 =	sld [smem:$0x3FAB]  }
0x31: {  	[smem:$0x3FB4] =	sst s10  }
0x32: {  	s10 =	sld [smem:$0x3FB2];
	_ =	sdelay $0x3  }
0x33: {  	p0 =	seq.s32 s10, $0x1;
	s10 =	sld [smem:$0x3FB4];
	_ =	sdelay $0x3  }
0x34: {  	[smem:$0x3FB4] =	sst s10  }
0x35: {  	s10 =	sld [smem:$0x3FB3];
	_ =	sdelay $0x3  }
0x36: {  	p1 =	seq.s32 s10, $0x1;
	s10 =	sld [smem:$0x3FB4];
	_ =	sdelay $0x3  }
0x37: {  	[smem:$0x3FB4] =	sst s10  }
0x38: {  	s10 =	sld [smem:$0x3FB5]  }
0x39: {  	_ = 	snop;
	(pc) =	sbr.ind lr, $3  }
0x3a: {  	_ = 	snop  }
0x3b: {  	_ = 	snop  }
0x3c: {  	p2 =	seq.s32 s10, $0x1;
	s10 =	sld [smem:$0x3FB4]  }
0x3d: {  	_ =	shalt  }
0x3e: {  	_ =	shalt  }
0x3f: {  	_ =	shalt  }
0x40: {  	_ =	shalt  }
0x41: {  	_ =	shalt  }
0x42: {  	_ =	shalt  }
0x43: {  	_ =	shalt  }
0x44: {  	_ =	shalt  }
0x45: {  	_ =	shalt  }
0x46: {  	_ =	shalt  }
0x47: {  	_ =	shalt  }
0x48: {  	_ =	shalt  }
0x49: {  	_ =	shalt  }
0x4a: {  	_ =	shalt  }
0x4b: {  	_ =	shalt  }
0x4c: {  	_ =	shalt  }
0x4d: {  	_ =	shalt  }
0x4e: {  	_ =	shalt  }
0x4f: {  	_ =	shalt  }
0x50: {  	_ =	shalt  }
0x51: {  	_ =	shalt  }
0x52: {  	_ =	shalt  }
0x53: {  	_ =	shalt  }
0x54: {  	_ =	shalt  }
0x55: {  	_ =	shalt  }
0x56: {  	_ =	shalt  }
0x57: {  	_ =	shalt  }
0x58: {  	_ =	shalt  }
0x59: {  	_ =	shalt  }
0x5a: {  	_ =	shalt  }
0x5b: {  	_ =	shalt  }
0x5c: {  	_ =	shalt  }
0x5d: {  	_ =	shalt  }
0x5e: {  	_ =	shalt  }
0x5f: {  	_ =	shalt  }
0x60: {  	_ =	shalt  }
0x61: {  	_ =	shalt  }
0x62: {  	_ =	shalt  }
0x63: {  	_ =	shalt  }
0x64: {  	_ =	shalt  }
0x65: {  	_ =	shalt  }
0x66: {  	_ =	shalt  }
0x67: {  	_ =	shalt  }
0x68: {  	_ =	shalt  }
0x69: {  	_ =	shalt  }
0x6a: {  	_ =	shalt  }
0x6b: {  	_ =	shalt  }
0x6c: {  	_ =	shalt  }
0x6d: {  	_ =	shalt  }
0x6e: {  	_ =	shalt  }
0x6f: {  	_ =	shalt  }
0x70: {  	_ =	shalt  }
0x71: {  	_ =	shalt  }
0x72: {  	_ =	shalt  }
0x73: {  	_ =	shalt  }
0x74: {  	_ =	shalt  }
0x75: {  	_ =	shalt  }
0x76: {  	_ =	shalt  }
0x77: {  	_ =	shalt  }
0x78: {  	_ =	shalt  }
0x79: {  	_ =	shalt  }
0x7a: {  	_ =	shalt  }
0x7b: {  	_ =	shalt  }
0x7c: {  	_ =	shalt  }
0x7d: {  	_ =	shalt  }
0x7e: {  	_ =	shalt  }
0x7f: {  	_ =	shalt  }
0x80: {  	_ =	shalt  }
0x81: {  	_ =	shalt  }
0x82: {  	_ =	shalt  }
0x83: {  	_ =	shalt  }
0x84: {  	_ =	shalt  }
0x85: {  	_ =	shalt  }
0x86: {  	_ =	shalt  }
0x87: {  	_ =	shalt  }
.Lfunc_end0:
.L_simem_size_0:
called_computation.1_lowered:
.L_overlay_start_0:
0x88: {  	s2 =	sld [smem:$0x3FD9]  }
0x89: {  	s3 =	sld [smem:$0x3FFE];
	_ =	sdelay $0x1  }
0x8a: {  	s1 =	srdreg.scid  }
0x8b: {  	s0 =	sand.u32 $0x1, s1  }
0x8c: {  	s17 =	sshll.u32 s0, $0xA;
	s2 =	sadd.s32 s3, s2  }
0x8d: {  	s2 =	sadd.s32 s2, s17  }
0x8e: {  	[smem:$0x3FC0] =	sst s2  }
0x8f: {  	_ = 	snop  }
0x90: {  	(tm) =	ssettm $0x1  }
0x91: {  	s18 =	sld [smem:$0x3FFB];
	_ =	sdelay $0x3  }
0x92: {  	_ =	strace s18  }
0x93: {  	s2 =	sld [smem:$0x3FFC];
	_ =	sdelay $0x3  }
0x94: {  	_ =	strace s2  }
0x95: {  	s2 =	sld [smem:$0x3FFD];
	_ =	sdelay $0x3  }
0x96: {  	_ =	strace s2  }
0x97: {  	_ =	strace $0x8FFFFFFF  }
0x98: {  	s19 =	sld [smem:$0x3FDB];
	_ =	sdelay $0x1  }
0x99: {  	s20 =	simm.s32 $_scs_section_size  }
0x9a: {  	s4 =	simm.s32 $_size__tile_overlayer_lowered;
	s5 =	simm.s32 $_tile_overlayer_lowered  }
0x9b: {  	s6 =	simm.s32 $0x1BFF;
	s21 =	sshll.u32 s5, $0x1;
	s3 =	sadd.s32 s20, s19  }
0x9c: {  	s22 =	simm.s32 $0x0;
	s4 =	sshll.u32 s4, $0x1;
	s5 =	sadd.s32 s21, s3  }
0x9d: {  	[timem:s22], [sflag:s6] =	dma.local [hbm:s5], s4  }
0x9e: {  	_ =	swait.ge [sflag:s6], s4  }
0x9f: {  	s4 =	ssub.s32 $0x0, s4;
	[sflag:s6] =	ssyncset.done $0x0  }
0xa0: {  	[sflag:s6] =	ssyncadd.s32 s4;
	_ =	sdelay $0x1  }
0xa1: {  	s23 =	simm.s32 $0x1B8B  }
0xa2: {  	_ =	swait.ge [sflag:s23], $0x1  }
0xa3: {  	[sflag:s23] =	ssyncset.done $0x0  }
0xa4: {  	[sflag:s23] =	ssyncadd.s32 $0xFFFFFFFF  }
0xa5: {  	s4 =	sld [smem:$0x0]  }
0xa6: {  	s5 =	sand.u32 $0xFFFFFFFE, s1  }
0xa7: {  	p0 =	sne.s32 s1, s5  }
0xa8: {  	s5 =	sshll.u32 @p0 s5, $0xE  }
0xa9: {  	s5 =	sadd.s32 @p0 $0x11B8D, s5;
	s6 =	sshll.u32 @p0 s4, $0x11  }
0xaa: {  	s5 =	sor.u32 @p0 s6, s5  }
0xab: {  	[sflag:s5] =	ssyncadd.remote.s32 @p0 $0x1;
	_ =	sdelay $0x1  }
0xac: {  	s5 =	simm.s32 @p0 $0x1B8D  }
0xad: {  	_ =	swait.eq @p0 [sflag:s5], $0x1  }
0xae: {  	[sflag:s5] =	ssyncadd.s32 @p0 $0xFFFFFFFF  }
0xaf: {  	s6 =	sshll.u32 @!p0 s1, $0xE  }
0xb0: {  	s6 =	sor.u32 @!p0 $0x4000, s6;
	s5 =	simm.s32 @!p0 $0x1B8D  }
0xb1: {  	s4 =	sshll.u32 @!p0 s4, $0x11;
	s6 =	sadd.s32 @!p0 $0x11B8D, s6;
	_ =	swait.eq @!p0 [sflag:s5], $0x1  }
0xb2: {  	s4 =	sor.u32 @!p0 s4, s6;
	[sflag:s5] =	ssyncadd.s32 @!p0 $0xFFFFFFFF  }
0xb3: {  	s25 =	simm.s32 $0x1B8E;
	s24 =	sld [smem:$0x3FFE];
	[sflag:s4] =	ssyncadd.remote.s32 @!p0 $0x1  }
0xb4: {  	s26 =	simm.s32 $execute0_lowered;
	[smem:$0x3FD2] =	sst s25  }
0xb5: {  	s5 =	sshll.u32 s26, $0x1;
	_ =	strace $0x8000004C;
	[dreg:$0x1] =	wrdreg $0xFFFFFFFF  }
0xb6: {  	s28 =	simm.s32 $_size_execute0_lowered;
	s3 =	sadd.s32 s3, s5;
	[dreg:$0x0] =	wrdreg $0x0  }
0xb7: {  	s5 =	sshll.u32 s28, $0x1;
	[dreg:$0x2] =	wrdreg s3  }
0xb8: {  	[dreg:$0x3] =	wrdreg s5  }
0xb9: {  	[dreg:$0x4] =	wrdreg $0xC0  }
0xba: {  	_ =	task [dreg:s22], $0x5FFFF  }
0xbb: {  	[dreg:$0x1] =	wrdreg $0xFFFFFFFF  }
0xbc: {  	[dreg:$0x0] =	wrdreg $0x60  }
0xbd: {  	[dreg:$0x2] =	wrdreg s24  }
0xbe: {  	[dreg:$0x3] =	wrdreg $0xCA800  }
0xbf: {  	[dreg:$0x4] =	wrdreg $0x9  }
0xc0: {  	_ =	task.clear_ibuf [dreg:s22], $0x5FFFF;
	_ =	strace $0x9000004C  }
0xc1: {  	s29 =	simm.s32 $0x9;
	_ =	strace $0x8000004E  }
0xc2: {  	_ =	swait.ge [sflag:s29], $0x1  }
0xc3: {  	[sflag:s29] =	ssyncadd.s32 $0xFFFFFFFF  }
0xc4: {  	_ =	strace $0x9000004E  }
0xc5: {  	_ =	sfence  }
0xc6: {  	s30 =	sld [smem:$0x0];
	_ =	sdelay $0x2  }
0xc7: {  	s31 =	sshll.u32 s1, $0xD;
	s1 =	sshrl.u32 s1, $0x2  }
0xc8: {  	s4 =	sand.u32 $0x4000, s31;
	s1 =	sadd.s32 s1, s30  }
0xc9: {  	s0 =	sor.u32 s4, s0;
	s1 =	sshll.u32 s1, $0x11  }
0xca: {  	s0 =	sor.u32 s1, s0  }
0xcb: {  	s0 =	sadd.s32 $0x8F2B, s0  }
0xcc: {  	[sflag:s0] =	ssyncadd.remote.s32 $0x1  }
0xcd: {  	_ =	sfence.sel $0xFFFF  }
0xce: {  	[dreg:$0x0] =	wrdreg $0xFFFFFFFF;
	(pc) =	sbr.abs _section_cstart, $3  }
0xcf: {  	[dreg:$0x1] =	wrdreg $0xFFFFFFFF  }
0xd0: {  	_ =	task.clear_ibuf [dreg:s22], $0x2FFFF;
	_ =	strace $0x9FFFFFFF  }
0xd1: {  	(tm) =	ssettm $0x7FFFFFFF  }
tec
execute0_lowered:
.L_overlay_start_1:
0x0: {  	(tag) =	ssettag $0x1  }
0x1: {  	s0 =	srdreg.scid;
	s4 =	rddreg [dreg:$0x0]  }
0x2: {  	s3 =	stileid.u32;
	s7 =	rddreg [dreg:$0x1]  }
0x3: {  	s2 =	simm.s32 $0x0;
	s25 =	simm.s32 $0x1;
	s28 =	simm.s32 $0x5000  }
0x4: {  	s29 =	simm.s32 $0x7800;
	s31 =	simm.s32 $0x0;
	s6 =	smul.u32 $0x280, s3  }
0x5: {  	s0 =	sand.u32 $0x1, s0;
	[smem:$0x7FF] =	sst s2;
	s9 =	smul.u32 $0xA000, s3  }
0x6: {  	s8 =	sadd.s32 $0xCC00, s4;
	s1 =	sshll.u32 s0, $0x4;
	s5 =	smul.u32 $0x2800, s0  }
0x7: {  	_ =	strace $0x8000004D;
	[dreg:$0x3] =	wrdreg s8;
	s0 =	ssub.s32 $0x2, s0  }
0x8: {  	s1 =	sor.u32 s3, s1;
	s26 =	sshrl.u32 s0, $0x1;
	s30 =	sshrl.u32 s9, $0x2  }
0x9: {  	s1 =	smul.u32 $0x500, s1;
	s5 =	sadd.s32 s6, s5;
	s0 =	ssub.s32 s0, s26  }
0xa: {  	s6 =	sadd.s32 s6, s7;
	s7 =	sadd.s32 s30, s7;
	s5 =	sshrl.u32 s5, $0x3  }
0xb: {  	s8 =	sadd.s32 $0x2800, s6;
	s9 =	sadd.s32 $0x5000, s6;
	s10 =	sadd.s32 $0x7800, s6  }
0xc: {  	s11 =	sadd.s32 $0xA000, s6;
	s12 =	sadd.s32 $0xC800, s6;
	s13 =	sadd.s32 $0xF000, s6  }
0xd: {  	s14 =	sadd.s32 $0x11800, s6;
	s15 =	sadd.s32 $0x14000, s6;
	s16 =	sadd.s32 $0x16800, s6  }
0xe: {  	s17 =	sadd.s32 $0x19000, s6;
	s18 =	sadd.s32 $0x1B800, s6;
	s19 =	sadd.s32 $0x1E000, s6  }
0xf: {  	s20 =	sadd.s32 $0x20800, s6;
	s21 =	sadd.s32 $0x23000, s6;
	s22 =	sadd.s32 $0x25800, s6  }
0x10: {  	s24 =	smax.u32 s0, $0x1;
	s1 =	sadd.s32 s1, s4;
	s23 =	sadd.s32 s5, s4  }
0x11: {  	v0 =	vimm.f32 $0.0e+00;
	s4 =	sadd.s32 $0xD600, s1;
	s5 =	sadd.s32 $0x2C00, s1;
	s23 =	sadd.s32 $0x91E00, s23  }
.LBB2_1:
0x12: {  	[tilespmem:s2], [sflag:$0x1] =	stream.linear.gather [hbm4b:s4+s2], $0x2800, $0x38;
	[tilespmem:$0xF280] =	vst v63  }
0x13: {  	_ =	swait.ge [sflag:s25], $0x2800  }
0x14: {  	[sflag:s25] =	ssyncset.done $0x0  }
0x15: {  	s0 =	simm.s32 $0x2800;
	[sflag:s25] =	ssyncadd.s32 $0xFFFFD800  }
0x16: {  	[tilespmem:s0], [sflag:$0x1] =	stream.linear.gather [hbm4b:s5+s2], $0x2800, $0x38;
	[tilespmem:$0xF280] =	vst v63  }
0x17: {  	_ =	swait.ge [sflag:s25], $0x2800  }
0x18: {  	[sflag:s25] =	ssyncset.done $0x0  }
0x19: {  	s30 =	rddreg [dreg:$0x3];
	[sflag:s25] =	ssyncadd.s32 $0xFFFFD800  }
0x1a: {  	[tilespmem:s28], [sflag:$0x1] =	stream.linear.gather [hbm4b:s30+s2], $0x2800, $0x38;
	[tilespmem:$0xF280] =	vst v63  }
0x1b: {  	_ =	swait.ge [sflag:s25], $0x2800  }
0x1c: {  	[sflag:s25] =	ssyncset.done $0x0  }
0x1d: {  	s0 =	simm.s32 $0x0;
	[sflag:s25] =	ssyncadd.s32 $0xFFFFD800  }
.LBB2_2:
0x1e: {  	p0 =	sne.s32 s0, $0x9FC0  }
.Ltmp0:
0x1f: {  	_ = 	snop;
	(pc) =	sbr.rel @p0 .LBB2_2-.Ltmp0, $3  }
0x20: {  	_ =	sdelay $0x1  }
0x21: {  	s1 =	sshra.s32 s0, $0x2  }
0x22: {  	s0 =	sadd.s32 $0x40, s0;
	[tilespmem:s1+$0x7800] =	vst v0  }
0x23: {  	s1 =	simm.s32 $0x0;
	s0 =	simm.s32 $0x40  }
.LBB2_4:
0x24: {  	p0 =	sne.s32 s0, $0x9FC0;
	v1 =	vld [tilespmem:s1+$0x2800];
	_ =	sdelay $0x5  }
0x25: {  	v2 =	vld [tilespmem:s1+$0x0];
	_ =	sdelay $0x1  }
0x26: {  	v1 =	vld.idx.msk [tilespmem:v1+s28+$0x0], $0xffff;
	_ =	sdelay $0x1  }
.Ltmp1:
0x27: {  	(pc) =	sbr.rel @p0 .LBB2_4-.Ltmp1, $2  }
0x28: {  	_ =	sdelay $0x2  }
0x29: {  	s1 =	sshra.s32 s0, $0x2;
	s0 =	sadd.s32 $0x40, s0;
	[tilespmem:v2+s29+$0x0] =	vst.idx.add.f32.msk $0xffff, v1  }
0x2a: {  	v1 =	vld [tilespmem:s1+$0x2800];
	_ =	sdelay $0x4  }
0x2b: {  	v2 =	vld [tilespmem:s1+$0x0];
	_ =	sdelay $0x2  }
0x2c: {  	v1 =	vld.idx.msk [tilespmem:v1+s28+$0x0], $0xffff;
	_ =	sdelay $0x4  }
0x2d: {  	[tilespmem:v2+s29+$0x0] =	vst.idx.add.f32.msk $0xffff, v1  }
0x2e: {  	[spmem:s7] =	stream.linear.scatter [tilespmem:s29], [sflag:$0x1], $0x2800, $0x38;
	[tilespmem:$0xF280] =	vst v63  }
0x2f: {  	_ =	swait.ge [sflag:s25], $0x2800  }
0x30: {  	[sflag:s25] =	ssyncset.done $0x0  }
0x31: {  	[sflag:s25] =	ssyncadd.s32 $0xFFFFD800  }
0x32: {  	s0 =	simm.s32 $0xA000;
	[bflag:$0x0] =	sbarrier.arrive $0xFFFF  }
0x33: {  	[tilespmem:s0], [sflag:$0x1] =	stream.linear.gather [spmem:s6], $0x280, $0x38;
	[tilespmem:$0xF280] =	vst v63  }
0x34: {  	_ =	swait.ge [sflag:s25], $0x280  }
0x35: {  	[sflag:s25] =	ssyncset.done $0x0  }
0x36: {  	s26 =	simm.s32 $0xA280;
	[sflag:s25] =	ssyncadd.s32 $0xFFFFFD80  }
0x37: {  	[tilespmem:s26], [sflag:$0x1] =	stream.linear.gather [spmem:s8], $0x280, $0x38;
	[tilespmem:$0xF280] =	vst v63  }
0x38: {  	_ =	swait.ge [sflag:s25], $0x280  }
0x39: {  	[sflag:s25] =	ssyncset.done $0x0  }
0x3a: {  	s3 =	simm.s32 $0xA500;
	[sflag:s25] =	ssyncadd.s32 $0xFFFFFD80  }
0x3b: {  	[tilespmem:s3], [sflag:$0x1] =	stream.linear.gather [spmem:s9], $0x280, $0x38;
	[tilespmem:$0xF280] =	vst v63  }
0x3c: {  	_ =	swait.ge [sflag:s25], $0x280  }
0x3d: {  	[sflag:s25] =	ssyncset.done $0x0  }
0x3e: {  	s26 =	simm.s32 $0xA780;
	[sflag:s25] =	ssyncadd.s32 $0xFFFFFD80  }
0x3f: {  	[tilespmem:s26], [sflag:$0x1] =	stream.linear.gather [spmem:s10], $0x280, $0x38;
	[tilespmem:$0xF280] =	vst v63  }
0x40: {  	_ =	swait.ge [sflag:s25], $0x280  }
0x41: {  	[sflag:s25] =	ssyncset.done $0x0  }
0x42: {  	s3 =	simm.s32 $0xAA00;
	[sflag:s25] =	ssyncadd.s32 $0xFFFFFD80  }
0x43: {  	[tilespmem:s3], [sflag:$0x1] =	stream.linear.gather [spmem:s11], $0x280, $0x38;
	[tilespmem:$0xF280] =	vst v63  }
0x44: {  	_ =	swait.ge [sflag:s25], $0x280  }
0x45: {  	[sflag:s25] =	ssyncset.done $0x0  }
0x46: {  	s26 =	simm.s32 $0xAC80;
	[sflag:s25] =	ssyncadd.s32 $0xFFFFFD80  }
0x47: {  	[tilespmem:s26], [sflag:$0x1] =	stream.linear.gather [spmem:s12], $0x280, $0x38;
	[tilespmem:$0xF280] =	vst v63  }
0x48: {  	_ =	swait.ge [sflag:s25], $0x280  }
0x49: {  	[sflag:s25] =	ssyncset.done $0x0  }
0x4a: {  	s3 =	simm.s32 $0xAF00;
	[sflag:s25] =	ssyncadd.s32 $0xFFFFFD80  }
0x4b: {  	[tilespmem:s3], [sflag:$0x1] =	stream.linear.gather [spmem:s13], $0x280, $0x38;
	[tilespmem:$0xF280] =	vst v63  }
0x4c: {  	_ =	swait.ge [sflag:s25], $0x280  }
0x4d: {  	[sflag:s25] =	ssyncset.done $0x0  }
0x4e: {  	s26 =	simm.s32 $0xB180;
	[sflag:s25] =	ssyncadd.s32 $0xFFFFFD80  }
0x4f: {  	[tilespmem:s26], [sflag:$0x1] =	stream.linear.gather [spmem:s14], $0x280, $0x38;
	[tilespmem:$0xF280] =	vst v63  }
0x50: {  	_ =	swait.ge [sflag:s25], $0x280  }
0x51: {  	[sflag:s25] =	ssyncset.done $0x0  }
0x52: {  	s3 =	simm.s32 $0xB400;
	[sflag:s25] =	ssyncadd.s32 $0xFFFFFD80  }
0x53: {  	[tilespmem:s3], [sflag:$0x1] =	stream.linear.gather [spmem:s15], $0x280, $0x38;
	[tilespmem:$0xF280] =	vst v63  }
0x54: {  	_ =	swait.ge [sflag:s25], $0x280  }
0x55: {  	[sflag:s25] =	ssyncset.done $0x0  }
0x56: {  	s26 =	simm.s32 $0xB680;
	[sflag:s25] =	ssyncadd.s32 $0xFFFFFD80  }
0x57: {  	[tilespmem:s26], [sflag:$0x1] =	stream.linear.gather [spmem:s16], $0x280, $0x38;
	[tilespmem:$0xF280] =	vst v63  }
0x58: {  	_ =	swait.ge [sflag:s25], $0x280  }
0x59: {  	[sflag:s25] =	ssyncset.done $0x0  }
0x5a: {  	s3 =	simm.s32 $0xB900;
	[sflag:s25] =	ssyncadd.s32 $0xFFFFFD80  }
0x5b: {  	[tilespmem:s3], [sflag:$0x1] =	stream.linear.gather [spmem:s17], $0x280, $0x38;
	[tilespmem:$0xF280] =	vst v63  }
0x5c: {  	_ =	swait.ge [sflag:s25], $0x280  }
0x5d: {  	[sflag:s25] =	ssyncset.done $0x0  }
0x5e: {  	s26 =	simm.s32 $0xBB80;
	[sflag:s25] =	ssyncadd.s32 $0xFFFFFD80  }
0x5f: {  	[tilespmem:s26], [sflag:$0x1] =	stream.linear.gather [spmem:s18], $0x280, $0x38;
	[tilespmem:$0xF280] =	vst v63  }
0x60: {  	_ =	swait.ge [sflag:s25], $0x280  }
0x61: {  	[sflag:s25] =	ssyncset.done $0x0  }
0x62: {  	s3 =	simm.s32 $0xBE00;
	[sflag:s25] =	ssyncadd.s32 $0xFFFFFD80  }
0x63: {  	[tilespmem:s3], [sflag:$0x1] =	stream.linear.gather [spmem:s19], $0x280, $0x38;
	[tilespmem:$0xF280] =	vst v63  }
0x64: {  	_ =	swait.ge [sflag:s25], $0x280  }
0x65: {  	[sflag:s25] =	ssyncset.done $0x0  }
0x66: {  	s26 =	simm.s32 $0xC080;
	[sflag:s25] =	ssyncadd.s32 $0xFFFFFD80  }
0x67: {  	[tilespmem:s26], [sflag:$0x1] =	stream.linear.gather [spmem:s20], $0x280, $0x38;
	[tilespmem:$0xF280] =	vst v63  }
0x68: {  	_ =	swait.ge [sflag:s25], $0x280  }
0x69: {  	[sflag:s25] =	ssyncset.done $0x0  }
0x6a: {  	s3 =	simm.s32 $0xC300;
	[sflag:s25] =	ssyncadd.s32 $0xFFFFFD80  }
0x6b: {  	[tilespmem:s3], [sflag:$0x1] =	stream.linear.gather [spmem:s21], $0x280, $0x38;
	[tilespmem:$0xF280] =	vst v63  }
0x6c: {  	_ =	swait.ge [sflag:s25], $0x280  }
0x6d: {  	[sflag:s25] =	ssyncset.done $0x0  }
0x6e: {  	s26 =	simm.s32 $0xC580;
	[sflag:s25] =	ssyncadd.s32 $0xFFFFFD80  }
0x6f: {  	[tilespmem:s26], [sflag:$0x1] =	stream.linear.gather [spmem:s22], $0x280, $0x38;
	[tilespmem:$0xF280] =	vst v63  }
0x70: {  	_ =	swait.ge [sflag:s25], $0x280  }
0x71: {  	[sflag:s25] =	ssyncset.done $0x0  }
0x72: {  	[sflag:s25] =	ssyncadd.s32 $0xFFFFFD80  }
0x73: {  	s3 =	simm.s32 $0x0;
	v1 =	vld [tilespmem:s0+$0x0]  }
0x74: {  	s26 =	sand.u32 $0x3F0, s3  }
0x75: {  	v2 =	vld [tilespmem:s26+$0xA280];
	_ =	sdelay $0x1  }
0x76: {  	v3 =	vld [tilespmem:s26+$0xA500]  }
0x77: {  	v1 =	vadd.f32 $0.0e+00, v1  }
0x78: {  	v4 =	vld [tilespmem:s26+$0xA780]  }
0x79: {  	v1 =	vadd.f32 v2, v1  }
0x7a: {  	v2 =	vld [tilespmem:s26+$0xAA00]  }
0x7b: {  	v1 =	vadd.f32 v3, v1  }
0x7c: {  	v3 =	vld [tilespmem:s26+$0xAC80]  }
0x7d: {  	v1 =	vadd.f32 v4, v1  }
0x7e: {  	v60 =	vld [tilespmem:s26+$0xAF00]  }
0x7f: {  	v1 =	vadd.f32 v2, v1  }
0x80: {  	v2 =	vld [tilespmem:s26+$0xB180]  }
0x81: {  	v1 =	vadd.f32 v3, v1  }
0x82: {  	v3 =	vld [tilespmem:s26+$0xB400]  }
0x83: {  	v1 =	vadd.f32 v60, v1  }
0x84: {  	v61 =	vld [tilespmem:s26+$0xB680]  }
0x85: {  	v1 =	vadd.f32 v2, v1  }
0x86: {  	v2 =	vld [tilespmem:s26+$0xB900]  }
0x87: {  	v1 =	vadd.f32 v3, v1  }
0x88: {  	v3 =	vld [tilespmem:s26+$0xBB80]  }
0x89: {  	v1 =	vadd.f32 v61, v1  }
0x8a: {  	v62 =	vld [tilespmem:s26+$0xBE00]  }
0x8b: {  	v1 =	vadd.f32 v2, v1  }
0x8c: {  	v2 =	vld [tilespmem:s26+$0xC080]  }
0x8d: {  	v1 =	vadd.f32 v3, v1  }
0x8e: {  	v3 =	vld [tilespmem:s26+$0xC300]  }
0x8f: {  	v1 =	vadd.f32 v62, v1  }
0x90: {  	v63 =	vld [tilespmem:s26+$0xC580]  }
0x91: {  	v1 =	vadd.f32 v2, v1;
	_ =	sdelay $0x1  }
0x92: {  	v1 =	vadd.f32 v3, v1;
	_ =	sdelay $0x1  }
0x93: {  	v1 =	vadd.f32 v63, v1  }
0x94: {  	s1 =	simm.s32 $0xC800  }
0x95: {  	s0 =	simm.s32 $0xA010;
	[tilespmem:s1+$0x0] =	vst v1  }
0x96: {  	s30 =	simm.s32 $0x20;
	s26 =	simm.s32 $0x10;
	v1 =	vld [tilespmem:s0+$0x0]  }
.LBB2_6:
0x97: {  	p0 =	sne.s32 s30, $0x270;
	s3 =	sand.u32 $0x3F0, s26;
	s26 =	smov.u32 s30  }
0x98: {  	v2 =	vld [tilespmem:s3+$0xA280];
	_ =	sdelay $0x1  }
0x99: {  	v3 =	vld [tilespmem:s3+$0xA500]  }
0x9a: {  	v1 =	vadd.f32 $0.0e+00, v1  }
0x9b: {  	v4 =	vld [tilespmem:s3+$0xA780]  }
0x9c: {  	v1 =	vadd.f32 v2, v1  }
0x9d: {  	v2 =	vld [tilespmem:s3+$0xAA00]  }
0x9e: {  	v1 =	vadd.f32 v3, v1  }
0x9f: {  	v3 =	vld [tilespmem:s3+$0xAC80]  }
0xa0: {  	v1 =	vadd.f32 v4, v1  }
0xa1: {  	v4 =	vld [tilespmem:s3+$0xAF00]  }
0xa2: {  	v1 =	vadd.f32 v2, v1  }
0xa3: {  	v2 =	vld [tilespmem:s3+$0xB180]  }
0xa4: {  	v1 =	vadd.f32 v3, v1  }
0xa5: {  	v3 =	vld [tilespmem:s3+$0xB400]  }
0xa6: {  	v1 =	vadd.f32 v4, v1  }
0xa7: {  	v4 =	vld [tilespmem:s3+$0xB680]  }
0xa8: {  	v1 =	vadd.f32 v2, v1  }
0xa9: {  	v2 =	vld [tilespmem:s3+$0xB900]  }
0xaa: {  	v1 =	vadd.f32 v3, v1  }
0xab: {  	v3 =	vld [tilespmem:s3+$0xBB80]  }
0xac: {  	v1 =	vadd.f32 v4, v1  }
0xad: {  	v4 =	vld [tilespmem:s3+$0xBE00]  }
0xae: {  	v1 =	vadd.f32 v2, v1  }
0xaf: {  	v2 =	vld [tilespmem:s3+$0xC080]  }
0xb0: {  	v1 =	vadd.f32 v3, v1  }
0xb1: {  	v3 =	vld [tilespmem:s3+$0xC300]  }
0xb2: {  	v1 =	vadd.f32 v4, v1  }
0xb3: {  	v4 =	vld [tilespmem:s3+$0xC580]  }
0xb4: {  	v1 =	vadd.f32 v2, v1;
	_ =	sdelay $0x1  }
0xb5: {  	v1 =	vadd.f32 v3, v1  }
.Ltmp2:
0xb6: {  	(pc) =	sbr.rel @p0 .LBB2_6-.Ltmp2, $4  }
0xb7: {  	v1 =	vadd.f32 v4, v1  }
0xb8: {  	s1 =	sadd.s32 $0x10, s1  }
0xb9: {  	s0 =	sadd.s32 $0x10, s0;
	[tilespmem:s1+$0x0] =	vst v1  }
0xba: {  	s30 =	sadd.s32 $0x10, s30;
	v1 =	vld [tilespmem:s0+$0x0]  }
0xbb: {  	s0 =	sand.u32 $0x3F0, s26  }
0xbc: {  	v2 =	vld [tilespmem:s0+$0xA280];
	_ =	sdelay $0x1  }
0xbd: {  	v3 =	vld [tilespmem:s0+$0xA500]  }
0xbe: {  	v1 =	vadd.f32 $0.0e+00, v1  }
0xbf: {  	v4 =	vld [tilespmem:s0+$0xA780]  }
0xc0: {  	v1 =	vadd.f32 v2, v1  }
0xc1: {  	v2 =	vld [tilespmem:s0+$0xAA00]  }
0xc2: {  	v1 =	vadd.f32 v3, v1  }
0xc3: {  	v3 =	vld [tilespmem:s0+$0xAC80]  }
0xc4: {  	v1 =	vadd.f32 v4, v1  }
0xc5: {  	v60 =	vld [tilespmem:s0+$0xAF00]  }
0xc6: {  	v1 =	vadd.f32 v2, v1  }
0xc7: {  	v2 =	vld [tilespmem:s0+$0xB180]  }
0xc8: {  	v1 =	vadd.f32 v3, v1  }
0xc9: {  	v3 =	vld [tilespmem:s0+$0xB400]  }
0xca: {  	v1 =	vadd.f32 v60, v1  }
0xcb: {  	v61 =	vld [tilespmem:s0+$0xB680]  }
0xcc: {  	v1 =	vadd.f32 v2, v1  }
0xcd: {  	v2 =	vld [tilespmem:s0+$0xB900]  }
0xce: {  	v1 =	vadd.f32 v3, v1  }
0xcf: {  	v3 =	vld [tilespmem:s0+$0xBB80]  }
0xd0: {  	v1 =	vadd.f32 v61, v1  }
0xd1: {  	v62 =	vld [tilespmem:s0+$0xBE00]  }
0xd2: {  	v1 =	vadd.f32 v2, v1  }
0xd3: {  	v2 =	vld [tilespmem:s0+$0xC080]  }
0xd4: {  	v1 =	vadd.f32 v3, v1  }
0xd5: {  	v3 =	vld [tilespmem:s0+$0xC300]  }
0xd6: {  	v1 =	vadd.f32 v62, v1  }
0xd7: {  	v63 =	vld [tilespmem:s0+$0xC580]  }
0xd8: {  	v1 =	vadd.f32 v2, v1;
	_ =	sdelay $0x1  }
0xd9: {  	v1 =	vadd.f32 v3, v1;
	_ =	sdelay $0x1  }
0xda: {  	s31 =	sadd.s32 $0x1, s31;
	v1 =	vadd.f32 v63, v1  }
0xdb: {  	s26 =	sadd.s32 $0x10, s1;
	p0 =	sne.s32 s31, s24  }
.Ltmp3:
0xdc: {  	s30 =	simm.s32 $0xC800;
	[tilespmem:s26+$0x0] =	vst v1;
	(pc) =	sbr.rel @p0 .LBB2_1-.Ltmp3, $4  }
0xdd: {  	[hbm4b:s23+s2] =	stream.linear.scatter [tilespmem:s30], [sflag:$0x1], $0x280, $0x38;
	[tilespmem:$0xF280] =	vst v63  }
0xde: {  	_ =	swait.ge [sflag:s25], $0x280  }
0xdf: {  	[sflag:s25] =	ssyncset.done $0x0  }
0xe0: {  	[sflag:s25] =	ssyncadd.s32 $0xFFFFFD80  }
0xe1: {  	_ =	sfence.sel $0x180000  }
0xe2: {  	[bflag:$0x0] =	sbarrier.arrive $0xFFFF  }
0xe3: {  	_ =	strace $0x9000004D  }
0xe4: {  	s0 =	stileid.u32;
	[bflag:$0x2] =	sbarrier.arrive $0xFFFF  }
0xe5: {  	p0 =	sne.s32 s0, $0x0;
	s0 =	rddreg [dreg:$0x2]  }
0xe6: {  	s0 =	sadd.s32 @!p0 $0x100000, s0  }
0xe7: {  	[sflag:s0] =	ssyncadd.tile.s32 @!p0 $0x1;
	_ =	shalt  }
.Lfunc_end2:
_tile_overlayer_lowered:
.L_overlay_start_2:
0xe8: {  	(tag) =	ssettag $0x2  }
0xe9: {  	s0 =	rddreg [dreg:$0x0];
	s2 =	stileid.u32  }
0xea: {  	s1 =	rddreg [dreg:$0x1];
	p0 =	sne.s32 s2, $0x0  }
0xeb: {  	s3 =	rddreg [dreg:$0x2];
	[bflag:$0x3] =	sbarrier.arrive $0xFFFF;
	s2 =	simm.s32 @!p0 $0x1C01  }
0xec: {  	[timem:s3], [sflag:s2] =	dma.local @!p0 [hbm:s0], s1  }
0xed: {  	s0 =	simm.s32 @!p0 $0x1  }
0xee: {  	_ =	swait.ge @!p0 [sflag:s0], s1  }
0xef: {  	s1 =	ssub.s32 @!p0 $0x0, s1;
	[sflag:s0] =	ssyncset.done @!p0 $0x0  }
0xf0: {  	[sflag:s0] =	ssyncadd.s32 @!p0 s1  }
0xf1: {  	[bflag:$0x3] =	sbarrier.arrive $0xFFFF  }
0xf2: {  	_ =	shalt  }

// kernel: kernel.16.cloned.1.call-start
scs
__scs_entry_jumppad:
0x0: {  	(pc) =	sbr.rel $0x88, $3  }
0x1: {  	(tag) =	ssettag $0x0;
	lr =	simm.s32 $0x1  }
0x2: {  	[smem:$0x3F99] =	sst lr;
	_ =	strace $0xD0000000  }
0x3: {  	_ = 	snop  }
0x4: {  	_ = 	snop  }
0x5: {  	_ = 	snop  }
0x6: {  	_ = 	snop  }
0x7: {  	_ = 	snop  }
__scs_overlays_trampoline_lowered:
0x8: {  	[smem:$0x3FA8] =	sst s0  }
0x9: {  	[smem:$0x3FA9] =	sst s1  }
0xa: {  	[smem:$0x3FAA] =	sst s2  }
0xb: {  	[smem:$0x3FAB] =	sst s3  }
0xc: {  	[smem:$0x3FAC] =	sst s4  }
0xd: {  	[smem:$0x3FAD] =	sst s5  }
0xe: {  	[smem:$0x3FAE] =	sst s6  }
0xf: {  	[smem:$0x3FAF] =	sst s7  }
0x10: {  	[smem:$0x3FB0] =	sst s8  }
0x11: {  	[smem:$0x3FB1] =	sst s9;
	s0 =	simm.s32 @!p0 $0x0  }
0x12: {  	s1 =	sld [smem:$0x3F97];
	s0 =	simm.s32 @p0 $0x1  }
0x13: {  	[smem:$0x3FB2] =	sst s0;
	s0 =	simm.s32 @!p1 $0x0  }
0x14: {  	s2 =	sld [smem:$0x3F96];
	s0 =	simm.s32 @p1 $0x1  }
0x15: {  	[smem:$0x3FB3] =	sst s0;
	s0 =	simm.s32 @!p2 $0x0  }
0x16: {  	s3 =	sld [smem:$0x3FDB];
	s0 =	simm.s32 @p2 $0x1  }
0x17: {  	s4 =	simm.s32 $0x1BF5;
	[smem:$0x3FB5] =	sst s0  }
0x18: {  	s0 =	sld [smem:$0x3F98];
	_ =	swait.ge [sflag:s4], $0x0  }
0x19: {  	s7 =	sld [smem:$0x3F99]  }
0x1a: {  	s8 =	sadd.s32 $0xFFFFE003, lr  }
0x1b: {  	s9 =	sadd.s32 $0xFFFFFEF7, lr;
	s5 =	simm.s32 $0xFFFFFFFF;
	p2 =	slt.u32 s8, $0xFFFFF086  }
0x1c: {  	p1 =	slt.u32 s9, $0xF7A;
	s5 =	simm.s32 @!p2 $0x0  }
0x1d: {  	s5 =	simm.s32 @p1 $0x1;
	p0 =	seq.s32 s7, s2  }
0x1e: {  	s7 =	smul.u32 @!p0 $0xF7A, s2;
	p2 =	seq.s32 @!p0 s5, $0x0  }
0x1f: {  	s9 =	smul.u32 $0xF7A, s1;
	s8 =	simm.s32 @!p0 $0x1BF5;
	p2 =	por !p2, p0  }
0x20: {  	[sflag:s8] =	ssyncset.s32 @!p0 $0xFFFFF086;
	s6 =	sadd.s32 @!p0 s3, s7;
	s7 =	simm.s32 @!p0 $0x108  }
0x21: {  	s3 =	sadd.s32 s3, s9;
	s6 =	sadd.s32 @!p0 $0x88, s6;
	s7 =	simm.s32 @p2 $0x1082  }
0x22: {  	[simem:s7], [sflag:s8] =	dma.local @!p0 [hbm:s6], $0xF7A  }
0x23: {  	s9 =	sor.u32 $0xD0000000, s2;
	s6 =	simm.s32 $0x108;
	_ =	swait.ge @!p0 [sflag:s8], $0x0  }
0x24: {  	s3 =	sadd.s32 $0x88, s3;
	s6 =	simm.s32 @!p1 $0x1082;
	[sflag:s4] =	ssyncset.s32 $0xFFFFF086  }
0x25: {  	[simem:s6], [sflag:s4] =	dma.local [hbm:s3], $0xF7A  }
0x26: {  	[smem:$0x3F99] =	sst s1;
	(tag) =	ssettag s2;
	_ =	strace s9  }
0x27: {  	s1 =	sld [smem:$0x3FA9]  }
0x28: {  	s2 =	sld [smem:$0x3FAA]  }
0x29: {  	s4 =	sld [smem:$0x3FAC]  }
0x2a: {  	p0 =	seq.s32 s5, $0x0;
	s5 =	sld [smem:$0x3FAD]  }
0x2b: {  	s6 =	sld [smem:$0x3FAE]  }
0x2c: {  	s7 =	sld [smem:$0x3FAF]  }
0x2d: {  	s3 =	simm.s32 $0x108;
	s8 =	sld [smem:$0x3FB0]  }
0x2e: {  	s3 =	simm.s32 @!p0 $0x1082;
	s9 =	sld [smem:$0x3FB1]  }
0x2f: {  	lr =	sadd.s32 s0, s3;
	s0 =	sld [smem:$0x3FA8]  }
0x30: {  	s3 =	sld [smem:$0x3FAB]  }
0x31: {  	[smem:$0x3FB4] =	sst s10  }
0x32: {  	s10 =	sld [smem:$0x3FB2];
	_ =	sdelay $0x3  }
0x33: {  	p0 =	seq.s32 s10, $0x1;
	s10 =	sld [smem:$0x3FB4];
	_ =	sdelay $0x3  }
0x34: {  	[smem:$0x3FB4] =	sst s10  }
0x35: {  	s10 =	sld [smem:$0x3FB3];
	_ =	sdelay $0x3  }
0x36: {  	p1 =	seq.s32 s10, $0x1;
	s10 =	sld [smem:$0x3FB4];
	_ =	sdelay $0x3  }
0x37: {  	[smem:$0x3FB4] =	sst s10  }
0x38: {  	s10 =	sld [smem:$0x3FB5]  }
0x39: {  	_ = 	snop;
	(pc) =	sbr.ind lr, $3  }
0x3a: {  	_ = 	snop  }
0x3b: {  	_ = 	snop  }
0x3c: {  	p2 =	seq.s32 s10, $0x1;
	s10 =	sld [smem:$0x3FB4]  }
0x3d: {  	_ =	shalt  }
0x3e: {  	_ =	shalt  }
0x3f: {  	_ =	shalt  }
0x40: {  	_ =	shalt  }
0x41: {  	_ =	shalt  }
0x42: {  	_ =	shalt  }
0x43: {  	_ =	shalt  }
0x44: {  	_ =	shalt  }
0x45: {  	_ =	shalt  }
0x46: {  	_ =	shalt  }
0x47: {  	_ =	shalt  }
0x48: {  	_ =	shalt  }
0x49: {  	_ =	shalt  }
0x4a: {  	_ =	shalt  }
0x4b: {  	_ =	shalt  }
0x4c: {  	_ =	shalt  }
0x4d: {  	_ =	shalt  }
0x4e: {  	_ =	shalt  }
0x4f: {  	_ =	shalt  }
0x50: {  	_ =	shalt  }
0x51: {  	_ =	shalt  }
0x52: {  	_ =	shalt  }
0x53: {  	_ =	shalt  }
0x54: {  	_ =	shalt  }
0x55: {  	_ =	shalt  }
0x56: {  	_ =	shalt  }
0x57: {  	_ =	shalt  }
0x58: {  	_ =	shalt  }
0x59: {  	_ =	shalt  }
0x5a: {  	_ =	shalt  }
0x5b: {  	_ =	shalt  }
0x5c: {  	_ =	shalt  }
0x5d: {  	_ =	shalt  }
0x5e: {  	_ =	shalt  }
0x5f: {  	_ =	shalt  }
0x60: {  	_ =	shalt  }
0x61: {  	_ =	shalt  }
0x62: {  	_ =	shalt  }
0x63: {  	_ =	shalt  }
0x64: {  	_ =	shalt  }
0x65: {  	_ =	shalt  }
0x66: {  	_ =	shalt  }
0x67: {  	_ =	shalt  }
0x68: {  	_ =	shalt  }
0x69: {  	_ =	shalt  }
0x6a: {  	_ =	shalt  }
0x6b: {  	_ =	shalt  }
0x6c: {  	_ =	shalt  }
0x6d: {  	_ =	shalt  }
0x6e: {  	_ =	shalt  }
0x6f: {  	_ =	shalt  }
0x70: {  	_ =	shalt  }
0x71: {  	_ =	shalt  }
0x72: {  	_ =	shalt  }
0x73: {  	_ =	shalt  }
0x74: {  	_ =	shalt  }
0x75: {  	_ =	shalt  }
0x76: {  	_ =	shalt  }
0x77: {  	_ =	shalt  }
0x78: {  	_ =	shalt  }
0x79: {  	_ =	shalt  }
0x7a: {  	_ =	shalt  }
0x7b: {  	_ =	shalt  }
0x7c: {  	_ =	shalt  }
0x7d: {  	_ =	shalt  }
0x7e: {  	_ =	shalt  }
0x7f: {  	_ =	shalt  }
0x80: {  	_ =	shalt  }
0x81: {  	_ =	shalt  }
0x82: {  	_ =	shalt  }
0x83: {  	_ =	shalt  }
0x84: {  	_ =	shalt  }
0x85: {  	_ =	shalt  }
0x86: {  	_ =	shalt  }
0x87: {  	_ =	shalt  }
.Lfunc_end0:
.L_simem_size_0:
called_computation.2_lowered:
.L_overlay_start_0:
0x88: {  	s2 =	sld [smem:$0x3FD9]  }
0x89: {  	s3 =	sld [smem:$0x3FFE];
	_ =	sdelay $0x1  }
0x8a: {  	s1 =	srdreg.scid  }
0x8b: {  	s0 =	sand.u32 $0x1, s1  }
0x8c: {  	s16 =	sshll.u32 s0, $0xA;
	s2 =	sadd.s32 s3, s2  }
0x8d: {  	s2 =	sadd.s32 s2, s16  }
0x8e: {  	[smem:$0x3FC0] =	sst s2  }
0x8f: {  	_ = 	snop  }
0x90: {  	(tm) =	ssettm $0x1  }
0x91: {  	s17 =	sld [smem:$0x3FFB];
	_ =	sdelay $0x3  }
0x92: {  	_ =	strace s17  }
0x93: {  	s2 =	sld [smem:$0x3FFC];
	_ =	sdelay $0x3  }
0x94: {  	_ =	strace s2  }
0x95: {  	s2 =	sld [smem:$0x3FFD];
	_ =	sdelay $0x3  }
0x96: {  	_ =	strace s2  }
0x97: {  	_ =	strace $0x8FFFFFFF  }
0x98: {  	s18 =	sld [smem:$0x3FDB];
	_ =	sdelay $0x1  }
0x99: {  	s19 =	simm.s32 $_scs_section_size  }
0x9a: {  	s4 =	simm.s32 $_size__tile_overlayer_lowered;
	s5 =	simm.s32 $_tile_overlayer_lowered  }
0x9b: {  	s22 =	simm.s32 $0x1BFF;
	s21 =	sshll.u32 s5, $0x1;
	s2 =	sadd.s32 s19, s18  }
0x9c: {  	s6 =	simm.s32 $0x0;
	s20 =	sshll.u32 s4, $0x1;
	s4 =	sadd.s32 s21, s2  }
0x9d: {  	[timem:s6], [sflag:s22] =	dma.local [hbm:s4], s20  }
0x9e: {  	_ =	swait.ge [sflag:s22], s20  }
0x9f: {  	s3 =	ssub.s32 $0x0, s20;
	[sflag:s22] =	ssyncset.done $0x0  }
0xa0: {  	[sflag:s22] =	ssyncadd.s32 s3;
	_ =	sdelay $0x1  }
0xa1: {  	s23 =	simm.s32 $0x1B8B  }
0xa2: {  	_ =	swait.ge [sflag:s23], $0x1  }
0xa3: {  	[sflag:s23] =	ssyncset.done $0x0  }
0xa4: {  	s25 =	simm.s32 $0x1B8E;
	s24 =	sld [smem:$0x3FFE];
	[sflag:s23] =	ssyncadd.s32 $0xFFFFFFFF  }
0xa5: {  	s26 =	simm.s32 $execute0_lowered;
	[smem:$0x3FD2] =	sst s25  }
0xa6: {  	s4 =	sshll.u32 s26, $0x1;
	_ =	strace $0x80000049;
	[dreg:$0x1] =	wrdreg $0xFFFFFFFF  }
0xa7: {  	s28 =	simm.s32 $_size_execute0_lowered;
	s2 =	sadd.s32 s2, s4;
	[dreg:$0x0] =	wrdreg $0x0  }
0xa8: {  	s4 =	sshll.u32 s28, $0x1;
	[dreg:$0x2] =	wrdreg s2  }
0xa9: {  	[dreg:$0x3] =	wrdreg s4  }
0xaa: {  	[dreg:$0x4] =	wrdreg $0xC0  }
0xab: {  	_ =	task [dreg:s6], $0x5FFFF  }
0xac: {  	[dreg:$0x1] =	wrdreg $0xFFFFFFFF  }
0xad: {  	[dreg:$0x0] =	wrdreg $0x60  }
0xae: {  	[dreg:$0x2] =	wrdreg s24  }
0xaf: {  	[dreg:$0x3] =	wrdreg $0xAA000  }
0xb0: {  	[dreg:$0x4] =	wrdreg $0xA  }
0xb1: {  	_ =	task.clear_ibuf [dreg:s6], $0x5FFFF;
	_ =	strace $0x90000049  }
0xb2: {  	s29 =	simm.s32 $0xA;
	_ =	strace $0x8000004B  }
0xb3: {  	_ =	swait.ge [sflag:s29], $0x1  }
0xb4: {  	[sflag:s29] =	ssyncadd.s32 $0xFFFFFFFF  }
0xb5: {  	_ =	strace $0x9000004B  }
0xb6: {  	_ =	sfence  }
0xb7: {  	s30 =	sld [smem:$0x0];
	_ =	sdelay $0x2  }
0xb8: {  	s31 =	sshll.u32 s1, $0xD;
	s1 =	sshrl.u32 s1, $0x2  }
0xb9: {  	s3 =	sand.u32 $0x4000, s31;
	s1 =	sadd.s32 s1, s30  }
0xba: {  	s0 =	sor.u32 s3, s0;
	s1 =	sshll.u32 s1, $0x11  }
0xbb: {  	s0 =	sor.u32 s1, s0  }
0xbc: {  	s0 =	sadd.s32 $0x8F2B, s0  }
0xbd: {  	[sflag:s0] =	ssyncadd.remote.s32 $0x1  }
0xbe: {  	_ =	sfence.sel $0xFFFF  }
0xbf: {  	[dreg:$0x0] =	wrdreg $0xFFFFFFFF;
	(pc) =	sbr.abs _section_cstart, $3  }
0xc0: {  	[dreg:$0x1] =	wrdreg $0xFFFFFFFF  }
0xc1: {  	_ =	task.clear_ibuf [dreg:s6], $0x2FFFF;
	_ =	strace $0x9FFFFFFF  }
0xc2: {  	(tm) =	ssettm $0x7FFFFFFF  }
0xc3: {  	_ =	shalt  }
tec
execute0_lowered:
.L_overlay_start_1:
0x0: {  	(tag) =	ssettag $0x1  }
0x1: {  	s0 =	srdreg.scid;
	s1 =	rddreg [dreg:$0x0]  }
0x2: {  	s11 =	stileid.u32;
	s2 =	rddreg [dreg:$0x1];
	s15 =	simm.s32 $0x4  }
0x3: {  	s16 =	simm.s32 $0x2800;
	s17 =	simm.s32 $0x40;
	s18 =	simm.s32 $0x2A00  }
0x4: {  	s28 =	simm.s32 $0x3;
	s29 =	simm.s32 $0x0;
	s6 =	smul.u32 $0x14000, s11  }
0x5: {  	s0 =	sand.u32 $0x1, s0;
	s13 =	sadd.s32 $0x2C00, s1;
	s19 =	smul.u32 $0x50000, s11  }
0x6: {  	s8 =	sadd.s32 $0x3F600, s1;
	s10 =	smul.u32 $0x2800, s11;
	s23 =	sshll.u32 s11, $0x6  }
0x7: {  	s3 =	sshll.u32 s0, $0x4;
	s5 =	smul.u32 $0x140000, s0;
	s20 =	ssub.s32 $0x2, s0  }
0x8: {  	s0 =	smul.u32 $0x28000, s0;
	s4 =	sor.u32 s11, s3;
	s3 =	simm.s32 $0x0  }
0x9: {  	s9 =	sshrl.u32 s20, $0x1;
	s22 =	sshrl.u32 s19, $0x2;
	s19 =	simm.s32 $0x2880  }
0xa: {  	s4 =	smul.u32 $0x2800, s4;
	[smem:$0x7FF] =	sst s3;
	s5 =	sadd.s32 s6, s5  }
0xb: {  	s21 =	ssub.s32 s20, s9;
	s14 =	sadd.s32 s22, s2;
	s0 =	sadd.s32 s10, s0  }
0xc: {  	s6 =	sor.u32 $0x1C04, s23;
	s20 =	simm.s32 $0x4A00;
	s22 =	simm.s32 $0x6A00  }
0xd: {  	s23 =	simm.s32 $0x2980;
	_ =	strace $0x8000004A;
	[dreg:$0x3] =	wrdreg s8  }
0xe: {  	s5 =	sshrl.u32 s5, $0x3;
	s24 =	sor.u32 $0x80, s0;
	s25 =	smax.u32 s21, $0x1  }
0xf: {  	s30 =	sor.u32 $0x40, s0;
	s31 =	sor.u32 $0xC0, s0;
	s0 =	sshrl.u32 s0, $0x3  }
0x10: {  	s14 =	sshrl.u32 s14, $0x3;
	s21 =	simm.s32 $0x2900;
	s4 =	sshrl.u32 s4, $0x3  }
0x11: {  	[dreg:$0x6] =	wrdreg s25;
	s26 =	sshrl.u32 s24, $0x3;
	s24 =	simm.s32 $0x8A00  }
0x12: {  	s25 =	simm.s32 $0x1;
	s7 =	sadd.s32 s4, s1;
	s4 =	sadd.s32 $0x17600, s1  }
0x13: {  	s1 =	sadd.s32 s5, s1;
	s10 =	sadd.s32 s26, s13;
	s5 =	sshrl.u32 s31, $0x3  }
0x14: {  	s26 =	simm.s32 $0x2;
	s7 =	sadd.s32 $0xD600, s7;
	s1 =	sadd.s32 $0x41E00, s1  }
0x15: {  	s12 =	sadd.s32 s5, s13;
	[dreg:$0x5] =	wrdreg s1;
	s1 =	sshrl.u32 s30, $0x3  }
0x16: {  	[dreg:$0x4] =	wrdreg s7;
	s11 =	sadd.s32 s1, s13;
	s13 =	sadd.s32 s0, s13  }
.LBB2_1:
0x17: {  	s0 =	rddreg [dreg:$0x3]  }
0x18: {  	[spmem:s14], [sflag:s6] =	dma.local [hbm:s0], $0x2800  }
0x19: {  	_ =	swait.ge [sflag:s15], $0x2800  }
0x1a: {  	[sflag:s15] =	ssyncset.done $0x0  }
0x1b: {  	s1 =	rddreg [dreg:$0x4];
	[sflag:s15] =	ssyncadd.s32 $0xFFFFD800  }
0x1c: {  	[tilespmem:s3], [sflag:$0x4] =	stream.linear.gather [hbm4b:s1+s3], $0x2800, $0x38;
	[tilespmem:$0x1EA00] =	vst v63  }
0x1d: {  	_ =	swait.ge [sflag:s15], $0x2800  }
0x1e: {  	[sflag:s15] =	ssyncset.done $0x0  }
0x1f: {  	p0 =	por $0x1, $0x1;
	[sflag:s15] =	ssyncadd.s32 $0xFFFFD800  }
0x20: {  	s0 =	simm.s32 @!p0 $0x3;
	[bflag:$0x0] =	sbarrier.arrive $0xFFFF  }
0x21: {  	_ =	swait.ge @!p0 [sflag:s0], $0x2000  }
0x22: {  	[sflag:s0] =	ssyncset.done @!p0 $0x0  }
0x23: {  	[sflag:s0] =	ssyncadd.s32 @!p0 $0xFFFFE000  }
0x24: {  	_ =	swait.ge @!p0 [sflag:s0], $0x2000  }
0x25: {  	[sflag:s0] =	ssyncset.done @!p0 $0x0  }
0x26: {  	[sflag:s0] =	ssyncadd.s32 @!p0 $0xFFFFE000  }
0x27: {  	_ =	swait.ge @!p0 [sflag:s0], $0x2000  }
0x28: {  	[sflag:s0] =	ssyncset.done @!p0 $0x0  }
0x29: {  	[sflag:s0] =	ssyncadd.s32 @!p0 $0xFFFFE000  }
0x2a: {  	_ =	swait.ge @!p0 [sflag:s0], $0x2000  }
0x2b: {  	[sflag:s0] =	ssyncset.done @!p0 $0x0  }
0x2c: {  	[sflag:s0] =	ssyncadd.s32 @!p0 $0xFFFFE000  }
0x2d: {  	[tilespmem:s16], [sflag:$0x1] =	stream.linear.gather [hbm4b:s13+s3], $0x40, $0x38;
	[tilespmem:$0x1EA00] =	vst v63  }
0x2e: {  	s5 =	simm.s32 $0x0  }
0x2f: {  	[tilespmem:s18], [sflag:$0x2] =	stream.indirect.gather [hbm4b:s4+s17], $0x80, s5, s17, $0xb8;
	[tilespmem:$0x1EA00] =	vst v63  }
0x30: {  	_ = 	snop  }
0x31: {  	[tilespmem:s19], [sflag:$0x1] =	stream.linear.gather [hbm4b:s11+s3], $0x40, $0x38;
	[tilespmem:$0x1EA00] =	vst v63  }
0x32: {  	s7 =	simm.s32 $0x40  }
0x33: {  	[tilespmem:s20], [sflag:$0x2] =	stream.indirect.gather [hbm4b:s4+s17], $0x80, s7, s17, $0xb8;
	[tilespmem:$0x1EA00] =	vst v63  }
0x34: {  	_ = 	snop  }
0x35: {  	[tilespmem:s21], [sflag:$0x1] =	stream.linear.gather [hbm4b:s10+s3], $0x40, $0x38;
	[tilespmem:$0x1EA00] =	vst v63  }
0x36: {  	s8 =	simm.s32 $0x80  }
0x37: {  	[tilespmem:s22], [sflag:$0x2] =	stream.indirect.gather [hbm4b:s4+s17], $0x80, s8, s17, $0xb8;
	[tilespmem:$0x1EA00] =	vst v63  }
0x38: {  	_ = 	snop  }
0x39: {  	[tilespmem:s23], [sflag:$0x1] =	stream.linear.gather [hbm4b:s12+s3], $0x40, $0x38;
	[tilespmem:$0x1EA00] =	vst v63  }
0x3a: {  	s9 =	simm.s32 $0xC0  }
0x3b: {  	[tilespmem:s24], [sflag:$0x2] =	stream.indirect.gather [hbm4b:s4+s17], $0x80, s9, s17, $0xb8;
	[tilespmem:$0x1EA00] =	vst v63  }
0x3c: {  	_ =	swait.ge [sflag:s25], $0x40  }
0x3d: {  	[sflag:s25] =	ssyncset.done $0x0  }
0x3e: {  	[sflag:s25] =	ssyncadd.s32 $0xFFFFFFC0  }
0x3f: {  	_ =	swait.ge [sflag:s26], $0x2000  }
0x40: {  	[sflag:s26] =	ssyncset.done $0x0  }
0x41: {  	[sflag:s26] =	ssyncadd.s32 $0xFFFFE000  }
0x42: {  	[spmem:s2] =	stream.indirect.scatter.add.f32 [tilespmem:s18], [sflag:$0x3], $0x80, s16, s17, $0xb8;
	[tilespmem:$0x1EA00] =	vst v63  }
0x43: {  	_ =	swait.ge [sflag:s25], $0x40  }
0x44: {  	[sflag:s25] =	ssyncset.done $0x0  }
0x45: {  	[sflag:s25] =	ssyncadd.s32 $0xFFFFFFC0  }
0x46: {  	_ =	swait.ge [sflag:s26], $0x2000  }
0x47: {  	[sflag:s26] =	ssyncset.done $0x0  }
0x48: {  	[sflag:s26] =	ssyncadd.s32 $0xFFFFE000  }
0x49: {  	[spmem:s2] =	stream.indirect.scatter.add.f32 [tilespmem:s20], [sflag:$0x3], $0x80, s19, s17, $0xb8;
	[tilespmem:$0x1EA00] =	vst v63  }
0x4a: {  	_ =	swait.ge [sflag:s25], $0x40  }
0x4b: {  	[sflag:s25] =	ssyncset.done $0x0  }
0x4c: {  	[sflag:s25] =	ssyncadd.s32 $0xFFFFFFC0  }
0x4d: {  	_ =	swait.ge [sflag:s26], $0x2000  }
0x4e: {  	[sflag:s26] =	ssyncset.done $0x0  }
0x4f: {  	[sflag:s26] =	ssyncadd.s32 $0xFFFFE000  }
0x50: {  	[spmem:s2] =	stream.indirect.scatter.add.f32 [tilespmem:s22], [sflag:$0x3], $0x80, s21, s17, $0xb8;
	[tilespmem:$0x1EA00] =	vst v63  }
0x51: {  	_ =	swait.ge [sflag:s25], $0x40  }
0x52: {  	s31 =	simm.s32 $0x400;
	[sflag:s25] =	ssyncset.done $0x0  }
0x53: {  	s30 =	sadd.s32 $0x20, s12;
	p1 =	por $0x0, $0x0;
	[sflag:s25] =	ssyncadd.s32 $0xFFFFFFC0  }
0x54: {  	s1 =	sadd.s32 $0x20, s11;
	s0 =	sadd.s32 $0x20, s13;
	_ =	swait.ge [sflag:s26], $0x2000  }
0x55: {  	s5 =	sadd.s32 $0x20, s10;
	s7 =	simm.s32 $0x800;
	[sflag:s26] =	ssyncset.done $0x0  }
.LBB2_2:
0x56: {  	s8 =	simm.s32 @!p1 $0x3  }
0x57: {  	[sflag:s26] =	ssyncadd.s32 $0xFFFFE000;
	s9 =	smov.u32 s7;
	s7 =	sadd.s32 $0x400, s7  }
0x58: {  	[spmem:s2] =	stream.indirect.scatter.add.f32 [tilespmem:s24], [sflag:$0x3], $0x80, s23, s17, $0xb8;
	[tilespmem:$0x1EA00] =	vst v63  }
0x59: {  	p0 =	sne.s32 s7, $0xA000;
	_ =	swait.ge @!p1 [sflag:s8], $0x2000  }
0x5a: {  	[sflag:s8] =	ssyncset.done @!p1 $0x0  }
0x5b: {  	[sflag:s8] =	ssyncadd.s32 @!p1 $0xFFFFE000  }
0x5c: {  	_ =	swait.ge @!p1 [sflag:s8], $0x2000  }
0x5d: {  	[sflag:s8] =	ssyncset.done @!p1 $0x0  }
0x5e: {  	[sflag:s8] =	ssyncadd.s32 @!p1 $0xFFFFE000  }
0x5f: {  	_ =	swait.ge @!p1 [sflag:s8], $0x2000  }
0x60: {  	[sflag:s8] =	ssyncset.done @!p1 $0x0  }
0x61: {  	[sflag:s8] =	ssyncadd.s32 @!p1 $0xFFFFE000  }
0x62: {  	_ =	swait.ge @!p1 [sflag:s8], $0x2000  }
0x63: {  	[sflag:s8] =	ssyncset.done @!p1 $0x0  }
0x64: {  	[sflag:s8] =	ssyncadd.s32 @!p1 $0xFFFFE000  }
0x65: {  	[tilespmem:s16], [sflag:$0x1] =	stream.linear.gather [hbm4b:s0+s3], $0x40, $0x38;
	[tilespmem:$0x1EA00] =	vst v63  }
0x66: {  	s8 =	sshra.s32 s31, $0x2;
	s31 =	smov.u32 s9  }
0x67: {  	[tilespmem:s18], [sflag:$0x2] =	stream.indirect.gather [hbm4b:s4+s17], $0x80, s8, s17, $0xb8;
	[tilespmem:$0x1EA00] =	vst v63  }
0x68: {  	_ = 	snop  }
0x69: {  	[tilespmem:s19], [sflag:$0x1] =	stream.linear.gather [hbm4b:s1+s3], $0x40, $0x38;
	[tilespmem:$0x1EA00] =	vst v63  }
0x6a: {  	s9 =	sadd.s32 $0x40, s8  }
0x6b: {  	[tilespmem:s20], [sflag:$0x2] =	stream.indirect.gather [hbm4b:s4+s17], $0x80, s9, s17, $0xb8;
	[tilespmem:$0x1EA00] =	vst v63  }
0x6c: {  	_ = 	snop  }
0x6d: {  	[tilespmem:s21], [sflag:$0x1] =	stream.linear.gather [hbm4b:s5+s3], $0x40, $0x38;
	[tilespmem:$0x1EA00] =	vst v63  }
0x6e: {  	s9 =	sadd.s32 $0x80, s8  }
0x6f: {  	[tilespmem:s22], [sflag:$0x2] =	stream.indirect.gather [hbm4b:s4+s17], $0x80, s9, s17, $0xb8;
	[tilespmem:$0x1EA00] =	vst v63  }
0x70: {  	_ = 	snop  }
0x71: {  	[tilespmem:s23], [sflag:$0x1] =	stream.linear.gather [hbm4b:s30+s3], $0x40, $0x38;
	[tilespmem:$0x1EA00] =	vst v63  }
0x72: {  	s8 =	sadd.s32 $0xC0, s8  }
0x73: {  	[tilespmem:s24], [sflag:$0x2] =	stream.indirect.gather [hbm4b:s4+s17], $0x80, s8, s17, $0xb8;
	[tilespmem:$0x1EA00] =	vst v63  }
0x74: {  	_ =	swait.ge [sflag:s25], $0x40  }
0x75: {  	[sflag:s25] =	ssyncset.done $0x0  }
0x76: {  	[sflag:s25] =	ssyncadd.s32 $0xFFFFFFC0  }
0x77: {  	_ =	swait.ge [sflag:s26], $0x2000  }
0x78: {  	[sflag:s26] =	ssyncset.done $0x0  }
0x79: {  	[sflag:s26] =	ssyncadd.s32 $0xFFFFE000  }
0x7a: {  	[spmem:s2] =	stream.indirect.scatter.add.f32 [tilespmem:s18], [sflag:$0x3], $0x80, s16, s17, $0xb8;
	[tilespmem:$0x1EA00] =	vst v63  }
0x7b: {  	_ =	swait.ge [sflag:s25], $0x40  }
0x7c: {  	[sflag:s25] =	ssyncset.done $0x0  }
0x7d: {  	[sflag:s25] =	ssyncadd.s32 $0xFFFFFFC0  }
0x7e: {  	_ =	swait.ge [sflag:s26], $0x2000  }
0x7f: {  	[sflag:s26] =	ssyncset.done $0x0  }
0x80: {  	[sflag:s26] =	ssyncadd.s32 $0xFFFFE000  }
0x81: {  	[spmem:s2] =	stream.indirect.scatter.add.f32 [tilespmem:s20], [sflag:$0x3], $0x80, s19, s17, $0xb8;
	[tilespmem:$0x1EA00] =	vst v63  }
0x82: {  	_ =	swait.ge [sflag:s25], $0x40  }
0x83: {  	[sflag:s25] =	ssyncset.done $0x0  }
0x84: {  	[sflag:s25] =	ssyncadd.s32 $0xFFFFFFC0  }
0x85: {  	_ =	swait.ge [sflag:s26], $0x2000  }
0x86: {  	[sflag:s26] =	ssyncset.done $0x0  }
0x87: {  	[sflag:s26] =	ssyncadd.s32 $0xFFFFE000  }
0x88: {  	[spmem:s2] =	stream.indirect.scatter.add.f32 [tilespmem:s22], [sflag:$0x3], $0x80, s21, s17, $0xb8;
	[tilespmem:$0x1EA00] =	vst v63  }
.Ltmp0:
0x89: {  	_ =	swait.ge [sflag:s25], $0x40;
	(pc) =	sbr.rel @p0 .LBB2_2-.Ltmp0, $4  }
0x8a: {  	[sflag:s25] =	ssyncset.done $0x0  }
0x8b: {  	s0 =	sadd.s32 $0x20, s0;
	[sflag:s25] =	ssyncadd.s32 $0xFFFFFFC0  }
0x8c: {  	s1 =	sadd.s32 $0x20, s1;
	s30 =	sadd.s32 $0x20, s30;
	_ =	swait.ge [sflag:s26], $0x2000  }
0x8d: {  	p1 =	seq.s32 s31, $0x0;
	s5 =	sadd.s32 $0x20, s5;
	[sflag:s26] =	ssyncset.done $0x0  }
0x8e: {  	s7 =	simm.s32 @!p1 $0x3;
	[sflag:s26] =	ssyncadd.s32 $0xFFFFE000  }
0x8f: {  	[spmem:s2] =	stream.indirect.scatter.add.f32 [tilespmem:s24], [sflag:$0x3], $0x80, s23, s17, $0xb8;
	[tilespmem:$0x1EA00] =	vst v63  }
0x90: {  	_ =	swait.ge @!p1 [sflag:s7], $0x2000  }
0x91: {  	[sflag:s7] =	ssyncset.done @!p1 $0x0  }
0x92: {  	[sflag:s7] =	ssyncadd.s32 @!p1 $0xFFFFE000  }
0x93: {  	_ =	swait.ge @!p1 [sflag:s7], $0x2000  }
0x94: {  	[sflag:s7] =	ssyncset.done @!p1 $0x0  }
0x95: {  	[sflag:s7] =	ssyncadd.s32 @!p1 $0xFFFFE000  }
0x96: {  	_ =	swait.ge @!p1 [sflag:s7], $0x2000  }
0x97: {  	[sflag:s7] =	ssyncset.done @!p1 $0x0  }
0x98: {  	[sflag:s7] =	ssyncadd.s32 @!p1 $0xFFFFE000  }
0x99: {  	_ =	swait.ge @!p1 [sflag:s7], $0x2000  }
0x9a: {  	[sflag:s7] =	ssyncset.done @!p1 $0x0  }
0x9b: {  	[sflag:s7] =	ssyncadd.s32 @!p1 $0xFFFFE000  }
0x9c: {  	[tilespmem:s16], [sflag:$0x1] =	stream.linear.gather [hbm4b:s0+s3], $0x40, $0x38;
	[tilespmem:$0x1EA00] =	vst v63  }
0x9d: {  	s7 =	sshra.s32 s31, $0x2  }
0x9e: {  	[tilespmem:s18], [sflag:$0x2] =	stream.indirect.gather [hbm4b:s4+s17], $0x80, s7, s17, $0xb8;
	[tilespmem:$0x1EA00] =	vst v63  }
0x9f: {  	_ = 	snop  }
0xa0: {  	[tilespmem:s19], [sflag:$0x1] =	stream.linear.gather [hbm4b:s1+s3], $0x40, $0x38;
	[tilespmem:$0x1EA00] =	vst v63  }
0xa1: {  	s8 =	sadd.s32 $0x40, s7  }
0xa2: {  	[tilespmem:s20], [sflag:$0x2] =	stream.indirect.gather [hbm4b:s4+s17], $0x80, s8, s17, $0xb8;
	[tilespmem:$0x1EA00] =	vst v63  }
0xa3: {  	_ = 	snop  }
0xa4: {  	[tilespmem:s21], [sflag:$0x1] =	stream.linear.gather [hbm4b:s5+s3], $0x40, $0x38;
	[tilespmem:$0x1EA00] =	vst v63  }
0xa5: {  	s9 =	sadd.s32 $0x80, s7  }
0xa6: {  	[tilespmem:s22], [sflag:$0x2] =	stream.indirect.gather [hbm4b:s4+s17], $0x80, s9, s17, $0xb8;
	[tilespmem:$0x1EA00] =	vst v63  }
0xa7: {  	_ = 	snop  }
0xa8: {  	[tilespmem:s23], [sflag:$0x1] =	stream.linear.gather [hbm4b:s30+s3], $0x40, $0x38;
	[tilespmem:$0x1EA00] =	vst v63  }
0xa9: {  	s0 =	sadd.s32 $0xC0, s7  }
0xaa: {  	[tilespmem:s24], [sflag:$0x2] =	stream.indirect.gather [hbm4b:s4+s17], $0x80, s0, s17, $0xb8;
	[tilespmem:$0x1EA00] =	vst v63  }
0xab: {  	_ =	swait.ge [sflag:s25], $0x40  }
0xac: {  	[sflag:s25] =	ssyncset.done $0x0  }
0xad: {  	[sflag:s25] =	ssyncadd.s32 $0xFFFFFFC0  }
0xae: {  	_ =	swait.ge [sflag:s26], $0x2000  }
0xaf: {  	[sflag:s26] =	ssyncset.done $0x0  }
0xb0: {  	[sflag:s26] =	ssyncadd.s32 $0xFFFFE000  }
0xb1: {  	[spmem:s2] =	stream.indirect.scatter.add.f32 [tilespmem:s18], [sflag:$0x3], $0x80, s16, s17, $0xb8;
	[tilespmem:$0x1EA00] =	vst v63  }
0xb2: {  	_ =	swait.ge [sflag:s25], $0x40  }
0xb3: {  	[sflag:s25] =	ssyncset.done $0x0  }
0xb4: {  	[sflag:s25] =	ssyncadd.s32 $0xFFFFFFC0  }
0xb5: {  	_ =	swait.ge [sflag:s26], $0x2000  }
0xb6: {  	[sflag:s26] =	ssyncset.done $0x0  }
0xb7: {  	[sflag:s26] =	ssyncadd.s32 $0xFFFFE000  }
0xb8: {  	[spmem:s2] =	stream.indirect.scatter.add.f32 [tilespmem:s20], [sflag:$0x3], $0x80, s19, s17, $0xb8;
	[tilespmem:$0x1EA00] =	vst v63  }
0xb9: {  	_ =	swait.ge [sflag:s25], $0x40  }
0xba: {  	[sflag:s25] =	ssyncset.done $0x0  }
0xbb: {  	[sflag:s25] =	ssyncadd.s32 $0xFFFFFFC0  }
0xbc: {  	_ =	swait.ge [sflag:s26], $0x2000  }
0xbd: {  	[sflag:s26] =	ssyncset.done $0x0  }
0xbe: {  	[sflag:s26] =	ssyncadd.s32 $0xFFFFE000  }
0xbf: {  	[spmem:s2] =	stream.indirect.scatter.add.f32 [tilespmem:s22], [sflag:$0x3], $0x80, s21, s17, $0xb8;
	[tilespmem:$0x1EA00] =	vst v63  }
0xc0: {  	_ =	swait.ge [sflag:s25], $0x40  }
0xc1: {  	[sflag:s25] =	ssyncset.done $0x0  }
0xc2: {  	[sflag:s25] =	ssyncadd.s32 $0xFFFFFFC0  }
0xc3: {  	_ =	swait.ge [sflag:s26], $0x2000  }
0xc4: {  	[sflag:s26] =	ssyncset.done $0x0  }
0xc5: {  	[sflag:s26] =	ssyncadd.s32 $0xFFFFE000  }
0xc6: {  	[spmem:s2] =	stream.indirect.scatter.add.f32 [tilespmem:s24], [sflag:$0x3], $0x80, s23, s17, $0xb8;
	[tilespmem:$0x1EA00] =	vst v63  }
0xc7: {  	_ =	swait.ge [sflag:s28], $0x2000  }
0xc8: {  	[sflag:s28] =	ssyncset.done $0x0  }
0xc9: {  	[sflag:s28] =	ssyncadd.s32 $0xFFFFE000  }
0xca: {  	_ =	swait.ge [sflag:s28], $0x2000  }
0xcb: {  	[sflag:s28] =	ssyncset.done $0x0  }
0xcc: {  	[sflag:s28] =	ssyncadd.s32 $0xFFFFE000  }
0xcd: {  	_ =	swait.ge [sflag:s28], $0x2000  }
0xce: {  	[sflag:s28] =	ssyncset.done $0x0  }
0xcf: {  	[sflag:s28] =	ssyncadd.s32 $0xFFFFE000  }
0xd0: {  	_ =	swait.ge [sflag:s28], $0x2000  }
0xd1: {  	[sflag:s28] =	ssyncset.done $0x0  }
0xd2: {  	[sflag:s28] =	ssyncadd.s32 $0xFFFFE000  }
0xd3: {  	[bflag:$0x0] =	sbarrier.arrive $0xFFFF  }
0xd4: {  	s30 =	rddreg [dreg:$0x5]  }
0xd5: {  	[hbm:s30], [sflag:s6] =	dma.local [spmem:s14], $0x2800  }
0xd6: {  	_ =	swait.ge [sflag:s15], $0x2800  }
0xd7: {  	s29 =	sadd.s32 $0x1, s29;
	s31 =	rddreg [dreg:$0x6]  }
0xd8: {  	p0 =	sne.s32 s29, s31  }
.Ltmp1:
0xd9: {  	_ = 	snop;
	(pc) =	sbr.rel @p0 .LBB2_1-.Ltmp1, $3  }
0xda: {  	_ =	sdelay $0x1  }
0xdb: {  	[sflag:s15] =	ssyncset.done $0x0  }
0xdc: {  	[sflag:s15] =	ssyncadd.s32 $0xFFFFD800  }
0xdd: {  	_ =	sfence.sel $0x180000  }
0xde: {  	[bflag:$0x0] =	sbarrier.arrive $0xFFFF  }
0xdf: {  	_ =	strace $0x9000004A  }
0xe0: {  	s0 =	stileid.u32;
	[bflag:$0x2] =	sbarrier.arrive $0xFFFF  }
0xe1: {  	p0 =	sne.s32 s0, $0x0;
	s0 =	rddreg [dreg:$0x2]  }
0xe2: {  	s0 =	sadd.s32 @!p0 $0x100000, s0  }
0xe3: {  	[sflag:s0] =	ssyncadd.tile.s32 @!p0 $0x1;
	_ =	shalt  }
.Lfunc_end2:
_tile_overlayer_lowered:
.L_overlay_start_2:
0xe4: {  	(tag) =	ssettag $0x2  }
0xe5: {  	s0 =	rddreg [dreg:$0x0];
	s2 =	stileid.u32  }
0xe6: {  	s1 =	rddreg [dreg:$0x1];
	p0 =	sne.s32 s2, $0x0  }
0xe7: {  	s3 =	rddreg [dreg:$0x2];
	[bflag:$0x3] =	sbarrier.arrive $0xFFFF;
	s2 =	simm.s32 @!p0 $0x1C04  }
0xe8: {  	[timem:s3], [sflag:s2] =	dma.local @!p0 [hbm:s0], s1  }
0xe9: {  	s0 =	simm.s32 @!p0 $0x4  }
0xea: {  	_ =	swait.ge @!p0 [sflag:s0], s1  }
0xeb: {  	s1 =	ssub.s32 @!p0 $0x0, s1;
	[sflag:s0] =	ssyncset.done @!p0 $0x0  }
0xec: {  	[sflag:s0] =	ssyncadd.s32 @!p0 s1  }
0xed: {  	[bflag:$0x3] =	sbarrier.arrive $0xFFFF  }
0xee: {  	_ =	shalt  }

// kernel: kernel.19.cloned.1.call-start
scs
__scs_entry_jumppad:
0x0: {  	(pc) =	sbr.rel $0x88, $3  }
0x1: {  	(tag) =	ssettag $0x0;
	lr =	simm.s32 $0x1  }
0x2: {  	[smem:$0x3F99] =	sst lr;
	_ =	strace $0xD0000000  }
0x3: {  	_ = 	snop  }
0x4: {  	_ = 	snop  }
0x5: {  	_ = 	snop  }
0x6: {  	_ = 	snop  }
0x7: {  	_ = 	snop  }
__scs_overlays_trampoline_lowered:
0x8: {  	[smem:$0x3FA8] =	sst s0  }
0x9: {  	[smem:$0x3FA9] =	sst s1  }
0xa: {  	[smem:$0x3FAA] =	sst s2  }
0xb: {  	[smem:$0x3FAB] =	sst s3  }
0xc: {  	[smem:$0x3FAC] =	sst s4  }
0xd: {  	[smem:$0x3FAD] =	sst s5  }
0xe: {  	[smem:$0x3FAE] =	sst s6  }
0xf: {  	[smem:$0x3FAF] =	sst s7  }
0x10: {  	[smem:$0x3FB0] =	sst s8  }
0x11: {  	[smem:$0x3FB1] =	sst s9;
	s0 =	simm.s32 @!p0 $0x0  }
0x12: {  	s1 =	sld [smem:$0x3F97];
	s0 =	simm.s32 @p0 $0x1  }
0x13: {  	[smem:$0x3FB2] =	sst s0;
	s0 =	simm.s32 @!p1 $0x0  }
0x14: {  	s2 =	sld [smem:$0x3F96];
	s0 =	simm.s32 @p1 $0x1  }
0x15: {  	[smem:$0x3FB3] =	sst s0;
	s0 =	simm.s32 @!p2 $0x0  }
0x16: {  	s3 =	sld [smem:$0x3FDB];
	s0 =	simm.s32 @p2 $0x1  }
0x17: {  	s4 =	simm.s32 $0x1BF5;
	[smem:$0x3FB5] =	sst s0  }
0x18: {  	s0 =	sld [smem:$0x3F98];
	_ =	swait.ge [sflag:s4], $0x0  }
0x19: {  	s7 =	sld [smem:$0x3F99]  }
0x1a: {  	s8 =	sadd.s32 $0xFFFFE003, lr  }
0x1b: {  	s9 =	sadd.s32 $0xFFFFFEF7, lr;
	s5 =	simm.s32 $0xFFFFFFFF;
	p2 =	slt.u32 s8, $0xFFFFF086  }
0x1c: {  	p1 =	slt.u32 s9, $0xF7A;
	s5 =	simm.s32 @!p2 $0x0  }
0x1d: {  	s5 =	simm.s32 @p1 $0x1;
	p0 =	seq.s32 s7, s2  }
0x1e: {  	s7 =	smul.u32 @!p0 $0xF7A, s2;
	p2 =	seq.s32 @!p0 s5, $0x0  }
0x1f: {  	s9 =	smul.u32 $0xF7A, s1;
	s8 =	simm.s32 @!p0 $0x1BF5;
	p2 =	por !p2, p0  }
0x20: {  	[sflag:s8] =	ssyncset.s32 @!p0 $0xFFFFF086;
	s6 =	sadd.s32 @!p0 s3, s7;
	s7 =	simm.s32 @!p0 $0x108  }
0x21: {  	s3 =	sadd.s32 s3, s9;
	s6 =	sadd.s32 @!p0 $0x88, s6;
	s7 =	simm.s32 @p2 $0x1082  }
0x22: {  	[simem:s7], [sflag:s8] =	dma.local @!p0 [hbm:s6], $0xF7A  }
0x23: {  	s9 =	sor.u32 $0xD0000000, s2;
	s6 =	simm.s32 $0x108;
	_ =	swait.ge @!p0 [sflag:s8], $0x0  }
0x24: {  	s3 =	sadd.s32 $0x88, s3;
	s6 =	simm.s32 @!p1 $0x1082;
	[sflag:s4] =	ssyncset.s32 $0xFFFFF086  }
0x25: {  	[simem:s6], [sflag:s4] =	dma.local [hbm:s3], $0xF7A  }
0x26: {  	[smem:$0x3F99] =	sst s1;
	(tag) =	ssettag s2;
	_ =	strace s9  }
0x27: {  	s1 =	sld [smem:$0x3FA9]  }
0x28: {  	s2 =	sld [smem:$0x3FAA]  }
0x29: {  	s4 =	sld [smem:$0x3FAC]  }
0x2a: {  	p0 =	seq.s32 s5, $0x0;
	s5 =	sld [smem:$0x3FAD]  }
0x2b: {  	s6 =	sld [smem:$0x3FAE]  }
0x2c: {  	s7 =	sld [smem:$0x3FAF]  }
0x2d: {  	s3 =	simm.s32 $0x108;
	s8 =	sld [smem:$0x3FB0]  }
0x2e: {  	s3 =	simm.s32 @!p0 $0x1082;
	s9 =	sld [smem:$0x3FB1]  }
0x2f: {  	lr =	sadd.s32 s0, s3;
	s0 =	sld [smem:$0x3FA8]  }
0x30: {  	s3 =	sld [smem:$0x3FAB]  }
0x31: {  	[smem:$0x3FB4] =	sst s10  }
0x32: {  	s10 =	sld [smem:$0x3FB2];
	_ =	sdelay $0x3  }
0x33: {  	p0 =	seq.s32 s10, $0x1;
	s10 =	sld [smem:$0x3FB4];
	_ =	sdelay $0x3  }
0x34: {  	[smem:$0x3FB4] =	sst s10  }
0x35: {  	s10 =	sld [smem:$0x3FB3];
	_ =	sdelay $0x3  }
0x36: {  	p1 =	seq.s32 s10, $0x1;
	s10 =	sld [smem:$0x3FB4];
	_ =	sdelay $0x3  }
0x37: {  	[smem:$0x3FB4] =	sst s10  }
0x38: {  	s10 =	sld [smem:$0x3FB5]  }
0x39: {  	_ = 	snop;
	(pc) =	sbr.ind lr, $3  }
0x3a: {  	_ = 	snop  }
0x3b: {  	_ = 	snop  }
0x3c: {  	p2 =	seq.s32 s10, $0x1;
	s10 =	sld [smem:$0x3FB4]  }
0x3d: {  	_ =	shalt  }
0x3e: {  	_ =	shalt  }
0x3f: {  	_ =	shalt  }
0x40: {  	_ =	shalt  }
0x41: {  	_ =	shalt  }
0x42: {  	_ =	shalt  }
0x43: {  	_ =	shalt  }
0x44: {  	_ =	shalt  }
0x45: {  	_ =	shalt  }
0x46: {  	_ =	shalt  }
0x47: {  	_ =	shalt  }
0x48: {  	_ =	shalt  }
0x49: {  	_ =	shalt  }
0x4a: {  	_ =	shalt  }
0x4b: {  	_ =	shalt  }
0x4c: {  	_ =	shalt  }
0x4d: {  	_ =	shalt  }
0x4e: {  	_ =	shalt  }
0x4f: {  	_ =	shalt  }
0x50: {  	_ =	shalt  }
0x51: {  	_ =	shalt  }
0x52: {  	_ =	shalt  }
0x53: {  	_ =	shalt  }
0x54: {  	_ =	shalt  }
0x55: {  	_ =	shalt  }
0x56: {  	_ =	shalt  }
0x57: {  	_ =	shalt  }
0x58: {  	_ =	shalt  }
0x59: {  	_ =	shalt  }
0x5a: {  	_ =	shalt  }
0x5b: {  	_ =	shalt  }
0x5c: {  	_ =	shalt  }
0x5d: {  	_ =	shalt  }
0x5e: {  	_ =	shalt  }
0x5f: {  	_ =	shalt  }
0x60: {  	_ =	shalt  }
0x61: {  	_ =	shalt  }
0x62: {  	_ =	shalt  }
0x63: {  	_ =	shalt  }
0x64: {  	_ =	shalt  }
0x65: {  	_ =	shalt  }
0x66: {  	_ =	shalt  }
0x67: {  	_ =	shalt  }
0x68: {  	_ =	shalt  }
0x69: {  	_ =	shalt  }
0x6a: {  	_ =	shalt  }
0x6b: {  	_ =	shalt  }
0x6c: {  	_ =	shalt  }
0x6d: {  	_ =	shalt  }
0x6e: {  	_ =	shalt  }
0x6f: {  	_ =	shalt  }
0x70: {  	_ =	shalt  }
0x71: {  	_ =	shalt  }
0x72: {  	_ =	shalt  }
0x73: {  	_ =	shalt  }
0x74: {  	_ =	shalt  }
0x75: {  	_ =	shalt  }
0x76: {  	_ =	shalt  }
0x77: {  	_ =	shalt  }
0x78: {  	_ =	shalt  }
0x79: {  	_ =	shalt  }
0x7a: {  	_ =	shalt  }
0x7b: {  	_ =	shalt  }
0x7c: {  	_ =	shalt  }
0x7d: {  	_ =	shalt  }
0x7e: {  	_ =	shalt  }
0x7f: {  	_ =	shalt  }
0x80: {  	_ =	shalt  }
0x81: {  	_ =	shalt  }
0x82: {  	_ =	shalt  }
0x83: {  	_ =	shalt  }
0x84: {  	_ =	shalt  }
0x85: {  	_ =	shalt  }
0x86: {  	_ =	shalt  }
0x87: {  	_ =	shalt  }
.Lfunc_end0:
.L_simem_size_0:
called_computation.3_lowered:
.L_overlay_start_0:
0x88: {  	s2 =	sld [smem:$0x3FD9]  }
0x89: {  	s3 =	sld [smem:$0x3FFE];
	_ =	sdelay $0x1  }
0x8a: {  	s1 =	srdreg.scid  }
0x8b: {  	s0 =	sand.u32 $0x1, s1  }
0x8c: {  	s17 =	sshll.u32 s0, $0xA;
	s2 =	sadd.s32 s3, s2  }
0x8d: {  	s2 =	sadd.s32 s2, s17  }
0x8e: {  	[smem:$0x3FC0] =	sst s2  }
0x8f: {  	_ = 	snop  }
0x90: {  	(tm) =	ssettm $0x1  }
0x91: {  	s18 =	sld [smem:$0x3FFB];
	_ =	sdelay $0x3  }
0x92: {  	_ =	strace s18  }
0x93: {  	s2 =	sld [smem:$0x3FFC];
	_ =	sdelay $0x3  }
0x94: {  	_ =	strace s2  }
0x95: {  	s2 =	sld [smem:$0x3FFD];
	_ =	sdelay $0x3  }
0x96: {  	_ =	strace s2  }
0x97: {  	_ =	strace $0x8FFFFFFF  }
0x98: {  	s19 =	sld [smem:$0x3FDB];
	_ =	sdelay $0x1  }
0x99: {  	s20 =	simm.s32 $_scs_section_size  }
0x9a: {  	s4 =	simm.s32 $_size__tile_overlayer_lowered;
	s5 =	simm.s32 $_tile_overlayer_lowered  }
0x9b: {  	s6 =	simm.s32 $0x1BFF;
	s21 =	sshll.u32 s5, $0x1;
	s3 =	sadd.s32 s20, s19  }
0x9c: {  	s22 =	simm.s32 $0x0;
	s4 =	sshll.u32 s4, $0x1;
	s5 =	sadd.s32 s21, s3  }
0x9d: {  	[timem:s22], [sflag:s6] =	dma.local [hbm:s5], s4  }
0x9e: {  	_ =	swait.ge [sflag:s6], s4  }
0x9f: {  	s4 =	ssub.s32 $0x0, s4;
	[sflag:s6] =	ssyncset.done $0x0  }
0xa0: {  	[sflag:s6] =	ssyncadd.s32 s4;
	_ =	sdelay $0x1  }
0xa1: {  	s23 =	simm.s32 $0x1B8B  }
0xa2: {  	_ =	swait.ge [sflag:s23], $0x1  }
0xa3: {  	[sflag:s23] =	ssyncset.done $0x0  }
0xa4: {  	[sflag:s23] =	ssyncadd.s32 $0xFFFFFFFF  }
0xa5: {  	s4 =	sld [smem:$0x0]  }
0xa6: {  	s5 =	sand.u32 $0xFFFFFFFE, s1  }
0xa7: {  	p0 =	sne.s32 s1, s5  }
0xa8: {  	s5 =	sshll.u32 @p0 s5, $0xE  }
0xa9: {  	s5 =	sadd.s32 @p0 $0x11B8D, s5;
	s6 =	sshll.u32 @p0 s4, $0x11  }
0xaa: {  	s5 =	sor.u32 @p0 s6, s5  }
0xab: {  	[sflag:s5] =	ssyncadd.remote.s32 @p0 $0x1;
	_ =	sdelay $0x1  }
0xac: {  	s5 =	simm.s32 @p0 $0x1B8D  }
0xad: {  	_ =	swait.eq @p0 [sflag:s5], $0x1  }
0xae: {  	[sflag:s5] =	ssyncadd.s32 @p0 $0xFFFFFFFF  }
0xaf: {  	s6 =	sshll.u32 @!p0 s1, $0xE  }
0xb0: {  	s6 =	sor.u32 @!p0 $0x4000, s6;
	s5 =	simm.s32 @!p0 $0x1B8D  }
0xb1: {  	s4 =	sshll.u32 @!p0 s4, $0x11;
	s6 =	sadd.s32 @!p0 $0x11B8D, s6;
	_ =	swait.eq @!p0 [sflag:s5], $0x1  }
0xb2: {  	s4 =	sor.u32 @!p0 s4, s6;
	[sflag:s5] =	ssyncadd.s32 @!p0 $0xFFFFFFFF  }
0xb3: {  	s25 =	simm.s32 $0x1B8E;
	s24 =	sld [smem:$0x3FFE];
	[sflag:s4] =	ssyncadd.remote.s32 @!p0 $0x1  }
0xb4: {  	s26 =	simm.s32 $execute0_lowered;
	[smem:$0x3FD2] =	sst s25  }
0xb5: {  	s5 =	sshll.u32 s26, $0x1;
	_ =	strace $0x8000004F;
	[dreg:$0x1] =	wrdreg $0xFFFFFFFF  }
0xb6: {  	s28 =	simm.s32 $_size_execute0_lowered;
	s3 =	sadd.s32 s3, s5;
	[dreg:$0x0] =	wrdreg $0x0  }
0xb7: {  	s5 =	sshll.u32 s28, $0x1;
	[dreg:$0x2] =	wrdreg s3  }
0xb8: {  	[dreg:$0x3] =	wrdreg s5  }
0xb9: {  	[dreg:$0x4] =	wrdreg $0xC0  }
0xba: {  	_ =	task [dreg:s22], $0x5FFFF  }
0xbb: {  	[dreg:$0x1] =	wrdreg $0xFFFFFFFF  }
0xbc: {  	[dreg:$0x0] =	wrdreg $0x60  }
0xbd: {  	[dreg:$0x2] =	wrdreg s24  }
0xbe: {  	[dreg:$0x3] =	wrdreg $0xAA000  }
0xbf: {  	[dreg:$0x4] =	wrdreg $0xA  }
0xc0: {  	_ =	task.clear_ibuf [dreg:s22], $0x5FFFF;
	_ =	strace $0x9000004F  }
0xc1: {  	s29 =	simm.s32 $0xA;
	_ =	strace $0x80000051  }
0xc2: {  	_ =	swait.ge [sflag:s29], $0x1  }
0xc3: {  	[sflag:s29] =	ssyncadd.s32 $0xFFFFFFFF  }
0xc4: {  	_ =	strace $0x90000051  }
0xc5: {  	_ =	sfence  }
0xc6: {  	s30 =	sld [smem:$0x0];
	_ =	sdelay $0x2  }
0xc7: {  	s31 =	sshll.u32 s1, $0xD;
	s1 =	sshrl.u32 s1, $0x2  }
0xc8: {  	s4 =	sand.u32 $0x4000, s31;
	s1 =	sadd.s32 s1, s30  }
0xc9: {  	s0 =	sor.u32 s4, s0;
	s1 =	sshll.u32 s1, $0x11  }
0xca: {  	s0 =	sor.u32 s1, s0  }
0xcb: {  	s0 =	sadd.s32 $0x8F2B, s0  }
0xcc: {  	[sflag:s0] =	ssyncadd.remote.s32 $0x1  }
0xcd: {  	_ =	sfence.sel $0xFFFF  }
0xce: {  	[dreg:$0x0] =	wrdreg $0xFFFFFFFF;
	(pc) =	sbr.abs _section_cstart, $3  }
0xcf: {  	[dreg:$0x1] =	wrdreg $0xFFFFFFFF  }
0xd0: {  	_ =	task.clear_ibuf [dreg:s22], $0x2FFFF;
	_ =	strace $0x9FFFFFFF  }
0xd1: {  	(tm) =	ssettm $0x7FFFFFFF  }
tec
execute0_lowered:
.L_overlay_start_1:
0x0: {  	(tag) =	ssettag $0x1  }
0x1: {  	s0 =	srdreg.scid;
	s1 =	rddreg [dreg:$0x0]  }
0x2: {  	s11 =	stileid.u32;
	s2 =	rddreg [dreg:$0x1];
	s15 =	simm.s32 $0x4  }
0x3: {  	s16 =	simm.s32 $0x2800;
	s17 =	simm.s32 $0x40;
	s18 =	simm.s32 $0x2A00  }
0x4: {  	s28 =	simm.s32 $0x3;
	s29 =	simm.s32 $0x0;
	s6 =	smul.u32 $0x14000, s11  }
0x5: {  	s0 =	sand.u32 $0x1, s0;
	s13 =	sadd.s32 $0x2C00, s1;
	s19 =	smul.u32 $0x50000, s11  }
0x6: {  	s8 =	sadd.s32 $0x3F600, s1;
	s10 =	smul.u32 $0x2800, s11;
	s23 =	sshll.u32 s11, $0x6  }
0x7: {  	s3 =	sshll.u32 s0, $0x4;
	s5 =	smul.u32 $0x140000, s0;
	s20 =	ssub.s32 $0x2, s0  }
0x8: {  	s0 =	smul.u32 $0x28000, s0;
	s4 =	sor.u32 s11, s3;
	s3 =	simm.s32 $0x0  }
0x9: {  	s9 =	sshrl.u32 s20, $0x1;
	s22 =	sshrl.u32 s19, $0x2;
	s19 =	simm.s32 $0x2880  }
0xa: {  	s4 =	smul.u32 $0x2800, s4;
	[smem:$0x7FF] =	sst s3;
	s5 =	sadd.s32 s6, s5  }
0xb: {  	s21 =	ssub.s32 s20, s9;
	s14 =	sadd.s32 s22, s2;
	s0 =	sadd.s32 s10, s0  }
0xc: {  	s6 =	sor.u32 $0x1C04, s23;
	s20 =	simm.s32 $0x4A00;
	s22 =	simm.s32 $0x6A00  }
0xd: {  	s23 =	simm.s32 $0x2980;
	_ =	strace $0x80000050;
	[dreg:$0x3] =	wrdreg s8  }
0xe: {  	s5 =	sshrl.u32 s5, $0x3;
	s24 =	sor.u32 $0x80, s0;
	s25 =	smax.u32 s21, $0x1  }
0xf: {  	s30 =	sor.u32 $0x40, s0;
	s31 =	sor.u32 $0xC0, s0;
	s0 =	sshrl.u32 s0, $0x3  }
0x10: {  	s14 =	sshrl.u32 s14, $0x3;
	s21 =	simm.s32 $0x2900;
	s4 =	sshrl.u32 s4, $0x3  }
0x11: {  	[dreg:$0x6] =	wrdreg s25;
	s26 =	sshrl.u32 s24, $0x3;
	s24 =	simm.s32 $0x8A00  }
0x12: {  	s25 =	simm.s32 $0x1;
	s7 =	sadd.s32 s4, s1;
	s4 =	sadd.s32 $0x17600, s1  }
0x13: {  	s1 =	sadd.s32 s5, s1;
	s10 =	sadd.s32 s26, s13;
	s5 =	sshrl.u32 s31, $0x3  }
0x14: {  	s26 =	simm.s32 $0x2;
	s7 =	sadd.s32 $0xD600, s7;
	s1 =	sadd.s32 $0x41E00, s1  }
0x15: {  	s12 =	sadd.s32 s5, s13;
	[dreg:$0x5] =	wrdreg s1;
	s1 =	sshrl.u32 s30, $0x3  }
0x16: {  	[dreg:$0x4] =	wrdreg s7;
	s11 =	sadd.s32 s1, s13;
	s13 =	sadd.s32 s0, s13  }
.LBB2_1:
0x17: {  	s0 =	rddreg [dreg:$0x3]  }
0x18: {  	[spmem:s14], [sflag:s6] =	dma.local [hbm:s0], $0x2800  }
0x19: {  	_ =	swait.ge [sflag:s15], $0x2800  }
0x1a: {  	[sflag:s15] =	ssyncset.done $0x0  }
0x1b: {  	s1 =	rddreg [dreg:$0x4];
	[sflag:s15] =	ssyncadd.s32 $0xFFFFD800  }
0x1c: {  	[tilespmem:s3], [sflag:$0x4] =	stream.linear.gather [hbm4b:s1+s3], $0x2800, $0x38;
	[tilespmem:$0x1EA00] =	vst v63  }
0x1d: {  	_ =	swait.ge [sflag:s15], $0x2800  }
0x1e: {  	[sflag:s15] =	ssyncset.done $0x0  }
0x1f: {  	p0 =	por $0x1, $0x1;
	[sflag:s15] =	ssyncadd.s32 $0xFFFFD800  }
0x20: {  	s0 =	simm.s32 @!p0 $0x3;
	[bflag:$0x0] =	sbarrier.arrive $0xFFFF  }
0x21: {  	_ =	swait.ge @!p0 [sflag:s0], $0x2000  }
0x22: {  	[sflag:s0] =	ssyncset.done @!p0 $0x0  }
0x23: {  	[sflag:s0] =	ssyncadd.s32 @!p0 $0xFFFFE000  }
0x24: {  	_ =	swait.ge @!p0 [sflag:s0], $0x2000  }
0x25: {  	[sflag:s0] =	ssyncset.done @!p0 $0x0  }
0x26: {  	[sflag:s0] =	ssyncadd.s32 @!p0 $0xFFFFE000  }
0x27: {  	_ =	swait.ge @!p0 [sflag:s0], $0x2000  }
0x28: {  	[sflag:s0] =	ssyncset.done @!p0 $0x0  }
0x29: {  	[sflag:s0] =	ssyncadd.s32 @!p0 $0xFFFFE000  }
0x2a: {  	_ =	swait.ge @!p0 [sflag:s0], $0x2000  }
0x2b: {  	[sflag:s0] =	ssyncset.done @!p0 $0x0  }
0x2c: {  	[sflag:s0] =	ssyncadd.s32 @!p0 $0xFFFFE000  }
0x2d: {  	[tilespmem:s16], [sflag:$0x1] =	stream.linear.gather [hbm4b:s13+s3], $0x40, $0x38;
	[tilespmem:$0x1EA00] =	vst v63  }
0x2e: {  	s5 =	simm.s32 $0x0  }
0x2f: {  	[tilespmem:s18], [sflag:$0x2] =	stream.indirect.gather [hbm4b:s4+s17], $0x80, s5, s17, $0xb8;
	[tilespmem:$0x1EA00] =	vst v63  }
0x30: {  	_ = 	snop  }
0x31: {  	[tilespmem:s19], [sflag:$0x1] =	stream.linear.gather [hbm4b:s11+s3], $0x40, $0x38;
	[tilespmem:$0x1EA00] =	vst v63  }
0x32: {  	s7 =	simm.s32 $0x40  }
0x33: {  	[tilespmem:s20], [sflag:$0x2] =	stream.indirect.gather [hbm4b:s4+s17], $0x80, s7, s17, $0xb8;
	[tilespmem:$0x1EA00] =	vst v63  }
0x34: {  	_ = 	snop  }
0x35: {  	[tilespmem:s21], [sflag:$0x1] =	stream.linear.gather [hbm4b:s10+s3], $0x40, $0x38;
	[tilespmem:$0x1EA00] =	vst v63  }
0x36: {  	s8 =	simm.s32 $0x80  }
0x37: {  	[tilespmem:s22], [sflag:$0x2] =	stream.indirect.gather [hbm4b:s4+s17], $0x80, s8, s17, $0xb8;
	[tilespmem:$0x1EA00] =	vst v63  }
0x38: {  	_ = 	snop  }
0x39: {  	[tilespmem:s23], [sflag:$0x1] =	stream.linear.gather [hbm4b:s12+s3], $0x40, $0x38;
	[tilespmem:$0x1EA00] =	vst v63  }
0x3a: {  	s9 =	simm.s32 $0xC0  }
0x3b: {  	[tilespmem:s24], [sflag:$0x2] =	stream.indirect.gather [hbm4b:s4+s17], $0x80, s9, s17, $0xb8;
	[tilespmem:$0x1EA00] =	vst v63  }
0x3c: {  	_ =	swait.ge [sflag:s25], $0x40  }
0x3d: {  	[sflag:s25] =	ssyncset.done $0x0  }
0x3e: {  	[sflag:s25] =	ssyncadd.s32 $0xFFFFFFC0  }
0x3f: {  	_ =	swait.ge [sflag:s26], $0x2000  }
0x40: {  	[sflag:s26] =	ssyncset.done $0x0  }
0x41: {  	[sflag:s26] =	ssyncadd.s32 $0xFFFFE000  }
0x42: {  	[spmem:s2] =	stream.indirect.scatter.add.f32 [tilespmem:s18], [sflag:$0x3], $0x80, s16, s17, $0xb8;
	[tilespmem:$0x1EA00] =	vst v63  }
0x43: {  	_ =	swait.ge [sflag:s25], $0x40  }
0x44: {  	[sflag:s25] =	ssyncset.done $0x0  }
0x45: {  	[sflag:s25] =	ssyncadd.s32 $0xFFFFFFC0  }
0x46: {  	_ =	swait.ge [sflag:s26], $0x2000  }
0x47: {  	[sflag:s26] =	ssyncset.done $0x0  }
0x48: {  	[sflag:s26] =	ssyncadd.s32 $0xFFFFE000  }
0x49: {  	[spmem:s2] =	stream.indirect.scatter.add.f32 [tilespmem:s20], [sflag:$0x3], $0x80, s19, s17, $0xb8;
	[tilespmem:$0x1EA00] =	vst v63  }
0x4a: {  	_ =	swait.ge [sflag:s25], $0x40  }
0x4b: {  	[sflag:s25] =	ssyncset.done $0x0  }
0x4c: {  	[sflag:s25] =	ssyncadd.s32 $0xFFFFFFC0  }
0x4d: {  	_ =	swait.ge [sflag:s26], $0x2000  }
0x4e: {  	[sflag:s26] =	ssyncset.done $0x0  }
0x4f: {  	[sflag:s26] =	ssyncadd.s32 $0xFFFFE000  }
0x50: {  	[spmem:s2] =	stream.indirect.scatter.add.f32 [tilespmem:s22], [sflag:$0x3], $0x80, s21, s17, $0xb8;
	[tilespmem:$0x1EA00] =	vst v63  }
0x51: {  	_ =	swait.ge [sflag:s25], $0x40  }
0x52: {  	s31 =	simm.s32 $0x400;
	[sflag:s25] =	ssyncset.done $0x0  }
0x53: {  	s30 =	sadd.s32 $0x20, s12;
	p1 =	por $0x0, $0x0;
	[sflag:s25] =	ssyncadd.s32 $0xFFFFFFC0  }
0x54: {  	s1 =	sadd.s32 $0x20, s11;
	s0 =	sadd.s32 $0x20, s13;
	_ =	swait.ge [sflag:s26], $0x2000  }
0x55: {  	s5 =	sadd.s32 $0x20, s10;
	s7 =	simm.s32 $0x800;
	[sflag:s26] =	ssyncset.done $0x0  }
.LBB2_2:
0x56: {  	s8 =	simm.s32 @!p1 $0x3  }
0x57: {  	[sflag:s26] =	ssyncadd.s32 $0xFFFFE000;
	s9 =	smov.u32 s7;
	s7 =	sadd.s32 $0x400, s7  }
0x58: {  	[spmem:s2] =	stream.indirect.scatter.add.f32 [tilespmem:s24], [sflag:$0x3], $0x80, s23, s17, $0xb8;
	[tilespmem:$0x1EA00] =	vst v63  }
0x59: {  	p0 =	sne.s32 s7, $0xA000;
	_ =	swait.ge @!p1 [sflag:s8], $0x2000  }
0x5a: {  	[sflag:s8] =	ssyncset.done @!p1 $0x0  }
0x5b: {  	[sflag:s8] =	ssyncadd.s32 @!p1 $0xFFFFE000  }
0x5c: {  	_ =	swait.ge @!p1 [sflag:s8], $0x2000  }
0x5d: {  	[sflag:s8] =	ssyncset.done @!p1 $0x0  }
0x5e: {  	[sflag:s8] =	ssyncadd.s32 @!p1 $0xFFFFE000  }
0x5f: {  	_ =	swait.ge @!p1 [sflag:s8], $0x2000  }
0x60: {  	[sflag:s8] =	ssyncset.done @!p1 $0x0  }
0x61: {  	[sflag:s8] =	ssyncadd.s32 @!p1 $0xFFFFE000  }
0x62: {  	_ =	swait.ge @!p1 [sflag:s8], $0x2000  }
0x63: {  	[sflag:s8] =	ssyncset.done @!p1 $0x0  }
0x64: {  	[sflag:s8] =	ssyncadd.s32 @!p1 $0xFFFFE000  }
0x65: {  	[tilespmem:s16], [sflag:$0x1] =	stream.linear.gather [hbm4b:s0+s3], $0x40, $0x38;
	[tilespmem:$0x1EA00] =	vst v63  }
0x66: {  	s8 =	sshra.s32 s31, $0x2;
	s31 =	smov.u32 s9  }
0x67: {  	[tilespmem:s18], [sflag:$0x2] =	stream.indirect.gather [hbm4b:s4+s17], $0x80, s8, s17, $0xb8;
	[tilespmem:$0x1EA00] =	vst v63  }
0x68: {  	_ = 	snop  }
0x69: {  	[tilespmem:s19], [sflag:$0x1] =	stream.linear.gather [hbm4b:s1+s3], $0x40, $0x38;
	[tilespmem:$0x1EA00] =	vst v63  }
0x6a: {  	s9 =	sadd.s32 $0x40, s8  }
0x6b: {  	[tilespmem:s20], [sflag:$0x2] =	stream.indirect.gather [hbm4b:s4+s17], $0x80, s9, s17, $0xb8;
	[tilespmem:$0x1EA00] =	vst v63  }
0x6c: {  	_ = 	snop  }
0x6d: {  	[tilespmem:s21], [sflag:$0x1] =	stream.linear.gather [hbm4b:s5+s3], $0x40, $0x38;
	[tilespmem:$0x1EA00] =	vst v63  }
0x6e: {  	s9 =	sadd.s32 $0x80, s8  }
0x6f: {  	[tilespmem:s22], [sflag:$0x2] =	stream.indirect.gather [hbm4b:s4+s17], $0x80, s9, s17, $0xb8;
	[tilespmem:$0x1EA00] =	vst v63  }
0x70: {  	_ = 	snop  }
0x71: {  	[tilespmem:s23], [sflag:$0x1] =	stream.linear.gather [hbm4b:s30+s3], $0x40, $0x38;
	[tilespmem:$0x1EA00] =	vst v63  }
0x72: {  	s8 =	sadd.s32 $0xC0, s8  }
0x73: {  	[tilespmem:s24], [sflag:$0x2] =	stream.indirect.gather [hbm4b:s4+s17], $0x80, s8, s17, $0xb8;
	[tilespmem:$0x1EA00] =	vst v63  }
0x74: {  	_ =	swait.ge [sflag:s25], $0x40  }
0x75: {  	[sflag:s25] =	ssyncset.done $0x0  }
0x76: {  	[sflag:s25] =	ssyncadd.s32 $0xFFFFFFC0  }
0x77: {  	_ =	swait.ge [sflag:s26], $0x2000  }
0x78: {  	[sflag:s26] =	ssyncset.done $0x0  }
0x79: {  	[sflag:s26] =	ssyncadd.s32 $0xFFFFE000  }
0x7a: {  	[spmem:s2] =	stream.indirect.scatter.add.f32 [tilespmem:s18], [sflag:$0x3], $0x80, s16, s17, $0xb8;
	[tilespmem:$0x1EA00] =	vst v63  }
0x7b: {  	_ =	swait.ge [sflag:s25], $0x40  }
0x7c: {  	[sflag:s25] =	ssyncset.done $0x0  }
0x7d: {  	[sflag:s25] =	ssyncadd.s32 $0xFFFFFFC0  }
0x7e: {  	_ =	swait.ge [sflag:s26], $0x2000  }
0x7f: {  	[sflag:s26] =	ssyncset.done $0x0  }
0x80: {  	[sflag:s26] =	ssyncadd.s32 $0xFFFFE000  }
0x81: {  	[spmem:s2] =	stream.indirect.scatter.add.f32 [tilespmem:s20], [sflag:$0x3], $0x80, s19, s17, $0xb8;
	[tilespmem:$0x1EA00] =	vst v63  }
0x82: {  	_ =	swait.ge [sflag:s25], $0x40  }
0x83: {  	[sflag:s25] =	ssyncset.done $0x0  }
0x84: {  	[sflag:s25] =	ssyncadd.s32 $0xFFFFFFC0  }
0x85: {  	_ =	swait.ge [sflag:s26], $0x2000  }
0x86: {  	[sflag:s26] =	ssyncset.done $0x0  }
0x87: {  	[sflag:s26] =	ssyncadd.s32 $0xFFFFE000  }
0x88: {  	[spmem:s2] =	stream.indirect.scatter.add.f32 [tilespmem:s22], [sflag:$0x3], $0x80, s21, s17, $0xb8;
	[tilespmem:$0x1EA00] =	vst v63  }
.Ltmp0:
0x89: {  	_ =	swait.ge [sflag:s25], $0x40;
	(pc) =	sbr.rel @p0 .LBB2_2-.Ltmp0, $4  }
0x8a: {  	[sflag:s25] =	ssyncset.done $0x0  }
0x8b: {  	s0 =	sadd.s32 $0x20, s0;
	[sflag:s25] =	ssyncadd.s32 $0xFFFFFFC0  }
0x8c: {  	s1 =	sadd.s32 $0x20, s1;
	s30 =	sadd.s32 $0x20, s30;
	_ =	swait.ge [sflag:s26], $0x2000  }
0x8d: {  	p1 =	seq.s32 s31, $0x0;
	s5 =	sadd.s32 $0x20, s5;
	[sflag:s26] =	ssyncset.done $0x0  }
0x8e: {  	s7 =	simm.s32 @!p1 $0x3;
	[sflag:s26] =	ssyncadd.s32 $0xFFFFE000  }
0x8f: {  	[spmem:s2] =	stream.indirect.scatter.add.f32 [tilespmem:s24], [sflag:$0x3], $0x80, s23, s17, $0xb8;
	[tilespmem:$0x1EA00] =	vst v63  }
0x90: {  	_ =	swait.ge @!p1 [sflag:s7], $0x2000  }
0x91: {  	[sflag:s7] =	ssyncset.done @!p1 $0x0  }
0x92: {  	[sflag:s7] =	ssyncadd.s32 @!p1 $0xFFFFE000  }
0x93: {  	_ =	swait.ge @!p1 [sflag:s7], $0x2000  }
0x94: {  	[sflag:s7] =	ssyncset.done @!p1 $0x0  }
0x95: {  	[sflag:s7] =	ssyncadd.s32 @!p1 $0xFFFFE000  }
0x96: {  	_ =	swait.ge @!p1 [sflag:s7], $0x2000  }
0x97: {  	[sflag:s7] =	ssyncset.done @!p1 $0x0  }
0x98: {  	[sflag:s7] =	ssyncadd.s32 @!p1 $0xFFFFE000  }
0x99: {  	_ =	swait.ge @!p1 [sflag:s7], $0x2000  }
0x9a: {  	[sflag:s7] =	ssyncset.done @!p1 $0x0  }
0x9b: {  	[sflag:s7] =	ssyncadd.s32 @!p1 $0xFFFFE000  }
0x9c: {  	[tilespmem:s16], [sflag:$0x1] =	stream.linear.gather [hbm4b:s0+s3], $0x40, $0x38;
	[tilespmem:$0x1EA00] =	vst v63  }
0x9d: {  	s7 =	sshra.s32 s31, $0x2  }
0x9e: {  	[tilespmem:s18], [sflag:$0x2] =	stream.indirect.gather [hbm4b:s4+s17], $0x80, s7, s17, $0xb8;
	[tilespmem:$0x1EA00] =	vst v63  }
0x9f: {  	_ = 	snop  }
0xa0: {  	[tilespmem:s19], [sflag:$0x1] =	stream.linear.gather [hbm4b:s1+s3], $0x40, $0x38;
	[tilespmem:$0x1EA00] =	vst v63  }
0xa1: {  	s8 =	sadd.s32 $0x40, s7  }
0xa2: {  	[tilespmem:s20], [sflag:$0x2] =	stream.indirect.gather [hbm4b:s4+s17], $0x80, s8, s17, $0xb8;
	[tilespmem:$0x1EA00] =	vst v63  }
0xa3: {  	_ = 	snop  }
0xa4: {  	[tilespmem:s21], [sflag:$0x1] =	stream.linear.gather [hbm4b:s5+s3], $0x40, $0x38;
	[tilespmem:$0x1EA00] =	vst v63  }
0xa5: {  	s9 =	sadd.s32 $0x80, s7  }
0xa6: {  	[tilespmem:s22], [sflag:$0x2] =	stream.indirect.gather [hbm4b:s4+s17], $0x80, s9, s17, $0xb8;
	[tilespmem:$0x1EA00] =	vst v63  }
0xa7: {  	_ = 	snop  }
0xa8: {  	[tilespmem:s23], [sflag:$0x1] =	stream.linear.gather [hbm4b:s30+s3], $0x40, $0x38;
	[tilespmem:$0x1EA00] =	vst v63  }
0xa9: {  	s0 =	sadd.s32 $0xC0, s7  }
0xaa: {  	[tilespmem:s24], [sflag:$0x2] =	stream.indirect.gather [hbm4b:s4+s17], $0x80, s0, s17, $0xb8;
	[tilespmem:$0x1EA00] =	vst v63  }
0xab: {  	_ =	swait.ge [sflag:s25], $0x40  }
0xac: {  	[sflag:s25] =	ssyncset.done $0x0  }
0xad: {  	[sflag:s25] =	ssyncadd.s32 $0xFFFFFFC0  }
0xae: {  	_ =	swait.ge [sflag:s26], $0x2000  }
0xaf: {  	[sflag:s26] =	ssyncset.done $0x0  }
0xb0: {  	[sflag:s26] =	ssyncadd.s32 $0xFFFFE000  }
0xb1: {  	[spmem:s2] =	stream.indirect.scatter.add.f32 [tilespmem:s18], [sflag:$0x3], $0x80, s16, s17, $0xb8;
	[tilespmem:$0x1EA00] =	vst v63  }
0xb2: {  	_ =	swait.ge [sflag:s25], $0x40  }
0xb3: {  	[sflag:s25] =	ssyncset.done $0x0  }
0xb4: {  	[sflag:s25] =	ssyncadd.s32 $0xFFFFFFC0  }
0xb5: {  	_ =	swait.ge [sflag:s26], $0x2000  }
0xb6: {  	[sflag:s26] =	ssyncset.done $0x0  }
0xb7: {  	[sflag:s26] =	ssyncadd.s32 $0xFFFFE000  }
0xb8: {  	[spmem:s2] =	stream.indirect.scatter.add.f32 [tilespmem:s20], [sflag:$0x3], $0x80, s19, s17, $0xb8;
	[tilespmem:$0x1EA00] =	vst v63  }
0xb9: {  	_ =	swait.ge [sflag:s25], $0x40  }
0xba: {  	[sflag:s25] =	ssyncset.done $0x0  }
0xbb: {  	[sflag:s25] =	ssyncadd.s32 $0xFFFFFFC0  }
0xbc: {  	_ =	swait.ge [sflag:s26], $0x2000  }
0xbd: {  	[sflag:s26] =	ssyncset.done $0x0  }
0xbe: {  	[sflag:s26] =	ssyncadd.s32 $0xFFFFE000  }
0xbf: {  	[spmem:s2] =	stream.indirect.scatter.add.f32 [tilespmem:s22], [sflag:$0x3], $0x80, s21, s17, $0xb8;
	[tilespmem:$0x1EA00] =	vst v63  }
0xc0: {  	_ =	swait.ge [sflag:s25], $0x40  }
0xc1: {  	[sflag:s25] =	ssyncset.done $0x0  }
0xc2: {  	[sflag:s25] =	ssyncadd.s32 $0xFFFFFFC0  }
0xc3: {  	_ =	swait.ge [sflag:s26], $0x2000  }
0xc4: {  	[sflag:s26] =	ssyncset.done $0x0  }
0xc5: {  	[sflag:s26] =	ssyncadd.s32 $0xFFFFE000  }
0xc6: {  	[spmem:s2] =	stream.indirect.scatter.add.f32 [tilespmem:s24], [sflag:$0x3], $0x80, s23, s17, $0xb8;
	[tilespmem:$0x1EA00] =	vst v63  }
0xc7: {  	_ =	swait.ge [sflag:s28], $0x2000  }
0xc8: {  	[sflag:s28] =	ssyncset.done $0x0  }
0xc9: {  	[sflag:s28] =	ssyncadd.s32 $0xFFFFE000  }
0xca: {  	_ =	swait.ge [sflag:s28], $0x2000  }
0xcb: {  	[sflag:s28] =	ssyncset.done $0x0  }
0xcc: {  	[sflag:s28] =	ssyncadd.s32 $0xFFFFE000  }
0xcd: {  	_ =	swait.ge [sflag:s28], $0x2000  }
0xce: {  	[sflag:s28] =	ssyncset.done $0x0  }
0xcf: {  	[sflag:s28] =	ssyncadd.s32 $0xFFFFE000  }
0xd0: {  	_ =	swait.ge [sflag:s28], $0x2000  }
0xd1: {  	[sflag:s28] =	ssyncset.done $0x0  }
0xd2: {  	[sflag:s28] =	ssyncadd.s32 $0xFFFFE000  }
0xd3: {  	[bflag:$0x0] =	sbarrier.arrive $0xFFFF  }
0xd4: {  	s30 =	rddreg [dreg:$0x5]  }
0xd5: {  	[hbm:s30], [sflag:s6] =	dma.local [spmem:s14], $0x2800  }
0xd6: {  	_ =	swait.ge [sflag:s15], $0x2800  }
0xd7: {  	s29 =	sadd.s32 $0x1, s29;
	s31 =	rddreg [dreg:$0x6]  }
0xd8: {  	p0 =	sne.s32 s29, s31  }
.Ltmp1:
0xd9: {  	_ = 	snop;
	(pc) =	sbr.rel @p0 .LBB2_1-.Ltmp1, $3  }
0xda: {  	_ =	sdelay $0x1  }
0xdb: {  	[sflag:s15] =	ssyncset.done $0x0  }
0xdc: {  	[sflag:s15] =	ssyncadd.s32 $0xFFFFD800  }
0xdd: {  	_ =	sfence.sel $0x180000  }
0xde: {  	[bflag:$0x0] =	sbarrier.arrive $0xFFFF  }
0xdf: {  	_ =	strace $0x90000050  }
0xe0: {  	s0 =	stileid.u32;
	[bflag:$0x2] =	sbarrier.arrive $0xFFFF  }
0xe1: {  	p0 =	sne.s32 s0, $0x0;
	s0 =	rddreg [dreg:$0x2]  }
0xe2: {  	s0 =	sadd.s32 @!p0 $0x100000, s0  }
0xe3: {  	[sflag:s0] =	ssyncadd.tile.s32 @!p0 $0x1;
	_ =	shalt  }
.Lfunc_end2:
_tile_overlayer_lowered:
.L_overlay_start_2:
0xe4: {  	(tag) =	ssettag $0x2  }
0xe5: {  	s0 =	rddreg [dreg:$0x0];
	s2 =	stileid.u32  }
0xe6: {  	s1 =	rddreg [dreg:$0x1];
	p0 =	sne.s32 s2, $0x0  }
0xe7: {  	s3 =	rddreg [dreg:$0x2];
	[bflag:$0x3] =	sbarrier.arrive $0xFFFF;
	s2 =	simm.s32 @!p0 $0x1C04  }
0xe8: {  	[timem:s3], [sflag:s2] =	dma.local @!p0 [hbm:s0], s1  }
0xe9: {  	s0 =	simm.s32 @!p0 $0x4  }
0xea: {  	_ =	swait.ge @!p0 [sflag:s0], s1  }
0xeb: {  	s1 =	ssub.s32 @!p0 $0x0, s1;
	[sflag:s0] =	ssyncset.done @!p0 $0x0  }
0xec: {  	[sflag:s0] =	ssyncadd.s32 @!p0 s1  }
0xed: {  	[bflag:$0x3] =	sbarrier.arrive $0xFFFF  }
0xee: {  	_ =	shalt  }

</sc_bundles>
